<compile_context>
chip_gen: v7x
topology: tpu7x:2x2x1
jax: 0.10.2.dev20260603
libtpu: 0.0.44.dev20260713+nightly
codegen_flags: <defaults>
</compile_context>

<pallas_src>
import functools

import jax
import jax.numpy as jnp
import numpy as np
from jax import lax
from jax.experimental import pallas as pl
from jax.experimental.pallas import tpu as pltpu
from jax.experimental.pallas import tpu_sc as plsc

N = 10000
NP = 10240
E = 320000
D = 128
DH = D // 2
NC = 2
NS = 16
NW = NC * NS
CH = 128

NCH0 = 80
EP0 = NW * NCH0 * CH
TRASH0 = N + 16
RPT0 = NP // NS

NCH1 = 158
EP1 = NS * NCH1 * CH
HB = NP // NC
ACC_R = HB + 128
RPT1 = HB // NS

_mesh = plsc.VectorSubcoreMesh(core_axis_name="c", subcore_axis_name="s")


@functools.partial(
    pl.kernel,
    out_type=jax.ShapeDtypeStruct((NC, NP), jnp.float32),
    mesh=_mesh,
    scratch_types=[
        pltpu.VMEM((NCH0, CH), jnp.int32),
        pltpu.VMEM((CH,), jnp.float32),
        pltpu.VMEM((RPT0,), jnp.float32),
        pltpu.VMEM_SHARED((NP,), jnp.float32),
    ],
)
def _deg_kernel(dst_hbm, out_hbm, idx_v, ones_v, stage_v, deg_sp):
    c = lax.axis_index("c")
    s = lax.axis_index("s")
    w = c * NS + s

    def fill_ones(i, carry):
        ones_v[pl.ds(i * 16, 16)] = jnp.ones((16,), jnp.float32)
        return carry

    lax.fori_loop(0, CH // 16, fill_ones, 0)

    def fill_zero(i, carry):
        stage_v[pl.ds(i * 16, 16)] = jnp.zeros((16,), jnp.float32)
        return carry

    lax.fori_loop(0, RPT0 // 16, fill_zero, 0)

    pltpu.sync_copy(stage_v, deg_sp.at[pl.ds(s * RPT0, RPT0)])
    pltpu.sync_copy(dst_hbm.at[w], idx_v)
    plsc.subcore_barrier()

    def chunk(j, carry):
        pltpu.sync_copy(ones_v, deg_sp.at[idx_v.at[j]], add=True)
        return carry

    lax.fori_loop(0, NCH0, chunk, 0)

    plsc.subcore_barrier()
    pltpu.sync_copy(deg_sp.at[pl.ds(s * RPT0, RPT0)], stage_v)
    pltpu.sync_copy(stage_v, out_hbm.at[c, pl.ds(s * RPT0, RPT0)])


@functools.partial(
    pl.kernel,
    out_type=jax.ShapeDtypeStruct((NC, HB // 2, D), jnp.int32),
    mesh=_mesh,
    scratch_types=[
        pltpu.VMEM((NCH1, CH), jnp.int32),
        pltpu.VMEM((NCH1, CH), jnp.int32),
        pltpu.VMEM((CH, D), jnp.float32),
        pltpu.VMEM((CH, D), jnp.float32),
        pltpu.VMEM((CH // 2, D), jnp.int32),
        pltpu.VMEM_SHARED((ACC_R, D), jnp.float32),
        pltpu.SemaphoreType.DMA,
        pltpu.SemaphoreType.DMA,
    ],
)
def _agg_kernel(src_hbm, dstl_hbm, hnp_hbm, out_hbm,
                srcv, dstv, buf0, buf1, pbuf, agg_sp, sem0, sem1):
    c = lax.axis_index("c")
    s = lax.axis_index("s")

    pltpu.sync_copy(src_hbm.at[s], srcv)
    pltpu.sync_copy(dstl_hbm.at[c, s], dstv)

    def zrow(r, carry):
        def zcol(k, inner):
            buf0[r, pl.ds(k * 16, 16)] = jnp.zeros((16,), jnp.float32)
            return inner

        lax.fori_loop(0, D // 16, zcol, 0)
        return carry

    lax.fori_loop(0, CH, zrow, 0)
    pltpu.sync_copy(buf0, agg_sp.at[pl.ds(s * RPT1, CH)])
    pltpu.sync_copy(buf0, agg_sp.at[pl.ds(s * RPT1 + CH, CH)])
    pltpu.sync_copy(buf0.at[pl.ds(0, RPT1 - 2 * CH)],
                    agg_sp.at[pl.ds(s * RPT1 + 2 * CH, RPT1 - 2 * CH)])
    plsc.subcore_barrier()

    pltpu.async_copy(hnp_hbm.at[srcv.at[0]], buf0, sem0)

    def pair(p, carry):
        j0 = p * 2
        pltpu.make_async_copy(hnp_hbm.at[srcv.at[j0]], buf0, sem0).wait()
        pltpu.async_copy(hnp_hbm.at[srcv.at[j0 + 1]], buf1, sem1)
        pltpu.sync_copy(buf0, agg_sp.at[dstv.at[j0]], add=True)
        pltpu.make_async_copy(
            hnp_hbm.at[srcv.at[j0 + 1]], buf1, sem1).wait()

        @pl.when(p + 1 < NCH1 // 2)
        def _():
            pltpu.async_copy(hnp_hbm.at[srcv.at[j0 + 2]], buf0, sem0)

        pltpu.sync_copy(buf1, agg_sp.at[dstv.at[j0 + 1]], add=True)
        return carry

    lax.fori_loop(0, NCH1 // 2, pair, 0)

    plsc.subcore_barrier()

    buf0i = buf0.bitcast(jnp.int32)

    for off, nrows in ((0, CH), (CH, CH), (2 * CH, RPT1 - 2 * CH)):
        pltpu.sync_copy(
            agg_sp.at[pl.ds(s * RPT1 + off, nrows)],
            buf0.at[pl.ds(0, nrows)])

        def prow(r, carry):
            for half in range(2):
                for g in range(4):
                    ai = buf0i[2 * r + half, pl.ds(32 * g, 16)]
                    bi = buf0i[2 * r + half, pl.ds(32 * g + 16, 16)]
                    ar = ai + 0x7FFF + ((ai >> 16) & 1)
                    br = bi + 0x7FFF + ((bi >> 16) & 1)
                    w = ((ar >> 16) & 0xFFFF) | (br & jnp.int32(-65536))
                    pbuf[r, pl.ds(64 * half + 16 * g, 16)] = w
            return carry

        lax.fori_loop(0, nrows // 2, prow, 0)
        pltpu.sync_copy(
            pbuf.at[pl.ds(0, nrows // 2)],
            out_hbm.at[c, pl.ds(s * (RPT1 // 2) + off // 2, nrows // 2)])


BLK = 1024


def _dense_body(x_ref, w_ref, wp_ref, dp_ref, hn_ref, hnp_ref):
    deg = dp_ref[0, :] + dp_ref[1, :] + 1.0
    dinv = lax.rsqrt(deg)
    h = jnp.dot(x_ref[...], w_ref[...], preferred_element_type=jnp.float32)
    hn_ref[...] = h * dinv[:, None]
    hp = jnp.dot(x_ref[...], wp_ref[...], preferred_element_type=jnp.float32)
    hnp_ref[...] = hp * dinv[:, None]


_dense = pl.pallas_call(
    _dense_body,
    grid=(NP // BLK,),
    in_specs=[
        pl.BlockSpec((BLK, D), lambda i: (i, 0)),
        pl.BlockSpec((D, D), lambda i: (0, 0)),
        pl.BlockSpec((D, D), lambda i: (0, 0)),
        pl.BlockSpec((NC, BLK), lambda i: (0, i)),
    ],
    out_specs=[
        pl.BlockSpec((BLK, D), lambda i: (i, 0)),
        pl.BlockSpec((BLK, D), lambda i: (i, 0)),
    ],
    out_shape=[
        jax.ShapeDtypeStruct((NP, D), jnp.float32),
        jax.ShapeDtypeStruct((NP, D), jnp.float32),
    ],
)


def _final_body(a_ref, hn_ref, dp_ref, b_ref, o_ref):
    deg = dp_ref[0, :] + dp_ref[1, :] + 1.0
    dinv = lax.rsqrt(deg)
    ai = a_ref[0]
    lo = lax.bitcast_convert_type(ai << 16, jnp.float32)
    hi = lax.bitcast_convert_type(ai & jnp.int32(-65536), jnp.float32)
    even = jnp.concatenate([lo[:, :DH], hi[:, :DH]], axis=-1)
    odd = jnp.concatenate([lo[:, DH:], hi[:, DH:]], axis=-1)
    agg = jnp.stack([even, odd], axis=1).reshape(BLK, D)
    ssum = agg + hn_ref[...]
    o_ref[...] = jnp.maximum(ssum * dinv[:, None] + b_ref[...][None, :], 0.0)


_final = pl.pallas_call(
    _final_body,
    grid=(NP // BLK,),
    in_specs=[
        pl.BlockSpec((1, BLK // 2, D), lambda i: (i // (HB // BLK),
                                                  i % (HB // BLK), 0)),
        pl.BlockSpec((BLK, D), lambda i: (i, 0)),
        pl.BlockSpec((NC, BLK), lambda i: (0, i)),
        pl.BlockSpec((D,), lambda i: (0,)),
    ],
    out_specs=pl.BlockSpec((BLK, D), lambda i: (i, 0)),
    out_shape=jax.ShapeDtypeStruct((NP, D), jnp.float32),
)

_PI = np.zeros((D,), dtype=np.int32)
for _g in range(4):
    for _i in range(16):
        _PI[32 * _g + _i] = 16 * _g + _i
        _PI[32 * _g + 16 + _i] = 64 + 16 * _g + _i


def kernel(x, index, W, b):
    idx32 = index.astype(jnp.int32)
    src = idx32[0]
    dst = idx32[1]

    dst0 = jnp.concatenate(
        [dst, jnp.full((EP0 - E,), TRASH0, jnp.int32)]).reshape(NW, NCH0, CH)

    src1 = jnp.concatenate(
        [src, jnp.zeros((EP1 - E,), jnp.int32)]).reshape(NS, NCH1, CH)
    dstp = jnp.concatenate([dst, jnp.full((EP1 - E,), -1, jnp.int32)])
    trash = HB + (jnp.arange(EP1, dtype=jnp.int32) % 128)
    los = jnp.arange(NC, dtype=jnp.int32) * HB
    local = dstp[None, :] - los[:, None]
    dstl = jnp.where((local >= 0) & (local < HB), local,
                     trash[None, :]).reshape(NC, NS, NCH1, CH)

    xp = jnp.pad(x, ((0, NP - N), (0, 0)))
    Wp = W[:, _PI]

    degp = _deg_kernel(dst0)
    hn, hnp = _dense(xp, W, Wp, degp)
    agg = _agg_kernel(src1, dstl, hnp)
    out = _final(agg, hn, degp, b)
    return (out[:N], index)

# --- scband reference (transcript-rebuilt; emitter-appended) ---
"""Pipeline reference for scband-graph-layer-70746701300368 (READ-ONLY COPY).

The authoritative reference and input builder live on the scoring server;
editing this copy changes nothing except your own understanding.
"""

import jax, jax.numpy as jnp
import numpy as np

N = 10000
E = 320000
D = 128

def setup_inputs(seed: int = 0) -> dict:
    key = jax.random.key(seed)
    k1, k2, k3 = jax.random.split(key, 3)
    x = jax.random.normal(k1, (N, D), dtype=jnp.float32)
    index = jax.random.randint(k2, (2, E), 0, N, dtype=jnp.int64)
    W = jax.random.normal(k3, (D, D), dtype=jnp.float32) * 0.05
    b = jnp.zeros((D,), dtype=jnp.float32)
    return {"x": x, "index": index, "W": W, "b": b}

def _gcn_conv(x, edge_index, W, b):
    # GCNConv with self-loops and symmetric degree normalization
    n = x.shape[0]
    loop = jnp.arange(n, dtype=edge_index.dtype)
    src = jnp.concatenate([edge_index[0], loop])
    dst = jnp.concatenate([edge_index[1], loop])
    deg = jnp.zeros((n,), dtype=x.dtype).at[dst].add(jnp.ones_like(dst, dtype=x.dtype))
    deg_inv_sqrt = jnp.where(deg > 0, jax.lax.rsqrt(deg), 0.0)
    norm = deg_inv_sqrt[src] * deg_inv_sqrt[dst]
    # linear transform first (x @ W), then gather, scale, scatter-add
    h = x @ W
    msg = h[src] * norm[:, None]
    agg = jnp.zeros((n, h.shape[1]), dtype=h.dtype).at[dst].add(msg)
    return agg + b

def reference(x, index, W, b):
    # GraphLayer.forward: batch, index = x (tuple); need_index=True -> layer(batch, index)
    output = _gcn_conv(x, index, W, b)
    # activation = relu
    output = jax.nn.relu(output)
    # batch_normalization=False, dropout=0
    return (output, index)

if __name__ == "__main__":
    import jax
    _d = setup_inputs()
    print(jax.jit(kernel)(*tuple(_d.values())))

</pallas_src>

<mosaic_0001>
#map = affine_map<(d0, d1) -> (0, 0, 0)>
#map1 = affine_map<(d0, d1) -> (0, 0, 0, 0)>
#map2 = affine_map<(d0, d1) -> (0, 0)>
module attributes {stable_mosaic.version = 14 : i64} {
  func.func @_agg_kernel(%arg0: i32, %arg1: i32, %arg2: memref<16x158x128xi32, #tpu.memory_space<hbm>>, %arg3: memref<2x16x158x128xi32, #tpu.memory_space<hbm>>, %arg4: memref<10240x128xf32, #tpu.memory_space<hbm>>, %arg5: memref<2x2560x128xi32, #tpu.memory_space<hbm>>, %arg6: memref<158x128xi32, #tpu.memory_space<vmem>>, %arg7: memref<158x128xi32, #tpu.memory_space<vmem>>, %arg8: memref<128x128xf32, #tpu.memory_space<vmem>>, %arg9: memref<128x128xf32, #tpu.memory_space<vmem>>, %arg10: memref<64x128xi32, #tpu.memory_space<vmem>>, %arg11: memref<5248x128xf32, #tpu.memory_space<vmem_shared>>, %arg12: memref<!tpu.dma_semaphore, #tpu.memory_space<semaphore_mem>>, %arg13: memref<!tpu.dma_semaphore, #tpu.memory_space<semaphore_mem>>) attributes {dimension_semantics = [#tpu.dimension_semantics<core_parallel>, #tpu.dimension_semantics<subcore_parallel>], iteration_bounds = array<i64: 2, 16>, scalar_prefetch = 0 : i64, scratch_operands = 8 : i64, tpu.core_type = #tpu.core_type<sc_vector_subcore>, window_params = [{transform_indices = #map}, {transform_indices = #map1}, {transform_indices = #map2}, {transform_indices = #map}]} {
    "tpu.region"() ({
      %run_scoped3A = tpu.sem_alloc : memref<!tpu.dma_semaphore, #tpu.memory_space<semaphore_mem>>
      %dma_start3A_68 = arith.constant 0 : i32
      %dma_start3A_69 = arith.constant 0 : i32
      %dma_start3A_70 = tpu.memref_slice %arg2[%arg1, %dma_start3A_68, %dma_start3A_69] : memref<16x158x128xi32, #tpu.memory_space<hbm>> -> memref<1x158x128xi32, #tpu.memory_space<hbm>>
      %dma_start3A_71 = tpu.memref_squeeze %dma_start3A_70 : memref<1x158x128xi32, #tpu.memory_space<hbm>> -> memref<158x128xi32, #tpu.memory_space<hbm>>
      %dma_start3A_72 = arith.constant 0 : i32
      %dma_start3A_73 = arith.constant 0 : i32
      %dma_start3A_74 = tpu.memref_slice %arg2[%arg1, %dma_start3A_72, %dma_start3A_73] : memref<16x158x128xi32, #tpu.memory_space<hbm>> -> memref<1x158x128xi32, #tpu.memory_space<hbm>>
      %dma_start3A_75 = tpu.memref_squeeze %dma_start3A_74 : memref<1x158x128xi32, #tpu.memory_space<hbm>> -> memref<158x128xi32, #tpu.memory_space<hbm>>
      tpu.enqueue_dma source(%dma_start3A_75 : memref<158x128xi32, #tpu.memory_space<hbm>>) target(%arg6 : memref<158x128xi32, #tpu.memory_space<vmem>>) target_semaphore(%run_scoped3A : memref<!tpu.dma_semaphore, #tpu.memory_space<semaphore_mem>>)
      %dma_wait3A = arith.constant 0 : i32
      %dma_wait3A_76 = arith.constant 0 : i32
      %dma_wait3A_77 = tpu.memref_slice %arg2[%arg1, %dma_wait3A, %dma_wait3A_76] : memref<16x158x128xi32, #tpu.memory_space<hbm>> -> memref<1x158x128xi32, #tpu.memory_space<hbm>>
      %dma_wait3A_78 = tpu.memref_squeeze %dma_wait3A_77 : memref<1x158x128xi32, #tpu.memory_space<hbm>> -> memref<158x128xi32, #tpu.memory_space<hbm>>
      %dma_wait3A_79 = arith.constant 0 : i32
      %dma_wait3A_80 = arith.constant 0 : i32
      %dma_wait3A_81 = tpu.memref_slice %arg2[%arg1, %dma_wait3A_79, %dma_wait3A_80] : memref<16x158x128xi32, #tpu.memory_space<hbm>> -> memref<1x158x128xi32, #tpu.memory_space<hbm>>
      %dma_wait3A_82 = tpu.memref_squeeze %dma_wait3A_81 : memref<1x158x128xi32, #tpu.memory_space<hbm>> -> memref<158x128xi32, #tpu.memory_space<hbm>>
      tpu.wait_dma2 semaphore(%run_scoped3A : memref<!tpu.dma_semaphore, #tpu.memory_space<semaphore_mem>>) src(%dma_wait3A_82 : memref<158x128xi32, #tpu.memory_space<hbm>>) dst(%arg6 : memref<158x128xi32, #tpu.memory_space<vmem>>)
      tpu.yield
    }) : () -> ()
    "tpu.region"() ({
      %run_scoped3A = tpu.sem_alloc : memref<!tpu.dma_semaphore, #tpu.memory_space<semaphore_mem>>
      %dma_start3A_68 = arith.constant 0 : i32
      %dma_start3A_69 = arith.constant 0 : i32
      %dma_start3A_70 = tpu.memref_slice %arg3[%arg0, %arg1, %dma_start3A_68, %dma_start3A_69] : memref<2x16x158x128xi32, #tpu.memory_space<hbm>> -> memref<1x1x158x128xi32, #tpu.memory_space<hbm>>
      %dma_start3A_71 = tpu.memref_squeeze %dma_start3A_70 : memref<1x1x158x128xi32, #tpu.memory_space<hbm>> -> memref<158x128xi32, #tpu.memory_space<hbm>>
      %dma_start3A_72 = arith.constant 0 : i32
      %dma_start3A_73 = arith.constant 0 : i32
      %dma_start3A_74 = tpu.memref_slice %arg3[%arg0, %arg1, %dma_start3A_72, %dma_start3A_73] : memref<2x16x158x128xi32, #tpu.memory_space<hbm>> -> memref<1x1x158x128xi32, #tpu.memory_space<hbm>>
      %dma_start3A_75 = tpu.memref_squeeze %dma_start3A_74 : memref<1x1x158x128xi32, #tpu.memory_space<hbm>> -> memref<158x128xi32, #tpu.memory_space<hbm>>
      tpu.enqueue_dma source(%dma_start3A_75 : memref<158x128xi32, #tpu.memory_space<hbm>>) target(%arg7 : memref<158x128xi32, #tpu.memory_space<vmem>>) target_semaphore(%run_scoped3A : memref<!tpu.dma_semaphore, #tpu.memory_space<semaphore_mem>>)
      %dma_wait3A = arith.constant 0 : i32
      %dma_wait3A_76 = arith.constant 0 : i32
      %dma_wait3A_77 = tpu.memref_slice %arg3[%arg0, %arg1, %dma_wait3A, %dma_wait3A_76] : memref<2x16x158x128xi32, #tpu.memory_space<hbm>> -> memref<1x1x158x128xi32, #tpu.memory_space<hbm>>
      %dma_wait3A_78 = tpu.memref_squeeze %dma_wait3A_77 : memref<1x1x158x128xi32, #tpu.memory_space<hbm>> -> memref<158x128xi32, #tpu.memory_space<hbm>>
      %dma_wait3A_79 = arith.constant 0 : i32
      %dma_wait3A_80 = arith.constant 0 : i32
      %dma_wait3A_81 = tpu.memref_slice %arg3[%arg0, %arg1, %dma_wait3A_79, %dma_wait3A_80] : memref<2x16x158x128xi32, #tpu.memory_space<hbm>> -> memref<1x1x158x128xi32, #tpu.memory_space<hbm>>
      %dma_wait3A_82 = tpu.memref_squeeze %dma_wait3A_81 : memref<1x1x158x128xi32, #tpu.memory_space<hbm>> -> memref<158x128xi32, #tpu.memory_space<hbm>>
      tpu.wait_dma2 semaphore(%run_scoped3A : memref<!tpu.dma_semaphore, #tpu.memory_space<semaphore_mem>>) src(%dma_wait3A_82 : memref<158x128xi32, #tpu.memory_space<hbm>>) dst(%arg7 : memref<158x128xi32, #tpu.memory_space<vmem>>)
      tpu.yield
    }) : () -> ()
    %scan3A = arith.constant 0 : i32
    %scan3A_0 = arith.constant 0 : i32
    %scan3A_1 = arith.constant 128 : i32
    %scan3A_2 = arith.addi %scan3A_0, %scan3A_1 : i32
    %scan3A_3 = arith.constant 1 : i32
    scf.for %scan3A_68 = %scan3A_0 to %scan3A_2 step %scan3A_3  : i32 {
      %scan3A_69 = arith.constant 0 : i32
      %scan3A_70 = arith.constant 0 : i32
      %scan3A_71 = arith.constant 8 : i32
      %scan3A_72 = arith.addi %scan3A_70, %scan3A_71 : i32
      %scan3A_73 = arith.constant 1 : i32
      scf.for %scan3A_75 = %scan3A_70 to %scan3A_72 step %scan3A_73  : i32 {
        %broadcast_in_dim3A = arith.constant 0.000000e+00 : f32
        %broadcast_in_dim3A_76 = vector.broadcast %broadcast_in_dim3A : f32 to vector<16xf32>
        %mul3A_77 = arith.constant 16 : i32
        %mul3A_78 = arith.muli %scan3A_75, %mul3A_77 : i32
        %swap3A = arith.index_cast %scan3A_68 : i32 to index
        %swap3A_79 = arith.index_cast %mul3A_78 : i32 to index
        %swap3A_80 = tpu.vector_load %arg8[%swap3A, %swap3A_79] {strides = array<i32>} : memref<128x128xf32, #tpu.memory_space<vmem>>, vector<1x16xf32>,
        %swap3A_81 = vector.shape_cast %swap3A_80 : vector<1x16xf32> to vector<16xf32>
        %swap3A_82 = vector.shape_cast %broadcast_in_dim3A_76 : vector<16xf32> to vector<1x16xf32>
        tpu.vector_store %arg8[%swap3A, %swap3A_79], %swap3A_82 {strides = array<i32>} : memref<128x128xf32, #tpu.memory_space<vmem>>, vector<1x16xf32>,
      }
      %scan3A_74 = arith.constant 8 : i32
    }
    %scan3A_4 = arith.constant 128 : i32
    %mul3A = arith.constant 320 : i32
    %mul3A_5 = arith.muli %arg1, %mul3A : i32
    "tpu.region"() ({
      %run_scoped3A = tpu.sem_alloc : memref<!tpu.dma_semaphore, #tpu.memory_space<semaphore_mem>>
      %dma_start3A_68 = arith.constant 0 : i32
      %dma_start3A_69 = tpu.memref_slice %arg11[%mul3A_5, %dma_start3A_68] : memref<5248x128xf32, #tpu.memory_space<vmem_shared>> -> memref<128x128xf32, #tpu.memory_space<vmem_shared>>
      %dma_start3A_70 = arith.constant 0 : i32
      %dma_start3A_71 = tpu.memref_slice %arg11[%mul3A_5, %dma_start3A_70] : memref<5248x128xf32, #tpu.memory_space<vmem_shared>> -> memref<128x128xf32, #tpu.memory_space<vmem_shared>>
      tpu.enqueue_dma source(%arg8 : memref<128x128xf32, #tpu.memory_space<vmem>>) target(%dma_start3A_71 : memref<128x128xf32, #tpu.memory_space<vmem_shared>>) target_semaphore(%run_scoped3A : memref<!tpu.dma_semaphore, #tpu.memory_space<semaphore_mem>>)
      %dma_wait3A = arith.constant 0 : i32
      %dma_wait3A_72 = tpu.memref_slice %arg11[%mul3A_5, %dma_wait3A] : memref<5248x128xf32, #tpu.memory_space<vmem_shared>> -> memref<128x128xf32, #tpu.memory_space<vmem_shared>>
      %dma_wait3A_73 = arith.constant 0 : i32
      %dma_wait3A_74 = tpu.memref_slice %arg11[%mul3A_5, %dma_wait3A_73] : memref<5248x128xf32, #tpu.memory_space<vmem_shared>> -> memref<128x128xf32, #tpu.memory_space<vmem_shared>>
      tpu.wait_dma2 semaphore(%run_scoped3A : memref<!tpu.dma_semaphore, #tpu.memory_space<semaphore_mem>>) src(%arg8 : memref<128x128xf32, #tpu.memory_space<vmem>>) dst(%dma_wait3A_74 : memref<128x128xf32, #tpu.memory_space<vmem_shared>>)
      tpu.yield
    }) : () -> ()
    %mul3A_6 = arith.constant 320 : i32
    %mul3A_7 = arith.muli %arg1, %mul3A_6 : i32
    %add3A = arith.constant 128 : i32
    %add3A_8 = arith.addi %mul3A_7, %add3A : i32
    "tpu.region"() ({
      %run_scoped3A = tpu.sem_alloc : memref<!tpu.dma_semaphore, #tpu.memory_space<semaphore_mem>>
      %dma_start3A_68 = arith.constant 0 : i32
      %dma_start3A_69 = tpu.memref_slice %arg11[%add3A_8, %dma_start3A_68] : memref<5248x128xf32, #tpu.memory_space<vmem_shared>> -> memref<128x128xf32, #tpu.memory_space<vmem_shared>>
      %dma_start3A_70 = arith.constant 0 : i32
      %dma_start3A_71 = tpu.memref_slice %arg11[%add3A_8, %dma_start3A_70] : memref<5248x128xf32, #tpu.memory_space<vmem_shared>> -> memref<128x128xf32, #tpu.memory_space<vmem_shared>>
      tpu.enqueue_dma source(%arg8 : memref<128x128xf32, #tpu.memory_space<vmem>>) target(%dma_start3A_71 : memref<128x128xf32, #tpu.memory_space<vmem_shared>>) target_semaphore(%run_scoped3A : memref<!tpu.dma_semaphore, #tpu.memory_space<semaphore_mem>>)
      %dma_wait3A = arith.constant 0 : i32
      %dma_wait3A_72 = tpu.memref_slice %arg11[%add3A_8, %dma_wait3A] : memref<5248x128xf32, #tpu.memory_space<vmem_shared>> -> memref<128x128xf32, #tpu.memory_space<vmem_shared>>
      %dma_wait3A_73 = arith.constant 0 : i32
      %dma_wait3A_74 = tpu.memref_slice %arg11[%add3A_8, %dma_wait3A_73] : memref<5248x128xf32, #tpu.memory_space<vmem_shared>> -> memref<128x128xf32, #tpu.memory_space<vmem_shared>>
      tpu.wait_dma2 semaphore(%run_scoped3A : memref<!tpu.dma_semaphore, #tpu.memory_space<semaphore_mem>>) src(%arg8 : memref<128x128xf32, #tpu.memory_space<vmem>>) dst(%dma_wait3A_74 : memref<128x128xf32, #tpu.memory_space<vmem_shared>>)
      tpu.yield
    }) : () -> ()
    %mul3A_9 = arith.constant 320 : i32
    %mul3A_10 = arith.muli %arg1, %mul3A_9 : i32
    %add3A_11 = arith.constant 256 : i32
    %add3A_12 = arith.addi %mul3A_10, %add3A_11 : i32
    "tpu.region"() ({
      %run_scoped3A = tpu.sem_alloc : memref<!tpu.dma_semaphore, #tpu.memory_space<semaphore_mem>>
      %dma_start3A_68 = arith.constant 0 : i32
      %dma_start3A_69 = arith.constant 0 : i32
      %dma_start3A_70 = tpu.memref_slice %arg8[%dma_start3A_68, %dma_start3A_69] : memref<128x128xf32, #tpu.memory_space<vmem>> -> memref<64x128xf32, #tpu.memory_space<vmem>>
      %dma_start3A_71 = arith.constant 0 : i32
      %dma_start3A_72 = tpu.memref_slice %arg11[%add3A_12, %dma_start3A_71] : memref<5248x128xf32, #tpu.memory_space<vmem_shared>> -> memref<64x128xf32, #tpu.memory_space<vmem_shared>>
      %dma_start3A_73 = arith.constant 0 : i32
      %dma_start3A_74 = tpu.memref_slice %arg11[%add3A_12, %dma_start3A_73] : memref<5248x128xf32, #tpu.memory_space<vmem_shared>> -> memref<64x128xf32, #tpu.memory_space<vmem_shared>>
      %dma_start3A_75 = arith.constant 0 : i32
      %dma_start3A_76 = arith.constant 0 : i32
      %dma_start3A_77 = tpu.memref_slice %arg8[%dma_start3A_75, %dma_start3A_76] : memref<128x128xf32, #tpu.memory_space<vmem>> -> memref<64x128xf32, #tpu.memory_space<vmem>>
      tpu.enqueue_dma source(%dma_start3A_77 : memref<64x128xf32, #tpu.memory_space<vmem>>) target(%dma_start3A_74 : memref<64x128xf32, #tpu.memory_space<vmem_shared>>) target_semaphore(%run_scoped3A : memref<!tpu.dma_semaphore, #tpu.memory_space<semaphore_mem>>)
      %dma_wait3A = arith.constant 0 : i32
      %dma_wait3A_78 = arith.constant 0 : i32
      %dma_wait3A_79 = tpu.memref_slice %arg8[%dma_wait3A, %dma_wait3A_78] : memref<128x128xf32, #tpu.memory_space<vmem>> -> memref<64x128xf32, #tpu.memory_space<vmem>>
      %dma_wait3A_80 = arith.constant 0 : i32
      %dma_wait3A_81 = tpu.memref_slice %arg11[%add3A_12, %dma_wait3A_80] : memref<5248x128xf32, #tpu.memory_space<vmem_shared>> -> memref<64x128xf32, #tpu.memory_space<vmem_shared>>
      %dma_wait3A_82 = arith.constant 0 : i32
      %dma_wait3A_83 = tpu.memref_slice %arg11[%add3A_12, %dma_wait3A_82] : memref<5248x128xf32, #tpu.memory_space<vmem_shared>> -> memref<64x128xf32, #tpu.memory_space<vmem_shared>>
      %dma_wait3A_84 = arith.constant 0 : i32
      %dma_wait3A_85 = arith.constant 0 : i32
      %dma_wait3A_86 = tpu.memref_slice %arg8[%dma_wait3A_84, %dma_wait3A_85] : memref<128x128xf32, #tpu.memory_space<vmem>> -> memref<64x128xf32, #tpu.memory_space<vmem>>
      tpu.wait_dma2 semaphore(%run_scoped3A : memref<!tpu.dma_semaphore, #tpu.memory_space<semaphore_mem>>) src(%dma_wait3A_86 : memref<64x128xf32, #tpu.memory_space<vmem>>) dst(%dma_wait3A_83 : memref<64x128xf32, #tpu.memory_space<vmem_shared>>)
      tpu.yield
    }) : () -> ()
    %barrier3A = arith.constant 0 : index
    tpu.barrier barrier_id(%barrier3A)
    %dma_start3A = arith.constant 0 : i32
    %dma_start3A_13 = arith.constant 0 : i32
    %dma_start3A_14 = tpu.memref_slice %arg6[%dma_start3A, %dma_start3A_13] : memref<158x128xi32, #tpu.memory_space<vmem>> -> memref<1x128xi32, #tpu.memory_space<vmem>>
    %dma_start3A_15 = tpu.memref_squeeze %dma_start3A_14 : memref<1x128xi32, #tpu.memory_space<vmem>> -> memref<128xi32, #tpu.memory_space<vmem>>
    %dma_start3A_16 = arith.constant 0 : i32
    %dma_start3A_17 = arith.constant 0 : i32
    %dma_start3A_18 = tpu.memref_slice %arg4[%dma_start3A_16, %dma_start3A_17] : memref<10240x128xf32, #tpu.memory_space<hbm>> -> memref<10240x128xf32, #tpu.memory_space<hbm>>
    tpu.enqueue_indirect_dma source(%dma_start3A_18 : memref<10240x128xf32, #tpu.memory_space<hbm>>) target(%arg8 : memref<128x128xf32, #tpu.memory_space<vmem>>) offsets(%dma_start3A_15 : memref<128xi32, #tpu.memory_space<vmem>>) semaphore(%arg12 : memref<!tpu.dma_semaphore, #tpu.memory_space<semaphore_mem>>)
    %scan3A_19 = arith.constant 0 : i32
    %scan3A_20 = arith.constant 0 : i32
    %scan3A_21 = arith.constant 79 : i32
    %scan3A_22 = arith.addi %scan3A_20, %scan3A_21 : i32
    %scan3A_23 = arith.constant 1 : i32
    scf.for %scan3A_68 = %scan3A_20 to %scan3A_22 step %scan3A_23  : i32 {
      %mul3A_69 = arith.constant 2 : i32
      %mul3A_70 = arith.muli %scan3A_68, %mul3A_69 : i32
      %dma_wait3A = arith.constant 0 : i32
      %dma_wait3A_71 = tpu.memref_slice %arg6[%mul3A_70, %dma_wait3A] : memref<158x128xi32, #tpu.memory_space<vmem>> -> memref<1x128xi32, #tpu.memory_space<vmem>>
      %dma_wait3A_72 = tpu.memref_squeeze %dma_wait3A_71 : memref<1x128xi32, #tpu.memory_space<vmem>> -> memref<128xi32, #tpu.memory_space<vmem>>
      %dma_wait3A_73 = arith.constant 0 : i32
      %dma_wait3A_74 = arith.constant 0 : i32
      %dma_wait3A_75 = tpu.memref_slice %arg4[%dma_wait3A_73, %dma_wait3A_74] : memref<10240x128xf32, #tpu.memory_space<hbm>> -> memref<10240x128xf32, #tpu.memory_space<hbm>>
      tpu.wait_indirect_dma semaphore(%arg12 : memref<!tpu.dma_semaphore, #tpu.memory_space<semaphore_mem>>) src(%dma_wait3A_75 : memref<10240x128xf32, #tpu.memory_space<hbm>>) dst(%arg8 : memref<128x128xf32, #tpu.memory_space<vmem>>)
      %add3A_76 = arith.constant 1 : i32
      %add3A_77 = arith.addi %mul3A_70, %add3A_76 : i32
      %dma_start3A_78 = arith.constant 0 : i32
      %dma_start3A_79 = tpu.memref_slice %arg6[%add3A_77, %dma_start3A_78] : memref<158x128xi32, #tpu.memory_space<vmem>> -> memref<1x128xi32, #tpu.memory_space<vmem>>
      %dma_start3A_80 = tpu.memref_squeeze %dma_start3A_79 : memref<1x128xi32, #tpu.memory_space<vmem>> -> memref<128xi32, #tpu.memory_space<vmem>>
      %dma_start3A_81 = arith.constant 0 : i32
      %dma_start3A_82 = arith.constant 0 : i32
      %dma_start3A_83 = tpu.memref_slice %arg4[%dma_start3A_81, %dma_start3A_82] : memref<10240x128xf32, #tpu.memory_space<hbm>> -> memref<10240x128xf32, #tpu.memory_space<hbm>>
      tpu.enqueue_indirect_dma source(%dma_start3A_83 : memref<10240x128xf32, #tpu.memory_space<hbm>>) target(%arg9 : memref<128x128xf32, #tpu.memory_space<vmem>>) offsets(%dma_start3A_80 : memref<128xi32, #tpu.memory_space<vmem>>) semaphore(%arg13 : memref<!tpu.dma_semaphore, #tpu.memory_space<semaphore_mem>>)
      "tpu.region"() ({
        %run_scoped3A = tpu.sem_alloc : memref<!tpu.dma_semaphore, #tpu.memory_space<semaphore_mem>>
        %dma_start3A_98 = arith.constant 0 : i32
        %dma_start3A_99 = tpu.memref_slice %arg7[%mul3A_70, %dma_start3A_98] : memref<158x128xi32, #tpu.memory_space<vmem>> -> memref<1x128xi32, #tpu.memory_space<vmem>>
        %dma_start3A_100 = tpu.memref_squeeze %dma_start3A_99 : memref<1x128xi32, #tpu.memory_space<vmem>> -> memref<128xi32, #tpu.memory_space<vmem>>
        %dma_start3A_101 = arith.constant 0 : i32
        %dma_start3A_102 = arith.constant 0 : i32
        %dma_start3A_103 = tpu.memref_slice %arg11[%dma_start3A_101, %dma_start3A_102] : memref<5248x128xf32, #tpu.memory_space<vmem_shared>> -> memref<5248x128xf32, #tpu.memory_space<vmem_shared>>
        tpu.enqueue_indirect_dma source(%arg8 : memref<128x128xf32, #tpu.memory_space<vmem>>) target(%dma_start3A_103 : memref<5248x128xf32, #tpu.memory_space<vmem_shared>>) offsets(%dma_start3A_100 : memref<128xi32, #tpu.memory_space<vmem>>) semaphore(%run_scoped3A : memref<!tpu.dma_semaphore, #tpu.memory_space<semaphore_mem>>) {add = true}
        %dma_wait3A_104 = arith.constant 0 : i32
        %dma_wait3A_105 = tpu.memref_slice %arg7[%mul3A_70, %dma_wait3A_104] : memref<158x128xi32, #tpu.memory_space<vmem>> -> memref<1x128xi32, #tpu.memory_space<vmem>>
        %dma_wait3A_106 = tpu.memref_squeeze %dma_wait3A_105 : memref<1x128xi32, #tpu.memory_space<vmem>> -> memref<128xi32, #tpu.memory_space<vmem>>
        %dma_wait3A_107 = arith.constant 0 : i32
        %dma_wait3A_108 = arith.constant 0 : i32
        %dma_wait3A_109 = tpu.memref_slice %arg11[%dma_wait3A_107, %dma_wait3A_108] : memref<5248x128xf32, #tpu.memory_space<vmem_shared>> -> memref<5248x128xf32, #tpu.memory_space<vmem_shared>>
        tpu.wait_indirect_dma semaphore(%run_scoped3A : memref<!tpu.dma_semaphore, #tpu.memory_space<semaphore_mem>>) src(%arg8 : memref<128x128xf32, #tpu.memory_space<vmem>>) dst(%dma_wait3A_109 : memref<5248x128xf32, #tpu.memory_space<vmem_shared>>)
        tpu.yield
      }) : () -> ()
      %add3A_84 = arith.constant 1 : i32
      %add3A_85 = arith.addi %mul3A_70, %add3A_84 : i32
      %dma_wait3A_86 = arith.constant 0 : i32
      %dma_wait3A_87 = tpu.memref_slice %arg6[%add3A_85, %dma_wait3A_86] : memref<158x128xi32, #tpu.memory_space<vmem>> -> memref<1x128xi32, #tpu.memory_space<vmem>>
      %dma_wait3A_88 = tpu.memref_squeeze %dma_wait3A_87 : memref<1x128xi32, #tpu.memory_space<vmem>> -> memref<128xi32, #tpu.memory_space<vmem>>
      %dma_wait3A_89 = arith.constant 0 : i32
      %dma_wait3A_90 = arith.constant 0 : i32
      %dma_wait3A_91 = tpu.memref_slice %arg4[%dma_wait3A_89, %dma_wait3A_90] : memref<10240x128xf32, #tpu.memory_space<hbm>> -> memref<10240x128xf32, #tpu.memory_space<hbm>>
      tpu.wait_indirect_dma semaphore(%arg13 : memref<!tpu.dma_semaphore, #tpu.memory_space<semaphore_mem>>) src(%dma_wait3A_91 : memref<10240x128xf32, #tpu.memory_space<hbm>>) dst(%arg9 : memref<128x128xf32, #tpu.memory_space<vmem>>)
      %add3A_92 = arith.constant 1 : i32
      %add3A_93 = arith.addi %scan3A_68, %add3A_92 : i32
      %lt3A = arith.constant 79 : i32
      %lt3A_94 = arith.cmpi slt, %add3A_93, %lt3A : i32
      %convert_element_type3A = arith.extui %lt3A_94 : i1 to i32
      %cond3A = arith.constant 0 : i32
      %cond3A_95 = arith.cmpi ne, %convert_element_type3A, %cond3A : i32
      scf.if %cond3A_95 {
        %add3A_98 = arith.constant 2 : i32
        %add3A_99 = arith.addi %mul3A_70, %add3A_98 : i32
        %dma_start3A_100 = arith.constant 0 : i32
        %dma_start3A_101 = tpu.memref_slice %arg6[%add3A_99, %dma_start3A_100] : memref<158x128xi32, #tpu.memory_space<vmem>> -> memref<1x128xi32, #tpu.memory_space<vmem>>
        %dma_start3A_102 = tpu.memref_squeeze %dma_start3A_101 : memref<1x128xi32, #tpu.memory_space<vmem>> -> memref<128xi32, #tpu.memory_space<vmem>>
        %dma_start3A_103 = arith.constant 0 : i32
        %dma_start3A_104 = arith.constant 0 : i32
        %dma_start3A_105 = tpu.memref_slice %arg4[%dma_start3A_103, %dma_start3A_104] : memref<10240x128xf32, #tpu.memory_space<hbm>> -> memref<10240x128xf32, #tpu.memory_space<hbm>>
        tpu.enqueue_indirect_dma source(%dma_start3A_105 : memref<10240x128xf32, #tpu.memory_space<hbm>>) target(%arg8 : memref<128x128xf32, #tpu.memory_space<vmem>>) offsets(%dma_start3A_102 : memref<128xi32, #tpu.memory_space<vmem>>) semaphore(%arg12 : memref<!tpu.dma_semaphore, #tpu.memory_space<semaphore_mem>>)
      } else {
      }
      %add3A_96 = arith.constant 1 : i32
      %add3A_97 = arith.addi %mul3A_70, %add3A_96 : i32
      "tpu.region"() ({
        %run_scoped3A = tpu.sem_alloc : memref<!tpu.dma_semaphore, #tpu.memory_space<semaphore_mem>>
        %dma_start3A_98 = arith.constant 0 : i32
        %dma_start3A_99 = tpu.memref_slice %arg7[%add3A_97, %dma_start3A_98] : memref<158x128xi32, #tpu.memory_space<vmem>> -> memref<1x128xi32, #tpu.memory_space<vmem>>
        %dma_start3A_100 = tpu.memref_squeeze %dma_start3A_99 : memref<1x128xi32, #tpu.memory_space<vmem>> -> memref<128xi32, #tpu.memory_space<vmem>>
        %dma_start3A_101 = arith.constant 0 : i32
        %dma_start3A_102 = arith.constant 0 : i32
        %dma_start3A_103 = tpu.memref_slice %arg11[%dma_start3A_101, %dma_start3A_102] : memref<5248x128xf32, #tpu.memory_space<vmem_shared>> -> memref<5248x128xf32, #tpu.memory_space<vmem_shared>>
        tpu.enqueue_indirect_dma source(%arg9 : memref<128x128xf32, #tpu.memory_space<vmem>>) target(%dma_start3A_103 : memref<5248x128xf32, #tpu.memory_space<vmem_shared>>) offsets(%dma_start3A_100 : memref<128xi32, #tpu.memory_space<vmem>>) semaphore(%run_scoped3A : memref<!tpu.dma_semaphore, #tpu.memory_space<semaphore_mem>>) {add = true}
        %dma_wait3A_104 = arith.constant 0 : i32
        %dma_wait3A_105 = tpu.memref_slice %arg7[%add3A_97, %dma_wait3A_104] : memref<158x128xi32, #tpu.memory_space<vmem>> -> memref<1x128xi32, #tpu.memory_space<vmem>>
        %dma_wait3A_106 = tpu.memref_squeeze %dma_wait3A_105 : memref<1x128xi32, #tpu.memory_space<vmem>> -> memref<128xi32, #tpu.memory_space<vmem>>
        %dma_wait3A_107 = arith.constant 0 : i32
        %dma_wait3A_108 = arith.constant 0 : i32
        %dma_wait3A_109 = tpu.memref_slice %arg11[%dma_wait3A_107, %dma_wait3A_108] : memref<5248x128xf32, #tpu.memory_space<vmem_shared>> -> memref<5248x128xf32, #tpu.memory_space<vmem_shared>>
        tpu.wait_indirect_dma semaphore(%run_scoped3A : memref<!tpu.dma_semaphore, #tpu.memory_space<semaphore_mem>>) src(%arg9 : memref<128x128xf32, #tpu.memory_space<vmem>>) dst(%dma_wait3A_109 : memref<5248x128xf32, #tpu.memory_space<vmem_shared>>)
        tpu.yield
      }) : () -> ()
    }
    %scan3A_24 = arith.constant 79 : i32
    %barrier3A_25 = arith.constant 0 : index
    tpu.barrier barrier_id(%barrier3A_25)
    %mul3A_26 = arith.constant 320 : i32
    %mul3A_27 = arith.muli %arg1, %mul3A_26 : i32
    %add3A_28 = arith.constant 0 : i32
    %add3A_29 = arith.addi %mul3A_27, %add3A_28 : i32
    "tpu.region"() ({
      %run_scoped3A = tpu.sem_alloc : memref<!tpu.dma_semaphore, #tpu.memory_space<semaphore_mem>>
      %dma_start3A_68 = arith.constant 0 : i32
      %dma_start3A_69 = arith.constant 0 : i32
      %dma_start3A_70 = tpu.memref_slice %arg8[%dma_start3A_68, %dma_start3A_69] : memref<128x128xf32, #tpu.memory_space<vmem>> -> memref<128x128xf32, #tpu.memory_space<vmem>>
      %dma_start3A_71 = arith.constant 0 : i32
      %dma_start3A_72 = tpu.memref_slice %arg11[%add3A_29, %dma_start3A_71] : memref<5248x128xf32, #tpu.memory_space<vmem_shared>> -> memref<128x128xf32, #tpu.memory_space<vmem_shared>>
      %dma_start3A_73 = arith.constant 0 : i32
      %dma_start3A_74 = arith.constant 0 : i32
      %dma_start3A_75 = tpu.memref_slice %arg8[%dma_start3A_73, %dma_start3A_74] : memref<128x128xf32, #tpu.memory_space<vmem>> -> memref<128x128xf32, #tpu.memory_space<vmem>>
      %dma_start3A_76 = arith.constant 0 : i32
      %dma_start3A_77 = tpu.memref_slice %arg11[%add3A_29, %dma_start3A_76] : memref<5248x128xf32, #tpu.memory_space<vmem_shared>> -> memref<128x128xf32, #tpu.memory_space<vmem_shared>>
      tpu.enqueue_dma source(%dma_start3A_77 : memref<128x128xf32, #tpu.memory_space<vmem_shared>>) target(%dma_start3A_75 : memref<128x128xf32, #tpu.memory_space<vmem>>) target_semaphore(%run_scoped3A : memref<!tpu.dma_semaphore, #tpu.memory_space<semaphore_mem>>)
      %dma_wait3A = arith.constant 0 : i32
      %dma_wait3A_78 = arith.constant 0 : i32
      %dma_wait3A_79 = tpu.memref_slice %arg8[%dma_wait3A, %dma_wait3A_78] : memref<128x128xf32, #tpu.memory_space<vmem>> -> memref<128x128xf32, #tpu.memory_space<vmem>>
      %dma_wait3A_80 = arith.constant 0 : i32
      %dma_wait3A_81 = tpu.memref_slice %arg11[%add3A_29, %dma_wait3A_80] : memref<5248x128xf32, #tpu.memory_space<vmem_shared>> -> memref<128x128xf32, #tpu.memory_space<vmem_shared>>
      %dma_wait3A_82 = arith.constant 0 : i32
      %dma_wait3A_83 = arith.constant 0 : i32
      %dma_wait3A_84 = tpu.memref_slice %arg8[%dma_wait3A_82, %dma_wait3A_83] : memref<128x128xf32, #tpu.memory_space<vmem>> -> memref<128x128xf32, #tpu.memory_space<vmem>>
      %dma_wait3A_85 = arith.constant 0 : i32
      %dma_wait3A_86 = tpu.memref_slice %arg11[%add3A_29, %dma_wait3A_85] : memref<5248x128xf32, #tpu.memory_space<vmem_shared>> -> memref<128x128xf32, #tpu.memory_space<vmem_shared>>
      tpu.wait_dma2 semaphore(%run_scoped3A : memref<!tpu.dma_semaphore, #tpu.memory_space<semaphore_mem>>) src(%dma_wait3A_86 : memref<128x128xf32, #tpu.memory_space<vmem_shared>>) dst(%dma_wait3A_84 : memref<128x128xf32, #tpu.memory_space<vmem>>)
      tpu.yield
    }) : () -> ()
    %scan3A_30 = arith.constant 0 : i32
    %scan3A_31 = arith.constant 0 : i32
    %scan3A_32 = arith.constant 64 : i32
    %scan3A_33 = arith.addi %scan3A_31, %scan3A_32 : i32
    %scan3A_34 = arith.constant 1 : i32
    scf.for %scan3A_68 = %scan3A_31 to %scan3A_33 step %scan3A_34  : i32 {
      %mul3A_69 = arith.constant 2 : i32
      %mul3A_70 = arith.muli %mul3A_69, %scan3A_68 : i32
      %add3A_71 = arith.constant 0 : i32
      %add3A_72 = arith.addi %mul3A_70, %add3A_71 : i32
      %get3A = tpu.memref_bitcast %arg8 : memref<128x128xf32, #tpu.memory_space<vmem>> -> memref<128x128xi32, #tpu.memory_space<vmem>>
      %get3A_73 = arith.index_cast %add3A_72 : i32 to index
      %get3A_74 = arith.constant 0 : index
      %get3A_75 = tpu.vector_load %get3A[%get3A_73, %get3A_74] {strides = array<i32>} : memref<128x128xi32, #tpu.memory_space<vmem>>, vector<1x16xi32>,
      %get3A_76 = vector.shape_cast %get3A_75 : vector<1x16xi32> to vector<16xi32>
      %mul3A_77 = arith.constant 2 : i32
      %mul3A_78 = arith.muli %mul3A_77, %scan3A_68 : i32
      %add3A_79 = arith.constant 0 : i32
      %add3A_80 = arith.addi %mul3A_78, %add3A_79 : i32
      %get3A_81 = tpu.memref_bitcast %arg8 : memref<128x128xf32, #tpu.memory_space<vmem>> -> memref<128x128xi32, #tpu.memory_space<vmem>>
      %get3A_82 = arith.index_cast %add3A_80 : i32 to index
      %get3A_83 = arith.constant 16 : index
      %get3A_84 = tpu.vector_load %get3A_81[%get3A_82, %get3A_83] {strides = array<i32>} : memref<128x128xi32, #tpu.memory_space<vmem>>, vector<1x16xi32>,
      %get3A_85 = vector.shape_cast %get3A_84 : vector<1x16xi32> to vector<16xi32>
      %add3A_86 = arith.constant 32767 : i32
      %add3A_87 = vector.broadcast %add3A_86 : i32 to vector<16xi32>
      %add3A_88 = arith.addi %get3A_76, %add3A_87 : vector<16xi32>
      %shift_right_arithmetic3A = arith.constant 16 : i32
      %shift_right_arithmetic3A_89 = vector.broadcast %shift_right_arithmetic3A : i32 to vector<16xi32>
      %shift_right_arithmetic3A_90 = arith.shrsi %get3A_76, %shift_right_arithmetic3A_89 : vector<16xi32>
      %and3A = arith.constant 1 : i32
      %and3A_91 = vector.broadcast %and3A : i32 to vector<16xi32>
      %and3A_92 = arith.andi %shift_right_arithmetic3A_90, %and3A_91 : vector<16xi32>
      %add3A_93 = arith.addi %add3A_88, %and3A_92 : vector<16xi32>
      %add3A_94 = arith.constant 32767 : i32
      %add3A_95 = vector.broadcast %add3A_94 : i32 to vector<16xi32>
      %add3A_96 = arith.addi %get3A_85, %add3A_95 : vector<16xi32>
      %shift_right_arithmetic3A_97 = arith.constant 16 : i32
      %shift_right_arithmetic3A_98 = vector.broadcast %shift_right_arithmetic3A_97 : i32 to vector<16xi32>
      %shift_right_arithmetic3A_99 = arith.shrsi %get3A_85, %shift_right_arithmetic3A_98 : vector<16xi32>
      %and3A_100 = arith.constant 1 : i32
      %and3A_101 = vector.broadcast %and3A_100 : i32 to vector<16xi32>
      %and3A_102 = arith.andi %shift_right_arithmetic3A_99, %and3A_101 : vector<16xi32>
      %add3A_103 = arith.addi %add3A_96, %and3A_102 : vector<16xi32>
      %shift_right_arithmetic3A_104 = arith.constant 16 : i32
      %shift_right_arithmetic3A_105 = vector.broadcast %shift_right_arithmetic3A_104 : i32 to vector<16xi32>
      %shift_right_arithmetic3A_106 = arith.shrsi %add3A_93, %shift_right_arithmetic3A_105 : vector<16xi32>
      %and3A_107 = arith.constant 65535 : i32
      %and3A_108 = vector.broadcast %and3A_107 : i32 to vector<16xi32>
      %and3A_109 = arith.andi %shift_right_arithmetic3A_106, %and3A_108 : vector<16xi32>
      %and3A_110 = arith.constant -65536 : i32
      %and3A_111 = vector.broadcast %and3A_110 : i32 to vector<16xi32>
      %and3A_112 = arith.andi %add3A_103, %and3A_111 : vector<16xi32>
      %or3A = arith.ori %and3A_109, %and3A_112 : vector<16xi32>
      %swap3A = arith.index_cast %scan3A_68 : i32 to index
      %swap3A_113 = arith.constant 0 : index
      %swap3A_114 = tpu.vector_load %arg10[%swap3A, %swap3A_113] {strides = array<i32>} : memref<64x128xi32, #tpu.memory_space<vmem>>, vector<1x16xi32>,
      %swap3A_115 = vector.shape_cast %swap3A_114 : vector<1x16xi32> to vector<16xi32>
      %swap3A_116 = vector.shape_cast %or3A : vector<16xi32> to vector<1x16xi32>
      tpu.vector_store %arg10[%swap3A, %swap3A_113], %swap3A_116 {strides = array<i32>} : memref<64x128xi32, #tpu.memory_space<vmem>>, vector<1x16xi32>,
      %mul3A_117 = arith.constant 2 : i32
      %mul3A_118 = arith.muli %mul3A_117, %scan3A_68 : i32
      %add3A_119 = arith.constant 0 : i32
      %add3A_120 = arith.addi %mul3A_118, %add3A_119 : i32
      %get3A_121 = tpu.memref_bitcast %arg8 : memref<128x128xf32, #tpu.memory_space<vmem>> -> memref<128x128xi32, #tpu.memory_space<vmem>>
      %get3A_122 = arith.index_cast %add3A_120 : i32 to index
      %get3A_123 = arith.constant 32 : index
      %get3A_124 = tpu.vector_load %get3A_121[%get3A_122, %get3A_123] {strides = array<i32>} : memref<128x128xi32, #tpu.memory_space<vmem>>, vector<1x16xi32>,
      %get3A_125 = vector.shape_cast %get3A_124 : vector<1x16xi32> to vector<16xi32>
      %mul3A_126 = arith.constant 2 : i32
      %mul3A_127 = arith.muli %mul3A_126, %scan3A_68 : i32
      %add3A_128 = arith.constant 0 : i32
      %add3A_129 = arith.addi %mul3A_127, %add3A_128 : i32
      %get3A_130 = tpu.memref_bitcast %arg8 : memref<128x128xf32, #tpu.memory_space<vmem>> -> memref<128x128xi32, #tpu.memory_space<vmem>>
      %get3A_131 = arith.index_cast %add3A_129 : i32 to index
      %get3A_132 = arith.constant 48 : index
      %get3A_133 = tpu.vector_load %get3A_130[%get3A_131, %get3A_132] {strides = array<i32>} : memref<128x128xi32, #tpu.memory_space<vmem>>, vector<1x16xi32>,
      %get3A_134 = vector.shape_cast %get3A_133 : vector<1x16xi32> to vector<16xi32>
      %add3A_135 = arith.constant 32767 : i32
      %add3A_136 = vector.broadcast %add3A_135 : i32 to vector<16xi32>
      %add3A_137 = arith.addi %get3A_125, %add3A_136 : vector<16xi32>
      %shift_right_arithmetic3A_138 = arith.constant 16 : i32
      %shift_right_arithmetic3A_139 = vector.broadcast %shift_right_arithmetic3A_138 : i32 to vector<16xi32>
      %shift_right_arithmetic3A_140 = arith.shrsi %get3A_125, %shift_right_arithmetic3A_139 : vector<16xi32>
      %and3A_141 = arith.constant 1 : i32
      %and3A_142 = vector.broadcast %and3A_141 : i32 to vector<16xi32>
      %and3A_143 = arith.andi %shift_right_arithmetic3A_140, %and3A_142 : vector<16xi32>
      %add3A_144 = arith.addi %add3A_137, %and3A_143 : vector<16xi32>
      %add3A_145 = arith.constant 32767 : i32
      %add3A_146 = vector.broadcast %add3A_145 : i32 to vector<16xi32>
      %add3A_147 = arith.addi %get3A_134, %add3A_146 : vector<16xi32>
      %shift_right_arithmetic3A_148 = arith.constant 16 : i32
      %shift_right_arithmetic3A_149 = vector.broadcast %shift_right_arithmetic3A_148 : i32 to vector<16xi32>
      %shift_right_arithmetic3A_150 = arith.shrsi %get3A_134, %shift_right_arithmetic3A_149 : vector<16xi32>
      %and3A_151 = arith.constant 1 : i32
      %and3A_152 = vector.broadcast %and3A_151 : i32 to vector<16xi32>
      %and3A_153 = arith.andi %shift_right_arithmetic3A_150, %and3A_152 : vector<16xi32>
      %add3A_154 = arith.addi %add3A_147, %and3A_153 : vector<16xi32>
      %shift_right_arithmetic3A_155 = arith.constant 16 : i32
      %shift_right_arithmetic3A_156 = vector.broadcast %shift_right_arithmetic3A_155 : i32 to vector<16xi32>
      %shift_right_arithmetic3A_157 = arith.shrsi %add3A_144, %shift_right_arithmetic3A_156 : vector<16xi32>
      %and3A_158 = arith.constant 65535 : i32
      %and3A_159 = vector.broadcast %and3A_158 : i32 to vector<16xi32>
      %and3A_160 = arith.andi %shift_right_arithmetic3A_157, %and3A_159 : vector<16xi32>
      %and3A_161 = arith.constant -65536 : i32
      %and3A_162 = vector.broadcast %and3A_161 : i32 to vector<16xi32>
      %and3A_163 = arith.andi %add3A_154, %and3A_162 : vector<16xi32>
      %or3A_164 = arith.ori %and3A_160, %and3A_163 : vector<16xi32>
      %swap3A_165 = arith.index_cast %scan3A_68 : i32 to index
      %swap3A_166 = arith.constant 16 : index
      %swap3A_167 = tpu.vector_load %arg10[%swap3A_165, %swap3A_166] {strides = array<i32>} : memref<64x128xi32, #tpu.memory_space<vmem>>, vector<1x16xi32>,
      %swap3A_168 = vector.shape_cast %swap3A_167 : vector<1x16xi32> to vector<16xi32>
      %swap3A_169 = vector.shape_cast %or3A_164 : vector<16xi32> to vector<1x16xi32>
      tpu.vector_store %arg10[%swap3A_165, %swap3A_166], %swap3A_169 {strides = array<i32>} : memref<64x128xi32, #tpu.memory_space<vmem>>, vector<1x16xi32>,
      %mul3A_170 = arith.constant 2 : i32
      %mul3A_171 = arith.muli %mul3A_170, %scan3A_68 : i32
      %add3A_172 = arith.constant 0 : i32
      %add3A_173 = arith.addi %mul3A_171, %add3A_172 : i32
      %get3A_174 = tpu.memref_bitcast %arg8 : memref<128x128xf32, #tpu.memory_space<vmem>> -> memref<128x128xi32, #tpu.memory_space<vmem>>
      %get3A_175 = arith.index_cast %add3A_173 : i32 to index
      %get3A_176 = arith.constant 64 : index
      %get3A_177 = tpu.vector_load %get3A_174[%get3A_175, %get3A_176] {strides = array<i32>} : memref<128x128xi32, #tpu.memory_space<vmem>>, vector<1x16xi32>,
      %get3A_178 = vector.shape_cast %get3A_177 : vector<1x16xi32> to vector<16xi32>
      %mul3A_179 = arith.constant 2 : i32
      %mul3A_180 = arith.muli %mul3A_179, %scan3A_68 : i32
      %add3A_181 = arith.constant 0 : i32
      %add3A_182 = arith.addi %mul3A_180, %add3A_181 : i32
      %get3A_183 = tpu.memref_bitcast %arg8 : memref<128x128xf32, #tpu.memory_space<vmem>> -> memref<128x128xi32, #tpu.memory_space<vmem>>
      %get3A_184 = arith.index_cast %add3A_182 : i32 to index
      %get3A_185 = arith.constant 80 : index
      %get3A_186 = tpu.vector_load %get3A_183[%get3A_184, %get3A_185] {strides = array<i32>} : memref<128x128xi32, #tpu.memory_space<vmem>>, vector<1x16xi32>,
      %get3A_187 = vector.shape_cast %get3A_186 : vector<1x16xi32> to vector<16xi32>
      %add3A_188 = arith.constant 32767 : i32
      %add3A_189 = vector.broadcast %add3A_188 : i32 to vector<16xi32>
      %add3A_190 = arith.addi %get3A_178, %add3A_189 : vector<16xi32>
      %shift_right_arithmetic3A_191 = arith.constant 16 : i32
      %shift_right_arithmetic3A_192 = vector.broadcast %shift_right_arithmetic3A_191 : i32 to vector<16xi32>
      %shift_right_arithmetic3A_193 = arith.shrsi %get3A_178, %shift_right_arithmetic3A_192 : vector<16xi32>
      %and3A_194 = arith.constant 1 : i32
      %and3A_195 = vector.broadcast %and3A_194 : i32 to vector<16xi32>
      %and3A_196 = arith.andi %shift_right_arithmetic3A_193, %and3A_195 : vector<16xi32>
      %add3A_197 = arith.addi %add3A_190, %and3A_196 : vector<16xi32>
      %add3A_198 = arith.constant 32767 : i32
      %add3A_199 = vector.broadcast %add3A_198 : i32 to vector<16xi32>
      %add3A_200 = arith.addi %get3A_187, %add3A_199 : vector<16xi32>
      %shift_right_arithmetic3A_201 = arith.constant 16 : i32
      %shift_right_arithmetic3A_202 = vector.broadcast %shift_right_arithmetic3A_201 : i32 to vector<16xi32>
      %shift_right_arithmetic3A_203 = arith.shrsi %get3A_187, %shift_right_arithmetic3A_202 : vector<16xi32>
      %and3A_204 = arith.constant 1 : i32
      %and3A_205 = vector.broadcast %and3A_204 : i32 to vector<16xi32>
      %and3A_206 = arith.andi %shift_right_arithmetic3A_203, %and3A_205 : vector<16xi32>
      %add3A_207 = arith.addi %add3A_200, %and3A_206 : vector<16xi32>
      %shift_right_arithmetic3A_208 = arith.constant 16 : i32
      %shift_right_arithmetic3A_209 = vector.broadcast %shift_right_arithmetic3A_208 : i32 to vector<16xi32>
      %shift_right_arithmetic3A_210 = arith.shrsi %add3A_197, %shift_right_arithmetic3A_209 : vector<16xi32>
      %and3A_211 = arith.constant 65535 : i32
      %and3A_212 = vector.broadcast %and3A_211 : i32 to vector<16xi32>
      %and3A_213 = arith.andi %shift_right_arithmetic3A_210, %and3A_212 : vector<16xi32>
      %and3A_214 = arith.constant -65536 : i32
      %and3A_215 = vector.broadcast %and3A_214 : i32 to vector<16xi32>
      %and3A_216 = arith.andi %add3A_207, %and3A_215 : vector<16xi32>
      %or3A_217 = arith.ori %and3A_213, %and3A_216 : vector<16xi32>
      %swap3A_218 = arith.index_cast %scan3A_68 : i32 to index
      %swap3A_219 = arith.constant 32 : index
      %swap3A_220 = tpu.vector_load %arg10[%swap3A_218, %swap3A_219] {strides = array<i32>} : memref<64x128xi32, #tpu.memory_space<vmem>>, vector<1x16xi32>,
      %swap3A_221 = vector.shape_cast %swap3A_220 : vector<1x16xi32> to vector<16xi32>
      %swap3A_222 = vector.shape_cast %or3A_217 : vector<16xi32> to vector<1x16xi32>
      tpu.vector_store %arg10[%swap3A_218, %swap3A_219], %swap3A_222 {strides = array<i32>} : memref<64x128xi32, #tpu.memory_space<vmem>>, vector<1x16xi32>,
      %mul3A_223 = arith.constant 2 : i32
      %mul3A_224 = arith.muli %mul3A_223, %scan3A_68 : i32
      %add3A_225 = arith.constant 0 : i32
      %add3A_226 = arith.addi %mul3A_224, %add3A_225 : i32
      %get3A_227 = tpu.memref_bitcast %arg8 : memref<128x128xf32, #tpu.memory_space<vmem>> -> memref<128x128xi32, #tpu.memory_space<vmem>>
      %get3A_228 = arith.index_cast %add3A_226 : i32 to index
      %get3A_229 = arith.constant 96 : index
      %get3A_230 = tpu.vector_load %get3A_227[%get3A_228, %get3A_229] {strides = array<i32>} : memref<128x128xi32, #tpu.memory_space<vmem>>, vector<1x16xi32>,
      %get3A_231 = vector.shape_cast %get3A_230 : vector<1x16xi32> to vector<16xi32>
      %mul3A_232 = arith.constant 2 : i32
      %mul3A_233 = arith.muli %mul3A_232, %scan3A_68 : i32
      %add3A_234 = arith.constant 0 : i32
      %add3A_235 = arith.addi %mul3A_233, %add3A_234 : i32
      %get3A_236 = tpu.memref_bitcast %arg8 : memref<128x128xf32, #tpu.memory_space<vmem>> -> memref<128x128xi32, #tpu.memory_space<vmem>>
      %get3A_237 = arith.index_cast %add3A_235 : i32 to index
      %get3A_238 = arith.constant 112 : index
      %get3A_239 = tpu.vector_load %get3A_236[%get3A_237, %get3A_238] {strides = array<i32>} : memref<128x128xi32, #tpu.memory_space<vmem>>, vector<1x16xi32>,
      %get3A_240 = vector.shape_cast %get3A_239 : vector<1x16xi32> to vector<16xi32>
      %add3A_241 = arith.constant 32767 : i32
      %add3A_242 = vector.broadcast %add3A_241 : i32 to vector<16xi32>
      %add3A_243 = arith.addi %get3A_231, %add3A_242 : vector<16xi32>
      %shift_right_arithmetic3A_244 = arith.constant 16 : i32
      %shift_right_arithmetic3A_245 = vector.broadcast %shift_right_arithmetic3A_244 : i32 to vector<16xi32>
      %shift_right_arithmetic3A_246 = arith.shrsi %get3A_231, %shift_right_arithmetic3A_245 : vector<16xi32>
      %and3A_247 = arith.constant 1 : i32
      %and3A_248 = vector.broadcast %and3A_247 : i32 to vector<16xi32>
      %and3A_249 = arith.andi %shift_right_arithmetic3A_246, %and3A_248 : vector<16xi32>
      %add3A_250 = arith.addi %add3A_243, %and3A_249 : vector<16xi32>
      %add3A_251 = arith.constant 32767 : i32
      %add3A_252 = vector.broadcast %add3A_251 : i32 to vector<16xi32>
      %add3A_253 = arith.addi %get3A_240, %add3A_252 : vector<16xi32>
      %shift_right_arithmetic3A_254 = arith.constant 16 : i32
      %shift_right_arithmetic3A_255 = vector.broadcast %shift_right_arithmetic3A_254 : i32 to vector<16xi32>
      %shift_right_arithmetic3A_256 = arith.shrsi %get3A_240, %shift_right_arithmetic3A_255 : vector<16xi32>
      %and3A_257 = arith.constant 1 : i32
      %and3A_258 = vector.broadcast %and3A_257 : i32 to vector<16xi32>
      %and3A_259 = arith.andi %shift_right_arithmetic3A_256, %and3A_258 : vector<16xi32>
      %add3A_260 = arith.addi %add3A_253, %and3A_259 : vector<16xi32>
      %shift_right_arithmetic3A_261 = arith.constant 16 : i32
      %shift_right_arithmetic3A_262 = vector.broadcast %shift_right_arithmetic3A_261 : i32 to vector<16xi32>
      %shift_right_arithmetic3A_263 = arith.shrsi %add3A_250, %shift_right_arithmetic3A_262 : vector<16xi32>
      %and3A_264 = arith.constant 65535 : i32
      %and3A_265 = vector.broadcast %and3A_264 : i32 to vector<16xi32>
      %and3A_266 = arith.andi %shift_right_arithmetic3A_263, %and3A_265 : vector<16xi32>
      %and3A_267 = arith.constant -65536 : i32
      %and3A_268 = vector.broadcast %and3A_267 : i32 to vector<16xi32>
      %and3A_269 = arith.andi %add3A_260, %and3A_268 : vector<16xi32>
      %or3A_270 = arith.ori %and3A_266, %and3A_269 : vector<16xi32>
      %swap3A_271 = arith.index_cast %scan3A_68 : i32 to index
      %swap3A_272 = arith.constant 48 : index
      %swap3A_273 = tpu.vector_load %arg10[%swap3A_271, %swap3A_272] {strides = array<i32>} : memref<64x128xi32, #tpu.memory_space<vmem>>, vector<1x16xi32>,
      %swap3A_274 = vector.shape_cast %swap3A_273 : vector<1x16xi32> to vector<16xi32>
      %swap3A_275 = vector.shape_cast %or3A_270 : vector<16xi32> to vector<1x16xi32>
      tpu.vector_store %arg10[%swap3A_271, %swap3A_272], %swap3A_275 {strides = array<i32>} : memref<64x128xi32, #tpu.memory_space<vmem>>, vector<1x16xi32>,
      %mul3A_276 = arith.constant 2 : i32
      %mul3A_277 = arith.muli %mul3A_276, %scan3A_68 : i32
      %add3A_278 = arith.constant 1 : i32
      %add3A_279 = arith.addi %mul3A_277, %add3A_278 : i32
      %get3A_280 = tpu.memref_bitcast %arg8 : memref<128x128xf32, #tpu.memory_space<vmem>> -> memref<128x128xi32, #tpu.memory_space<vmem>>
      %get3A_281 = arith.index_cast %add3A_279 : i32 to index
      %get3A_282 = arith.constant 0 : index
      %get3A_283 = tpu.vector_load %get3A_280[%get3A_281, %get3A_282] {strides = array<i32>} : memref<128x128xi32, #tpu.memory_space<vmem>>, vector<1x16xi32>,
      %get3A_284 = vector.shape_cast %get3A_283 : vector<1x16xi32> to vector<16xi32>
      %mul3A_285 = arith.constant 2 : i32
      %mul3A_286 = arith.muli %mul3A_285, %scan3A_68 : i32
      %add3A_287 = arith.constant 1 : i32
      %add3A_288 = arith.addi %mul3A_286, %add3A_287 : i32
      %get3A_289 = tpu.memref_bitcast %arg8 : memref<128x128xf32, #tpu.memory_space<vmem>> -> memref<128x128xi32, #tpu.memory_space<vmem>>
      %get3A_290 = arith.index_cast %add3A_288 : i32 to index
      %get3A_291 = arith.constant 16 : index
      %get3A_292 = tpu.vector_load %get3A_289[%get3A_290, %get3A_291] {strides = array<i32>} : memref<128x128xi32, #tpu.memory_space<vmem>>, vector<1x16xi32>,
      %get3A_293 = vector.shape_cast %get3A_292 : vector<1x16xi32> to vector<16xi32>
      %add3A_294 = arith.constant 32767 : i32
      %add3A_295 = vector.broadcast %add3A_294 : i32 to vector<16xi32>
      %add3A_296 = arith.addi %get3A_284, %add3A_295 : vector<16xi32>
      %shift_right_arithmetic3A_297 = arith.constant 16 : i32
      %shift_right_arithmetic3A_298 = vector.broadcast %shift_right_arithmetic3A_297 : i32 to vector<16xi32>
      %shift_right_arithmetic3A_299 = arith.shrsi %get3A_284, %shift_right_arithmetic3A_298 : vector<16xi32>
      %and3A_300 = arith.constant 1 : i32
      %and3A_301 = vector.broadcast %and3A_300 : i32 to vector<16xi32>
      %and3A_302 = arith.andi %shift_right_arithmetic3A_299, %and3A_301 : vector<16xi32>
      %add3A_303 = arith.addi %add3A_296, %and3A_302 : vector<16xi32>
      %add3A_304 = arith.constant 32767 : i32
      %add3A_305 = vector.broadcast %add3A_304 : i32 to vector<16xi32>
      %add3A_306 = arith.addi %get3A_293, %add3A_305 : vector<16xi32>
      %shift_right_arithmetic3A_307 = arith.constant 16 : i32
      %shift_right_arithmetic3A_308 = vector.broadcast %shift_right_arithmetic3A_307 : i32 to vector<16xi32>
      %shift_right_arithmetic3A_309 = arith.shrsi %get3A_293, %shift_right_arithmetic3A_308 : vector<16xi32>
      %and3A_310 = arith.constant 1 : i32
      %and3A_311 = vector.broadcast %and3A_310 : i32 to vector<16xi32>
      %and3A_312 = arith.andi %shift_right_arithmetic3A_309, %and3A_311 : vector<16xi32>
      %add3A_313 = arith.addi %add3A_306, %and3A_312 : vector<16xi32>
      %shift_right_arithmetic3A_314 = arith.constant 16 : i32
      %shift_right_arithmetic3A_315 = vector.broadcast %shift_right_arithmetic3A_314 : i32 to vector<16xi32>
      %shift_right_arithmetic3A_316 = arith.shrsi %add3A_303, %shift_right_arithmetic3A_315 : vector<16xi32>
      %and3A_317 = arith.constant 65535 : i32
      %and3A_318 = vector.broadcast %and3A_317 : i32 to vector<16xi32>
      %and3A_319 = arith.andi %shift_right_arithmetic3A_316, %and3A_318 : vector<16xi32>
      %and3A_320 = arith.constant -65536 : i32
      %and3A_321 = vector.broadcast %and3A_320 : i32 to vector<16xi32>
      %and3A_322 = arith.andi %add3A_313, %and3A_321 : vector<16xi32>
      %or3A_323 = arith.ori %and3A_319, %and3A_322 : vector<16xi32>
      %swap3A_324 = arith.index_cast %scan3A_68 : i32 to index
      %swap3A_325 = arith.constant 64 : index
      %swap3A_326 = tpu.vector_load %arg10[%swap3A_324, %swap3A_325] {strides = array<i32>} : memref<64x128xi32, #tpu.memory_space<vmem>>, vector<1x16xi32>,
      %swap3A_327 = vector.shape_cast %swap3A_326 : vector<1x16xi32> to vector<16xi32>
      %swap3A_328 = vector.shape_cast %or3A_323 : vector<16xi32> to vector<1x16xi32>
      tpu.vector_store %arg10[%swap3A_324, %swap3A_325], %swap3A_328 {strides = array<i32>} : memref<64x128xi32, #tpu.memory_space<vmem>>, vector<1x16xi32>,
      %mul3A_329 = arith.constant 2 : i32
      %mul3A_330 = arith.muli %mul3A_329, %scan3A_68 : i32
      %add3A_331 = arith.constant 1 : i32
      %add3A_332 = arith.addi %mul3A_330, %add3A_331 : i32
      %get3A_333 = tpu.memref_bitcast %arg8 : memref<128x128xf32, #tpu.memory_space<vmem>> -> memref<128x128xi32, #tpu.memory_space<vmem>>
      %get3A_334 = arith.index_cast %add3A_332 : i32 to index
      %get3A_335 = arith.constant 32 : index
      %get3A_336 = tpu.vector_load %get3A_333[%get3A_334, %get3A_335] {strides = array<i32>} : memref<128x128xi32, #tpu.memory_space<vmem>>, vector<1x16xi32>,
      %get3A_337 = vector.shape_cast %get3A_336 : vector<1x16xi32> to vector<16xi32>
      %mul3A_338 = arith.constant 2 : i32
      %mul3A_339 = arith.muli %mul3A_338, %scan3A_68 : i32
      %add3A_340 = arith.constant 1 : i32
      %add3A_341 = arith.addi %mul3A_339, %add3A_340 : i32
      %get3A_342 = tpu.memref_bitcast %arg8 : memref<128x128xf32, #tpu.memory_space<vmem>> -> memref<128x128xi32, #tpu.memory_space<vmem>>
      %get3A_343 = arith.index_cast %add3A_341 : i32 to index
      %get3A_344 = arith.constant 48 : index
      %get3A_345 = tpu.vector_load %get3A_342[%get3A_343, %get3A_344] {strides = array<i32>} : memref<128x128xi32, #tpu.memory_space<vmem>>, vector<1x16xi32>,
      %get3A_346 = vector.shape_cast %get3A_345 : vector<1x16xi32> to vector<16xi32>
      %add3A_347 = arith.constant 32767 : i32
      %add3A_348 = vector.broadcast %add3A_347 : i32 to vector<16xi32>
      %add3A_349 = arith.addi %get3A_337, %add3A_348 : vector<16xi32>
      %shift_right_arithmetic3A_350 = arith.constant 16 : i32
      %shift_right_arithmetic3A_351 = vector.broadcast %shift_right_arithmetic3A_350 : i32 to vector<16xi32>
      %shift_right_arithmetic3A_352 = arith.shrsi %get3A_337, %shift_right_arithmetic3A_351 : vector<16xi32>
      %and3A_353 = arith.constant 1 : i32
      %and3A_354 = vector.broadcast %and3A_353 : i32 to vector<16xi32>
      %and3A_355 = arith.andi %shift_right_arithmetic3A_352, %and3A_354 : vector<16xi32>
      %add3A_356 = arith.addi %add3A_349, %and3A_355 : vector<16xi32>
      %add3A_357 = arith.constant 32767 : i32
      %add3A_358 = vector.broadcast %add3A_357 : i32 to vector<16xi32>
      %add3A_359 = arith.addi %get3A_346, %add3A_358 : vector<16xi32>
      %shift_right_arithmetic3A_360 = arith.constant 16 : i32
      %shift_right_arithmetic3A_361 = vector.broadcast %shift_right_arithmetic3A_360 : i32 to vector<16xi32>
      %shift_right_arithmetic3A_362 = arith.shrsi %get3A_346, %shift_right_arithmetic3A_361 : vector<16xi32>
      %and3A_363 = arith.constant 1 : i32
      %and3A_364 = vector.broadcast %and3A_363 : i32 to vector<16xi32>
      %and3A_365 = arith.andi %shift_right_arithmetic3A_362, %and3A_364 : vector<16xi32>
      %add3A_366 = arith.addi %add3A_359, %and3A_365 : vector<16xi32>
      %shift_right_arithmetic3A_367 = arith.constant 16 : i32
      %shift_right_arithmetic3A_368 = vector.broadcast %shift_right_arithmetic3A_367 : i32 to vector<16xi32>
      %shift_right_arithmetic3A_369 = arith.shrsi %add3A_356, %shift_right_arithmetic3A_368 : vector<16xi32>
      %and3A_370 = arith.constant 65535 : i32
      %and3A_371 = vector.broadcast %and3A_370 : i32 to vector<16xi32>
      %and3A_372 = arith.andi %shift_right_arithmetic3A_369, %and3A_371 : vector<16xi32>
      %and3A_373 = arith.constant -65536 : i32
      %and3A_374 = vector.broadcast %and3A_373 : i32 to vector<16xi32>
      %and3A_375 = arith.andi %add3A_366, %and3A_374 : vector<16xi32>
      %or3A_376 = arith.ori %and3A_372, %and3A_375 : vector<16xi32>
      %swap3A_377 = arith.index_cast %scan3A_68 : i32 to index
      %swap3A_378 = arith.constant 80 : index
      %swap3A_379 = tpu.vector_load %arg10[%swap3A_377, %swap3A_378] {strides = array<i32>} : memref<64x128xi32, #tpu.memory_space<vmem>>, vector<1x16xi32>,
      %swap3A_380 = vector.shape_cast %swap3A_379 : vector<1x16xi32> to vector<16xi32>
      %swap3A_381 = vector.shape_cast %or3A_376 : vector<16xi32> to vector<1x16xi32>
      tpu.vector_store %arg10[%swap3A_377, %swap3A_378], %swap3A_381 {strides = array<i32>} : memref<64x128xi32, #tpu.memory_space<vmem>>, vector<1x16xi32>,
      %mul3A_382 = arith.constant 2 : i32
      %mul3A_383 = arith.muli %mul3A_382, %scan3A_68 : i32
      %add3A_384 = arith.constant 1 : i32
      %add3A_385 = arith.addi %mul3A_383, %add3A_384 : i32
      %get3A_386 = tpu.memref_bitcast %arg8 : memref<128x128xf32, #tpu.memory_space<vmem>> -> memref<128x128xi32, #tpu.memory_space<vmem>>
      %get3A_387 = arith.index_cast %add3A_385 : i32 to index
      %get3A_388 = arith.constant 64 : index
      %get3A_389 = tpu.vector_load %get3A_386[%get3A_387, %get3A_388] {strides = array<i32>} : memref<128x128xi32, #tpu.memory_space<vmem>>, vector<1x16xi32>,
      %get3A_390 = vector.shape_cast %get3A_389 : vector<1x16xi32> to vector<16xi32>
      %mul3A_391 = arith.constant 2 : i32
      %mul3A_392 = arith.muli %mul3A_391, %scan3A_68 : i32
      %add3A_393 = arith.constant 1 : i32
      %add3A_394 = arith.addi %mul3A_392, %add3A_393 : i32
      %get3A_395 = tpu.memref_bitcast %arg8 : memref<128x128xf32, #tpu.memory_space<vmem>> -> memref<128x128xi32, #tpu.memory_space<vmem>>
      %get3A_396 = arith.index_cast %add3A_394 : i32 to index
      %get3A_397 = arith.constant 80 : index
      %get3A_398 = tpu.vector_load %get3A_395[%get3A_396, %get3A_397] {strides = array<i32>} : memref<128x128xi32, #tpu.memory_space<vmem>>, vector<1x16xi32>,
      %get3A_399 = vector.shape_cast %get3A_398 : vector<1x16xi32> to vector<16xi32>
      %add3A_400 = arith.constant 32767 : i32
      %add3A_401 = vector.broadcast %add3A_400 : i32 to vector<16xi32>
      %add3A_402 = arith.addi %get3A_390, %add3A_401 : vector<16xi32>
      %shift_right_arithmetic3A_403 = arith.constant 16 : i32
      %shift_right_arithmetic3A_404 = vector.broadcast %shift_right_arithmetic3A_403 : i32 to vector<16xi32>
      %shift_right_arithmetic3A_405 = arith.shrsi %get3A_390, %shift_right_arithmetic3A_404 : vector<16xi32>
      %and3A_406 = arith.constant 1 : i32
      %and3A_407 = vector.broadcast %and3A_406 : i32 to vector<16xi32>
      %and3A_408 = arith.andi %shift_right_arithmetic3A_405, %and3A_407 : vector<16xi32>
      %add3A_409 = arith.addi %add3A_402, %and3A_408 : vector<16xi32>
      %add3A_410 = arith.constant 32767 : i32
      %add3A_411 = vector.broadcast %add3A_410 : i32 to vector<16xi32>
      %add3A_412 = arith.addi %get3A_399, %add3A_411 : vector<16xi32>
      %shift_right_arithmetic3A_413 = arith.constant 16 : i32
      %shift_right_arithmetic3A_414 = vector.broadcast %shift_right_arithmetic3A_413 : i32 to vector<16xi32>
      %shift_right_arithmetic3A_415 = arith.shrsi %get3A_399, %shift_right_arithmetic3A_414 : vector<16xi32>
      %and3A_416 = arith.constant 1 : i32
      %and3A_417 = vector.broadcast %and3A_416 : i32 to vector<16xi32>
      %and3A_418 = arith.andi %shift_right_arithmetic3A_415, %and3A_417 : vector<16xi32>
      %add3A_419 = arith.addi %add3A_412, %and3A_418 : vector<16xi32>
      %shift_right_arithmetic3A_420 = arith.constant 16 : i32
      %shift_right_arithmetic3A_421 = vector.broadcast %shift_right_arithmetic3A_420 : i32 to vector<16xi32>
      %shift_right_arithmetic3A_422 = arith.shrsi %add3A_409, %shift_right_arithmetic3A_421 : vector<16xi32>
      %and3A_423 = arith.constant 65535 : i32
      %and3A_424 = vector.broadcast %and3A_423 : i32 to vector<16xi32>
      %and3A_425 = arith.andi %shift_right_arithmetic3A_422, %and3A_424 : vector<16xi32>
      %and3A_426 = arith.constant -65536 : i32
      %and3A_427 = vector.broadcast %and3A_426 : i32 to vector<16xi32>
      %and3A_428 = arith.andi %add3A_419, %and3A_427 : vector<16xi32>
      %or3A_429 = arith.ori %and3A_425, %and3A_428 : vector<16xi32>
      %swap3A_430 = arith.index_cast %scan3A_68 : i32 to index
      %swap3A_431 = arith.constant 96 : index
      %swap3A_432 = tpu.vector_load %arg10[%swap3A_430, %swap3A_431] {strides = array<i32>} : memref<64x128xi32, #tpu.memory_space<vmem>>, vector<1x16xi32>,
      %swap3A_433 = vector.shape_cast %swap3A_432 : vector<1x16xi32> to vector<16xi32>
      %swap3A_434 = vector.shape_cast %or3A_429 : vector<16xi32> to vector<1x16xi32>
      tpu.vector_store %arg10[%swap3A_430, %swap3A_431], %swap3A_434 {strides = array<i32>} : memref<64x128xi32, #tpu.memory_space<vmem>>, vector<1x16xi32>,
      %mul3A_435 = arith.constant 2 : i32
      %mul3A_436 = arith.muli %mul3A_435, %scan3A_68 : i32
      %add3A_437 = arith.constant 1 : i32
      %add3A_438 = arith.addi %mul3A_436, %add3A_437 : i32
      %get3A_439 = tpu.memref_bitcast %arg8 : memref<128x128xf32, #tpu.memory_space<vmem>> -> memref<128x128xi32, #tpu.memory_space<vmem>>
      %get3A_440 = arith.index_cast %add3A_438 : i32 to index
      %get3A_441 = arith.constant 96 : index
      %get3A_442 = tpu.vector_load %get3A_439[%get3A_440, %get3A_441] {strides = array<i32>} : memref<128x128xi32, #tpu.memory_space<vmem>>, vector<1x16xi32>,
      %get3A_443 = vector.shape_cast %get3A_442 : vector<1x16xi32> to vector<16xi32>
      %mul3A_444 = arith.constant 2 : i32
      %mul3A_445 = arith.muli %mul3A_444, %scan3A_68 : i32
      %add3A_446 = arith.constant 1 : i32
      %add3A_447 = arith.addi %mul3A_445, %add3A_446 : i32
      %get3A_448 = tpu.memref_bitcast %arg8 : memref<128x128xf32, #tpu.memory_space<vmem>> -> memref<128x128xi32, #tpu.memory_space<vmem>>
      %get3A_449 = arith.index_cast %add3A_447 : i32 to index
      %get3A_450 = arith.constant 112 : index
      %get3A_451 = tpu.vector_load %get3A_448[%get3A_449, %get3A_450] {strides = array<i32>} : memref<128x128xi32, #tpu.memory_space<vmem>>, vector<1x16xi32>,
      %get3A_452 = vector.shape_cast %get3A_451 : vector<1x16xi32> to vector<16xi32>
      %add3A_453 = arith.constant 32767 : i32
      %add3A_454 = vector.broadcast %add3A_453 : i32 to vector<16xi32>
      %add3A_455 = arith.addi %get3A_443, %add3A_454 : vector<16xi32>
      %shift_right_arithmetic3A_456 = arith.constant 16 : i32
      %shift_right_arithmetic3A_457 = vector.broadcast %shift_right_arithmetic3A_456 : i32 to vector<16xi32>
      %shift_right_arithmetic3A_458 = arith.shrsi %get3A_443, %shift_right_arithmetic3A_457 : vector<16xi32>
      %and3A_459 = arith.constant 1 : i32
      %and3A_460 = vector.broadcast %and3A_459 : i32 to vector<16xi32>
      %and3A_461 = arith.andi %shift_right_arithmetic3A_458, %and3A_460 : vector<16xi32>
      %add3A_462 = arith.addi %add3A_455, %and3A_461 : vector<16xi32>
      %add3A_463 = arith.constant 32767 : i32
      %add3A_464 = vector.broadcast %add3A_463 : i32 to vector<16xi32>
      %add3A_465 = arith.addi %get3A_452, %add3A_464 : vector<16xi32>
      %shift_right_arithmetic3A_466 = arith.constant 16 : i32
      %shift_right_arithmetic3A_467 = vector.broadcast %shift_right_arithmetic3A_466 : i32 to vector<16xi32>
      %shift_right_arithmetic3A_468 = arith.shrsi %get3A_452, %shift_right_arithmetic3A_467 : vector<16xi32>
      %and3A_469 = arith.constant 1 : i32
      %and3A_470 = vector.broadcast %and3A_469 : i32 to vector<16xi32>
      %and3A_471 = arith.andi %shift_right_arithmetic3A_468, %and3A_470 : vector<16xi32>
      %add3A_472 = arith.addi %add3A_465, %and3A_471 : vector<16xi32>
      %shift_right_arithmetic3A_473 = arith.constant 16 : i32
      %shift_right_arithmetic3A_474 = vector.broadcast %shift_right_arithmetic3A_473 : i32 to vector<16xi32>
      %shift_right_arithmetic3A_475 = arith.shrsi %add3A_462, %shift_right_arithmetic3A_474 : vector<16xi32>
      %and3A_476 = arith.constant 65535 : i32
      %and3A_477 = vector.broadcast %and3A_476 : i32 to vector<16xi32>
      %and3A_478 = arith.andi %shift_right_arithmetic3A_475, %and3A_477 : vector<16xi32>
      %and3A_479 = arith.constant -65536 : i32
      %and3A_480 = vector.broadcast %and3A_479 : i32 to vector<16xi32>
      %and3A_481 = arith.andi %add3A_472, %and3A_480 : vector<16xi32>
      %or3A_482 = arith.ori %and3A_478, %and3A_481 : vector<16xi32>
      %swap3A_483 = arith.index_cast %scan3A_68 : i32 to index
      %swap3A_484 = arith.constant 112 : index
      %swap3A_485 = tpu.vector_load %arg10[%swap3A_483, %swap3A_484] {strides = array<i32>} : memref<64x128xi32, #tpu.memory_space<vmem>>, vector<1x16xi32>,
      %swap3A_486 = vector.shape_cast %swap3A_485 : vector<1x16xi32> to vector<16xi32>
      %swap3A_487 = vector.shape_cast %or3A_482 : vector<16xi32> to vector<1x16xi32>
      tpu.vector_store %arg10[%swap3A_483, %swap3A_484], %swap3A_487 {strides = array<i32>} : memref<64x128xi32, #tpu.memory_space<vmem>>, vector<1x16xi32>,
    }
    %scan3A_35 = arith.constant 64 : i32
    %mul3A_36 = arith.constant 160 : i32
    %mul3A_37 = arith.muli %arg1, %mul3A_36 : i32
    %add3A_38 = arith.constant 0 : i32
    %add3A_39 = arith.addi %mul3A_37, %add3A_38 : i32
    "tpu.region"() ({
      %run_scoped3A = tpu.sem_alloc : memref<!tpu.dma_semaphore, #tpu.memory_space<semaphore_mem>>
      %dma_start3A_68 = arith.constant 0 : i32
      %dma_start3A_69 = arith.constant 0 : i32
      %dma_start3A_70 = tpu.memref_slice %arg10[%dma_start3A_68, %dma_start3A_69] : memref<64x128xi32, #tpu.memory_space<vmem>> -> memref<64x128xi32, #tpu.memory_space<vmem>>
      %dma_start3A_71 = arith.constant 0 : i32
      %dma_start3A_72 = tpu.memref_slice %arg5[%arg0, %add3A_39, %dma_start3A_71] : memref<2x2560x128xi32, #tpu.memory_space<hbm>> -> memref<1x64x128xi32, #tpu.memory_space<hbm>>
      %dma_start3A_73 = tpu.memref_squeeze %dma_start3A_72 : memref<1x64x128xi32, #tpu.memory_space<hbm>> -> memref<64x128xi32, #tpu.memory_space<hbm>>
      %dma_start3A_74 = arith.constant 0 : i32
      %dma_start3A_75 = tpu.memref_slice %arg5[%arg0, %add3A_39, %dma_start3A_74] : memref<2x2560x128xi32, #tpu.memory_space<hbm>> -> memref<1x64x128xi32, #tpu.memory_space<hbm>>
      %dma_start3A_76 = tpu.memref_squeeze %dma_start3A_75 : memref<1x64x128xi32, #tpu.memory_space<hbm>> -> memref<64x128xi32, #tpu.memory_space<hbm>>
      %dma_start3A_77 = arith.constant 0 : i32
      %dma_start3A_78 = arith.constant 0 : i32
      %dma_start3A_79 = tpu.memref_slice %arg10[%dma_start3A_77, %dma_start3A_78] : memref<64x128xi32, #tpu.memory_space<vmem>> -> memref<64x128xi32, #tpu.memory_space<vmem>>
      tpu.enqueue_dma source(%dma_start3A_79 : memref<64x128xi32, #tpu.memory_space<vmem>>) target(%dma_start3A_76 : memref<64x128xi32, #tpu.memory_space<hbm>>) target_semaphore(%run_scoped3A : memref<!tpu.dma_semaphore, #tpu.memory_space<semaphore_mem>>)
      %dma_wait3A = arith.constant 0 : i32
      %dma_wait3A_80 = arith.constant 0 : i32
      %dma_wait3A_81 = tpu.memref_slice %arg10[%dma_wait3A, %dma_wait3A_80] : memref<64x128xi32, #tpu.memory_space<vmem>> -> memref<64x128xi32, #tpu.memory_space<vmem>>
      %dma_wait3A_82 = arith.constant 0 : i32
      %dma_wait3A_83 = tpu.memref_slice %arg5[%arg0, %add3A_39, %dma_wait3A_82] : memref<2x2560x128xi32, #tpu.memory_space<hbm>> -> memref<1x64x128xi32, #tpu.memory_space<hbm>>
      %dma_wait3A_84 = tpu.memref_squeeze %dma_wait3A_83 : memref<1x64x128xi32, #tpu.memory_space<hbm>> -> memref<64x128xi32, #tpu.memory_space<hbm>>
      %dma_wait3A_85 = arith.constant 0 : i32
      %dma_wait3A_86 = tpu.memref_slice %arg5[%arg0, %add3A_39, %dma_wait3A_85] : memref<2x2560x128xi32, #tpu.memory_space<hbm>> -> memref<1x64x128xi32, #tpu.memory_space<hbm>>
      %dma_wait3A_87 = tpu.memref_squeeze %dma_wait3A_86 : memref<1x64x128xi32, #tpu.memory_space<hbm>> -> memref<64x128xi32, #tpu.memory_space<hbm>>
      %dma_wait3A_88 = arith.constant 0 : i32
      %dma_wait3A_89 = arith.constant 0 : i32
      %dma_wait3A_90 = tpu.memref_slice %arg10[%dma_wait3A_88, %dma_wait3A_89] : memref<64x128xi32, #tpu.memory_space<vmem>> -> memref<64x128xi32, #tpu.memory_space<vmem>>
      tpu.wait_dma2 semaphore(%run_scoped3A : memref<!tpu.dma_semaphore, #tpu.memory_space<semaphore_mem>>) src(%dma_wait3A_90 : memref<64x128xi32, #tpu.memory_space<vmem>>) dst(%dma_wait3A_87 : memref<64x128xi32, #tpu.memory_space<hbm>>)
      tpu.yield
    }) : () -> ()
    %mul3A_40 = arith.constant 320 : i32
    %mul3A_41 = arith.muli %arg1, %mul3A_40 : i32
    %add3A_42 = arith.constant 128 : i32
    %add3A_43 = arith.addi %mul3A_41, %add3A_42 : i32
    "tpu.region"() ({
      %run_scoped3A = tpu.sem_alloc : memref<!tpu.dma_semaphore, #tpu.memory_space<semaphore_mem>>
      %dma_start3A_68 = arith.constant 0 : i32
      %dma_start3A_69 = arith.constant 0 : i32
      %dma_start3A_70 = tpu.memref_slice %arg8[%dma_start3A_68, %dma_start3A_69] : memref<128x128xf32, #tpu.memory_space<vmem>> -> memref<128x128xf32, #tpu.memory_space<vmem>>
      %dma_start3A_71 = arith.constant 0 : i32
      %dma_start3A_72 = tpu.memref_slice %arg11[%add3A_43, %dma_start3A_71] : memref<5248x128xf32, #tpu.memory_space<vmem_shared>> -> memref<128x128xf32, #tpu.memory_space<vmem_shared>>
      %dma_start3A_73 = arith.constant 0 : i32
      %dma_start3A_74 = arith.constant 0 : i32
      %dma_start3A_75 = tpu.memref_slice %arg8[%dma_start3A_73, %dma_start3A_74] : memref<128x128xf32, #tpu.memory_space<vmem>> -> memref<128x128xf32, #tpu.memory_space<vmem>>
      %dma_start3A_76 = arith.constant 0 : i32
      %dma_start3A_77 = tpu.memref_slice %arg11[%add3A_43, %dma_start3A_76] : memref<5248x128xf32, #tpu.memory_space<vmem_shared>> -> memref<128x128xf32, #tpu.memory_space<vmem_shared>>
      tpu.enqueue_dma source(%dma_start3A_77 : memref<128x128xf32, #tpu.memory_space<vmem_shared>>) target(%dma_start3A_75 : memref<128x128xf32, #tpu.memory_space<vmem>>) target_semaphore(%run_scoped3A : memref<!tpu.dma_semaphore, #tpu.memory_space<semaphore_mem>>)
      %dma_wait3A = arith.constant 0 : i32
      %dma_wait3A_78 = arith.constant 0 : i32
      %dma_wait3A_79 = tpu.memref_slice %arg8[%dma_wait3A, %dma_wait3A_78] : memref<128x128xf32, #tpu.memory_space<vmem>> -> memref<128x128xf32, #tpu.memory_space<vmem>>
      %dma_wait3A_80 = arith.constant 0 : i32
      %dma_wait3A_81 = tpu.memref_slice %arg11[%add3A_43, %dma_wait3A_80] : memref<5248x128xf32, #tpu.memory_space<vmem_shared>> -> memref<128x128xf32, #tpu.memory_space<vmem_shared>>
      %dma_wait3A_82 = arith.constant 0 : i32
      %dma_wait3A_83 = arith.constant 0 : i32
      %dma_wait3A_84 = tpu.memref_slice %arg8[%dma_wait3A_82, %dma_wait3A_83] : memref<128x128xf32, #tpu.memory_space<vmem>> -> memref<128x128xf32, #tpu.memory_space<vmem>>
      %dma_wait3A_85 = arith.constant 0 : i32
      %dma_wait3A_86 = tpu.memref_slice %arg11[%add3A_43, %dma_wait3A_85] : memref<5248x128xf32, #tpu.memory_space<vmem_shared>> -> memref<128x128xf32, #tpu.memory_space<vmem_shared>>
      tpu.wait_dma2 semaphore(%run_scoped3A : memref<!tpu.dma_semaphore, #tpu.memory_space<semaphore_mem>>) src(%dma_wait3A_86 : memref<128x128xf32, #tpu.memory_space<vmem_shared>>) dst(%dma_wait3A_84 : memref<128x128xf32, #tpu.memory_space<vmem>>)
      tpu.yield
    }) : () -> ()
    %scan3A_44 = arith.constant 0 : i32
    %scan3A_45 = arith.constant 0 : i32
    %scan3A_46 = arith.constant 64 : i32
    %scan3A_47 = arith.addi %scan3A_45, %scan3A_46 : i32
    %scan3A_48 = arith.constant 1 : i32
    scf.for %scan3A_68 = %scan3A_45 to %scan3A_47 step %scan3A_48  : i32 {
      %mul3A_69 = arith.constant 2 : i32
      %mul3A_70 = arith.muli %mul3A_69, %scan3A_68 : i32
      %add3A_71 = arith.constant 0 : i32
      %add3A_72 = arith.addi %mul3A_70, %add3A_71 : i32
      %get3A = tpu.memref_bitcast %arg8 : memref<128x128xf32, #tpu.memory_space<vmem>> -> memref<128x128xi32, #tpu.memory_space<vmem>>
      %get3A_73 = arith.index_cast %add3A_72 : i32 to index
      %get3A_74 = arith.constant 0 : index
      %get3A_75 = tpu.vector_load %get3A[%get3A_73, %get3A_74] {strides = array<i32>} : memref<128x128xi32, #tpu.memory_space<vmem>>, vector<1x16xi32>,
      %get3A_76 = vector.shape_cast %get3A_75 : vector<1x16xi32> to vector<16xi32>
      %mul3A_77 = arith.constant 2 : i32
      %mul3A_78 = arith.muli %mul3A_77, %scan3A_68 : i32
      %add3A_79 = arith.constant 0 : i32
      %add3A_80 = arith.addi %mul3A_78, %add3A_79 : i32
      %get3A_81 = tpu.memref_bitcast %arg8 : memref<128x128xf32, #tpu.memory_space<vmem>> -> memref<128x128xi32, #tpu.memory_space<vmem>>
      %get3A_82 = arith.index_cast %add3A_80 : i32 to index
      %get3A_83 = arith.constant 16 : index
      %get3A_84 = tpu.vector_load %get3A_81[%get3A_82, %get3A_83] {strides = array<i32>} : memref<128x128xi32, #tpu.memory_space<vmem>>, vector<1x16xi32>,
      %get3A_85 = vector.shape_cast %get3A_84 : vector<1x16xi32> to vector<16xi32>
      %add3A_86 = arith.constant 32767 : i32
      %add3A_87 = vector.broadcast %add3A_86 : i32 to vector<16xi32>
      %add3A_88 = arith.addi %get3A_76, %add3A_87 : vector<16xi32>
      %shift_right_arithmetic3A = arith.constant 16 : i32
      %shift_right_arithmetic3A_89 = vector.broadcast %shift_right_arithmetic3A : i32 to vector<16xi32>
      %shift_right_arithmetic3A_90 = arith.shrsi %get3A_76, %shift_right_arithmetic3A_89 : vector<16xi32>
      %and3A = arith.constant 1 : i32
      %and3A_91 = vector.broadcast %and3A : i32 to vector<16xi32>
      %and3A_92 = arith.andi %shift_right_arithmetic3A_90, %and3A_91 : vector<16xi32>
      %add3A_93 = arith.addi %add3A_88, %and3A_92 : vector<16xi32>
      %add3A_94 = arith.constant 32767 : i32
      %add3A_95 = vector.broadcast %add3A_94 : i32 to vector<16xi32>
      %add3A_96 = arith.addi %get3A_85, %add3A_95 : vector<16xi32>
      %shift_right_arithmetic3A_97 = arith.constant 16 : i32
      %shift_right_arithmetic3A_98 = vector.broadcast %shift_right_arithmetic3A_97 : i32 to vector<16xi32>
      %shift_right_arithmetic3A_99 = arith.shrsi %get3A_85, %shift_right_arithmetic3A_98 : vector<16xi32>
      %and3A_100 = arith.constant 1 : i32
      %and3A_101 = vector.broadcast %and3A_100 : i32 to vector<16xi32>
      %and3A_102 = arith.andi %shift_right_arithmetic3A_99, %and3A_101 : vector<16xi32>
      %add3A_103 = arith.addi %add3A_96, %and3A_102 : vector<16xi32>
      %shift_right_arithmetic3A_104 = arith.constant 16 : i32
      %shift_right_arithmetic3A_105 = vector.broadcast %shift_right_arithmetic3A_104 : i32 to vector<16xi32>
      %shift_right_arithmetic3A_106 = arith.shrsi %add3A_93, %shift_right_arithmetic3A_105 : vector<16xi32>
      %and3A_107 = arith.constant 65535 : i32
      %and3A_108 = vector.broadcast %and3A_107 : i32 to vector<16xi32>
      %and3A_109 = arith.andi %shift_right_arithmetic3A_106, %and3A_108 : vector<16xi32>
      %and3A_110 = arith.constant -65536 : i32
      %and3A_111 = vector.broadcast %and3A_110 : i32 to vector<16xi32>
      %and3A_112 = arith.andi %add3A_103, %and3A_111 : vector<16xi32>
      %or3A = arith.ori %and3A_109, %and3A_112 : vector<16xi32>
      %swap3A = arith.index_cast %scan3A_68 : i32 to index
      %swap3A_113 = arith.constant 0 : index
      %swap3A_114 = tpu.vector_load %arg10[%swap3A, %swap3A_113] {strides = array<i32>} : memref<64x128xi32, #tpu.memory_space<vmem>>, vector<1x16xi32>,
      %swap3A_115 = vector.shape_cast %swap3A_114 : vector<1x16xi32> to vector<16xi32>
      %swap3A_116 = vector.shape_cast %or3A : vector<16xi32> to vector<1x16xi32>
      tpu.vector_store %arg10[%swap3A, %swap3A_113], %swap3A_116 {strides = array<i32>} : memref<64x128xi32, #tpu.memory_space<vmem>>, vector<1x16xi32>,
      %mul3A_117 = arith.constant 2 : i32
      %mul3A_118 = arith.muli %mul3A_117, %scan3A_68 : i32
      %add3A_119 = arith.constant 0 : i32
      %add3A_120 = arith.addi %mul3A_118, %add3A_119 : i32
      %get3A_121 = tpu.memref_bitcast %arg8 : memref<128x128xf32, #tpu.memory_space<vmem>> -> memref<128x128xi32, #tpu.memory_space<vmem>>
      %get3A_122 = arith.index_cast %add3A_120 : i32 to index
      %get3A_123 = arith.constant 32 : index
      %get3A_124 = tpu.vector_load %get3A_121[%get3A_122, %get3A_123] {strides = array<i32>} : memref<128x128xi32, #tpu.memory_space<vmem>>, vector<1x16xi32>,
      %get3A_125 = vector.shape_cast %get3A_124 : vector<1x16xi32> to vector<16xi32>
      %mul3A_126 = arith.constant 2 : i32
      %mul3A_127 = arith.muli %mul3A_126, %scan3A_68 : i32
      %add3A_128 = arith.constant 0 : i32
      %add3A_129 = arith.addi %mul3A_127, %add3A_128 : i32
      %get3A_130 = tpu.memref_bitcast %arg8 : memref<128x128xf32, #tpu.memory_space<vmem>> -> memref<128x128xi32, #tpu.memory_space<vmem>>
      %get3A_131 = arith.index_cast %add3A_129 : i32 to index
      %get3A_132 = arith.constant 48 : index
      %get3A_133 = tpu.vector_load %get3A_130[%get3A_131, %get3A_132] {strides = array<i32>} : memref<128x128xi32, #tpu.memory_space<vmem>>, vector<1x16xi32>,
      %get3A_134 = vector.shape_cast %get3A_133 : vector<1x16xi32> to vector<16xi32>
      %add3A_135 = arith.constant 32767 : i32
      %add3A_136 = vector.broadcast %add3A_135 : i32 to vector<16xi32>
      %add3A_137 = arith.addi %get3A_125, %add3A_136 : vector<16xi32>
      %shift_right_arithmetic3A_138 = arith.constant 16 : i32
      %shift_right_arithmetic3A_139 = vector.broadcast %shift_right_arithmetic3A_138 : i32 to vector<16xi32>
      %shift_right_arithmetic3A_140 = arith.shrsi %get3A_125, %shift_right_arithmetic3A_139 : vector<16xi32>
      %and3A_141 = arith.constant 1 : i32
      %and3A_142 = vector.broadcast %and3A_141 : i32 to vector<16xi32>
      %and3A_143 = arith.andi %shift_right_arithmetic3A_140, %and3A_142 : vector<16xi32>
      %add3A_144 = arith.addi %add3A_137, %and3A_143 : vector<16xi32>
      %add3A_145 = arith.constant 32767 : i32
      %add3A_146 = vector.broadcast %add3A_145 : i32 to vector<16xi32>
      %add3A_147 = arith.addi %get3A_134, %add3A_146 : vector<16xi32>
      %shift_right_arithmetic3A_148 = arith.constant 16 : i32
      %shift_right_arithmetic3A_149 = vector.broadcast %shift_right_arithmetic3A_148 : i32 to vector<16xi32>
      %shift_right_arithmetic3A_150 = arith.shrsi %get3A_134, %shift_right_arithmetic3A_149 : vector<16xi32>
      %and3A_151 = arith.constant 1 : i32
      %and3A_152 = vector.broadcast %and3A_151 : i32 to vector<16xi32>
      %and3A_153 = arith.andi %shift_right_arithmetic3A_150, %and3A_152 : vector<16xi32>
      %add3A_154 = arith.addi %add3A_147, %and3A_153 : vector<16xi32>
      %shift_right_arithmetic3A_155 = arith.constant 16 : i32
      %shift_right_arithmetic3A_156 = vector.broadcast %shift_right_arithmetic3A_155 : i32 to vector<16xi32>
      %shift_right_arithmetic3A_157 = arith.shrsi %add3A_144, %shift_right_arithmetic3A_156 : vector<16xi32>
      %and3A_158 = arith.constant 65535 : i32
      %and3A_159 = vector.broadcast %and3A_158 : i32 to vector<16xi32>
      %and3A_160 = arith.andi %shift_right_arithmetic3A_157, %and3A_159 : vector<16xi32>
      %and3A_161 = arith.constant -65536 : i32
      %and3A_162 = vector.broadcast %and3A_161 : i32 to vector<16xi32>
      %and3A_163 = arith.andi %add3A_154, %and3A_162 : vector<16xi32>
      %or3A_164 = arith.ori %and3A_160, %and3A_163 : vector<16xi32>
      %swap3A_165 = arith.index_cast %scan3A_68 : i32 to index
      %swap3A_166 = arith.constant 16 : index
      %swap3A_167 = tpu.vector_load %arg10[%swap3A_165, %swap3A_166] {strides = array<i32>} : memref<64x128xi32, #tpu.memory_space<vmem>>, vector<1x16xi32>,
      %swap3A_168 = vector.shape_cast %swap3A_167 : vector<1x16xi32> to vector<16xi32>
      %swap3A_169 = vector.shape_cast %or3A_164 : vector<16xi32> to vector<1x16xi32>
      tpu.vector_store %arg10[%swap3A_165, %swap3A_166], %swap3A_169 {strides = array<i32>} : memref<64x128xi32, #tpu.memory_space<vmem>>, vector<1x16xi32>,
      %mul3A_170 = arith.constant 2 : i32
      %mul3A_171 = arith.muli %mul3A_170, %scan3A_68 : i32
      %add3A_172 = arith.constant 0 : i32
      %add3A_173 = arith.addi %mul3A_171, %add3A_172 : i32
      %get3A_174 = tpu.memref_bitcast %arg8 : memref<128x128xf32, #tpu.memory_space<vmem>> -> memref<128x128xi32, #tpu.memory_space<vmem>>
      %get3A_175 = arith.index_cast %add3A_173 : i32 to index
      %get3A_176 = arith.constant 64 : index
      %get3A_177 = tpu.vector_load %get3A_174[%get3A_175, %get3A_176] {strides = array<i32>} : memref<128x128xi32, #tpu.memory_space<vmem>>, vector<1x16xi32>,
      %get3A_178 = vector.shape_cast %get3A_177 : vector<1x16xi32> to vector<16xi32>
      %mul3A_179 = arith.constant 2 : i32
      %mul3A_180 = arith.muli %mul3A_179, %scan3A_68 : i32
      %add3A_181 = arith.constant 0 : i32
      %add3A_182 = arith.addi %mul3A_180, %add3A_181 : i32
      %get3A_183 = tpu.memref_bitcast %arg8 : memref<128x128xf32, #tpu.memory_space<vmem>> -> memref<128x128xi32, #tpu.memory_space<vmem>>
      %get3A_184 = arith.index_cast %add3A_182 : i32 to index
      %get3A_185 = arith.constant 80 : index
      %get3A_186 = tpu.vector_load %get3A_183[%get3A_184, %get3A_185] {strides = array<i32>} : memref<128x128xi32, #tpu.memory_space<vmem>>, vector<1x16xi32>,
      %get3A_187 = vector.shape_cast %get3A_186 : vector<1x16xi32> to vector<16xi32>
      %add3A_188 = arith.constant 32767 : i32
      %add3A_189 = vector.broadcast %add3A_188 : i32 to vector<16xi32>
      %add3A_190 = arith.addi %get3A_178, %add3A_189 : vector<16xi32>
      %shift_right_arithmetic3A_191 = arith.constant 16 : i32
      %shift_right_arithmetic3A_192 = vector.broadcast %shift_right_arithmetic3A_191 : i32 to vector<16xi32>
      %shift_right_arithmetic3A_193 = arith.shrsi %get3A_178, %shift_right_arithmetic3A_192 : vector<16xi32>
      %and3A_194 = arith.constant 1 : i32
      %and3A_195 = vector.broadcast %and3A_194 : i32 to vector<16xi32>
      %and3A_196 = arith.andi %shift_right_arithmetic3A_193, %and3A_195 : vector<16xi32>
      %add3A_197 = arith.addi %add3A_190, %and3A_196 : vector<16xi32>
      %add3A_198 = arith.constant 32767 : i32
      %add3A_199 = vector.broadcast %add3A_198 : i32 to vector<16xi32>
      %add3A_200 = arith.addi %get3A_187, %add3A_199 : vector<16xi32>
      %shift_right_arithmetic3A_201 = arith.constant 16 : i32
      %shift_right_arithmetic3A_202 = vector.broadcast %shift_right_arithmetic3A_201 : i32 to vector<16xi32>
      %shift_right_arithmetic3A_203 = arith.shrsi %get3A_187, %shift_right_arithmetic3A_202 : vector<16xi32>
      %and3A_204 = arith.constant 1 : i32
      %and3A_205 = vector.broadcast %and3A_204 : i32 to vector<16xi32>
      %and3A_206 = arith.andi %shift_right_arithmetic3A_203, %and3A_205 : vector<16xi32>
      %add3A_207 = arith.addi %add3A_200, %and3A_206 : vector<16xi32>
      %shift_right_arithmetic3A_208 = arith.constant 16 : i32
      %shift_right_arithmetic3A_209 = vector.broadcast %shift_right_arithmetic3A_208 : i32 to vector<16xi32>
      %shift_right_arithmetic3A_210 = arith.shrsi %add3A_197, %shift_right_arithmetic3A_209 : vector<16xi32>
      %and3A_211 = arith.constant 65535 : i32
      %and3A_212 = vector.broadcast %and3A_211 : i32 to vector<16xi32>
      %and3A_213 = arith.andi %shift_right_arithmetic3A_210, %and3A_212 : vector<16xi32>
      %and3A_214 = arith.constant -65536 : i32
      %and3A_215 = vector.broadcast %and3A_214 : i32 to vector<16xi32>
      %and3A_216 = arith.andi %add3A_207, %and3A_215 : vector<16xi32>
      %or3A_217 = arith.ori %and3A_213, %and3A_216 : vector<16xi32>
      %swap3A_218 = arith.index_cast %scan3A_68 : i32 to index
      %swap3A_219 = arith.constant 32 : index
      %swap3A_220 = tpu.vector_load %arg10[%swap3A_218, %swap3A_219] {strides = array<i32>} : memref<64x128xi32, #tpu.memory_space<vmem>>, vector<1x16xi32>,
      %swap3A_221 = vector.shape_cast %swap3A_220 : vector<1x16xi32> to vector<16xi32>
      %swap3A_222 = vector.shape_cast %or3A_217 : vector<16xi32> to vector<1x16xi32>
      tpu.vector_store %arg10[%swap3A_218, %swap3A_219], %swap3A_222 {strides = array<i32>} : memref<64x128xi32, #tpu.memory_space<vmem>>, vector<1x16xi32>,
      %mul3A_223 = arith.constant 2 : i32
      %mul3A_224 = arith.muli %mul3A_223, %scan3A_68 : i32
      %add3A_225 = arith.constant 0 : i32
      %add3A_226 = arith.addi %mul3A_224, %add3A_225 : i32
      %get3A_227 = tpu.memref_bitcast %arg8 : memref<128x128xf32, #tpu.memory_space<vmem>> -> memref<128x128xi32, #tpu.memory_space<vmem>>
      %get3A_228 = arith.index_cast %add3A_226 : i32 to index
      %get3A_229 = arith.constant 96 : index
      %get3A_230 = tpu.vector_load %get3A_227[%get3A_228, %get3A_229] {strides = array<i32>} : memref<128x128xi32, #tpu.memory_space<vmem>>, vector<1x16xi32>,
      %get3A_231 = vector.shape_cast %get3A_230 : vector<1x16xi32> to vector<16xi32>
      %mul3A_232 = arith.constant 2 : i32
      %mul3A_233 = arith.muli %mul3A_232, %scan3A_68 : i32
      %add3A_234 = arith.constant 0 : i32
      %add3A_235 = arith.addi %mul3A_233, %add3A_234 : i32
      %get3A_236 = tpu.memref_bitcast %arg8 : memref<128x128xf32, #tpu.memory_space<vmem>> -> memref<128x128xi32, #tpu.memory_space<vmem>>
      %get3A_237 = arith.index_cast %add3A_235 : i32 to index
      %get3A_238 = arith.constant 112 : index
      %get3A_239 = tpu.vector_load %get3A_236[%get3A_237, %get3A_238] {strides = array<i32>} : memref<128x128xi32, #tpu.memory_space<vmem>>, vector<1x16xi32>,
      %get3A_240 = vector.shape_cast %get3A_239 : vector<1x16xi32> to vector<16xi32>
      %add3A_241 = arith.constant 32767 : i32
      %add3A_242 = vector.broadcast %add3A_241 : i32 to vector<16xi32>
      %add3A_243 = arith.addi %get3A_231, %add3A_242 : vector<16xi32>
      %shift_right_arithmetic3A_244 = arith.constant 16 : i32
      %shift_right_arithmetic3A_245 = vector.broadcast %shift_right_arithmetic3A_244 : i32 to vector<16xi32>
      %shift_right_arithmetic3A_246 = arith.shrsi %get3A_231, %shift_right_arithmetic3A_245 : vector<16xi32>
      %and3A_247 = arith.constant 1 : i32
      %and3A_248 = vector.broadcast %and3A_247 : i32 to vector<16xi32>
      %and3A_249 = arith.andi %shift_right_arithmetic3A_246, %and3A_248 : vector<16xi32>
      %add3A_250 = arith.addi %add3A_243, %and3A_249 : vector<16xi32>
      %add3A_251 = arith.constant 32767 : i32
      %add3A_252 = vector.broadcast %add3A_251 : i32 to vector<16xi32>
      %add3A_253 = arith.addi %get3A_240, %add3A_252 : vector<16xi32>
      %shift_right_arithmetic3A_254 = arith.constant 16 : i32
      %shift_right_arithmetic3A_255 = vector.broadcast %shift_right_arithmetic3A_254 : i32 to vector<16xi32>
      %shift_right_arithmetic3A_256 = arith.shrsi %get3A_240, %shift_right_arithmetic3A_255 : vector<16xi32>
      %and3A_257 = arith.constant 1 : i32
      %and3A_258 = vector.broadcast %and3A_257 : i32 to vector<16xi32>
      %and3A_259 = arith.andi %shift_right_arithmetic3A_256, %and3A_258 : vector<16xi32>
      %add3A_260 = arith.addi %add3A_253, %and3A_259 : vector<16xi32>
      %shift_right_arithmetic3A_261 = arith.constant 16 : i32
      %shift_right_arithmetic3A_262 = vector.broadcast %shift_right_arithmetic3A_261 : i32 to vector<16xi32>
      %shift_right_arithmetic3A_263 = arith.shrsi %add3A_250, %shift_right_arithmetic3A_262 : vector<16xi32>
      %and3A_264 = arith.constant 65535 : i32
      %and3A_265 = vector.broadcast %and3A_264 : i32 to vector<16xi32>
      %and3A_266 = arith.andi %shift_right_arithmetic3A_263, %and3A_265 : vector<16xi32>
      %and3A_267 = arith.constant -65536 : i32
      %and3A_268 = vector.broadcast %and3A_267 : i32 to vector<16xi32>
      %and3A_269 = arith.andi %add3A_260, %and3A_268 : vector<16xi32>
      %or3A_270 = arith.ori %and3A_266, %and3A_269 : vector<16xi32>
      %swap3A_271 = arith.index_cast %scan3A_68 : i32 to index
      %swap3A_272 = arith.constant 48 : index
      %swap3A_273 = tpu.vector_load %arg10[%swap3A_271, %swap3A_272] {strides = array<i32>} : memref<64x128xi32, #tpu.memory_space<vmem>>, vector<1x16xi32>,
      %swap3A_274 = vector.shape_cast %swap3A_273 : vector<1x16xi32> to vector<16xi32>
      %swap3A_275 = vector.shape_cast %or3A_270 : vector<16xi32> to vector<1x16xi32>
      tpu.vector_store %arg10[%swap3A_271, %swap3A_272], %swap3A_275 {strides = array<i32>} : memref<64x128xi32, #tpu.memory_space<vmem>>, vector<1x16xi32>,
      %mul3A_276 = arith.constant 2 : i32
      %mul3A_277 = arith.muli %mul3A_276, %scan3A_68 : i32
      %add3A_278 = arith.constant 1 : i32
      %add3A_279 = arith.addi %mul3A_277, %add3A_278 : i32
      %get3A_280 = tpu.memref_bitcast %arg8 : memref<128x128xf32, #tpu.memory_space<vmem>> -> memref<128x128xi32, #tpu.memory_space<vmem>>
      %get3A_281 = arith.index_cast %add3A_279 : i32 to index
      %get3A_282 = arith.constant 0 : index
      %get3A_283 = tpu.vector_load %get3A_280[%get3A_281, %get3A_282] {strides = array<i32>} : memref<128x128xi32, #tpu.memory_space<vmem>>, vector<1x16xi32>,
      %get3A_284 = vector.shape_cast %get3A_283 : vector<1x16xi32> to vector<16xi32>
      %mul3A_285 = arith.constant 2 : i32
      %mul3A_286 = arith.muli %mul3A_285, %scan3A_68 : i32
      %add3A_287 = arith.constant 1 : i32
      %add3A_288 = arith.addi %mul3A_286, %add3A_287 : i32
      %get3A_289 = tpu.memref_bitcast %arg8 : memref<128x128xf32, #tpu.memory_space<vmem>> -> memref<128x128xi32, #tpu.memory_space<vmem>>
      %get3A_290 = arith.index_cast %add3A_288 : i32 to index
      %get3A_291 = arith.constant 16 : index
      %get3A_292 = tpu.vector_load %get3A_289[%get3A_290, %get3A_291] {strides = array<i32>} : memref<128x128xi32, #tpu.memory_space<vmem>>, vector<1x16xi32>,
      %get3A_293 = vector.shape_cast %get3A_292 : vector<1x16xi32> to vector<16xi32>
      %add3A_294 = arith.constant 32767 : i32
      %add3A_295 = vector.broadcast %add3A_294 : i32 to vector<16xi32>
      %add3A_296 = arith.addi %get3A_284, %add3A_295 : vector<16xi32>
      %shift_right_arithmetic3A_297 = arith.constant 16 : i32
      %shift_right_arithmetic3A_298 = vector.broadcast %shift_right_arithmetic3A_297 : i32 to vector<16xi32>
      %shift_right_arithmetic3A_299 = arith.shrsi %get3A_284, %shift_right_arithmetic3A_298 : vector<16xi32>
      %and3A_300 = arith.constant 1 : i32
      %and3A_301 = vector.broadcast %and3A_300 : i32 to vector<16xi32>
      %and3A_302 = arith.andi %shift_right_arithmetic3A_299, %and3A_301 : vector<16xi32>
      %add3A_303 = arith.addi %add3A_296, %and3A_302 : vector<16xi32>
      %add3A_304 = arith.constant 32767 : i32
      %add3A_305 = vector.broadcast %add3A_304 : i32 to vector<16xi32>
      %add3A_306 = arith.addi %get3A_293, %add3A_305 : vector<16xi32>
      %shift_right_arithmetic3A_307 = arith.constant 16 : i32
      %shift_right_arithmetic3A_308 = vector.broadcast %shift_right_arithmetic3A_307 : i32 to vector<16xi32>
      %shift_right_arithmetic3A_309 = arith.shrsi %get3A_293, %shift_right_arithmetic3A_308 : vector<16xi32>
      %and3A_310 = arith.constant 1 : i32
      %and3A_311 = vector.broadcast %and3A_310 : i32 to vector<16xi32>
      %and3A_312 = arith.andi %shift_right_arithmetic3A_309, %and3A_311 : vector<16xi32>
      %add3A_313 = arith.addi %add3A_306, %and3A_312 : vector<16xi32>
      %shift_right_arithmetic3A_314 = arith.constant 16 : i32
      %shift_right_arithmetic3A_315 = vector.broadcast %shift_right_arithmetic3A_314 : i32 to vector<16xi32>
      %shift_right_arithmetic3A_316 = arith.shrsi %add3A_303, %shift_right_arithmetic3A_315 : vector<16xi32>
      %and3A_317 = arith.constant 65535 : i32
      %and3A_318 = vector.broadcast %and3A_317 : i32 to vector<16xi32>
      %and3A_319 = arith.andi %shift_right_arithmetic3A_316, %and3A_318 : vector<16xi32>
      %and3A_320 = arith.constant -65536 : i32
      %and3A_321 = vector.broadcast %and3A_320 : i32 to vector<16xi32>
      %and3A_322 = arith.andi %add3A_313, %and3A_321 : vector<16xi32>
      %or3A_323 = arith.ori %and3A_319, %and3A_322 : vector<16xi32>
      %swap3A_324 = arith.index_cast %scan3A_68 : i32 to index
      %swap3A_325 = arith.constant 64 : index
      %swap3A_326 = tpu.vector_load %arg10[%swap3A_324, %swap3A_325] {strides = array<i32>} : memref<64x128xi32, #tpu.memory_space<vmem>>, vector<1x16xi32>,
      %swap3A_327 = vector.shape_cast %swap3A_326 : vector<1x16xi32> to vector<16xi32>
      %swap3A_328 = vector.shape_cast %or3A_323 : vector<16xi32> to vector<1x16xi32>
      tpu.vector_store %arg10[%swap3A_324, %swap3A_325], %swap3A_328 {strides = array<i32>} : memref<64x128xi32, #tpu.memory_space<vmem>>, vector<1x16xi32>,
      %mul3A_329 = arith.constant 2 : i32
      %mul3A_330 = arith.muli %mul3A_329, %scan3A_68 : i32
      %add3A_331 = arith.constant 1 : i32
      %add3A_332 = arith.addi %mul3A_330, %add3A_331 : i32
      %get3A_333 = tpu.memref_bitcast %arg8 : memref<128x128xf32, #tpu.memory_space<vmem>> -> memref<128x128xi32, #tpu.memory_space<vmem>>
      %get3A_334 = arith.index_cast %add3A_332 : i32 to index
      %get3A_335 = arith.constant 32 : index
      %get3A_336 = tpu.vector_load %get3A_333[%get3A_334, %get3A_335] {strides = array<i32>} : memref<128x128xi32, #tpu.memory_space<vmem>>, vector<1x16xi32>,
      %get3A_337 = vector.shape_cast %get3A_336 : vector<1x16xi32> to vector<16xi32>
      %mul3A_338 = arith.constant 2 : i32
      %mul3A_339 = arith.muli %mul3A_338, %scan3A_68 : i32
      %add3A_340 = arith.constant 1 : i32
      %add3A_341 = arith.addi %mul3A_339, %add3A_340 : i32
      %get3A_342 = tpu.memref_bitcast %arg8 : memref<128x128xf32, #tpu.memory_space<vmem>> -> memref<128x128xi32, #tpu.memory_space<vmem>>
      %get3A_343 = arith.index_cast %add3A_341 : i32 to index
      %get3A_344 = arith.constant 48 : index
      %get3A_345 = tpu.vector_load %get3A_342[%get3A_343, %get3A_344] {strides = array<i32>} : memref<128x128xi32, #tpu.memory_space<vmem>>, vector<1x16xi32>,
      %get3A_346 = vector.shape_cast %get3A_345 : vector<1x16xi32> to vector<16xi32>
      %add3A_347 = arith.constant 32767 : i32
      %add3A_348 = vector.broadcast %add3A_347 : i32 to vector<16xi32>
      %add3A_349 = arith.addi %get3A_337, %add3A_348 : vector<16xi32>
      %shift_right_arithmetic3A_350 = arith.constant 16 : i32
      %shift_right_arithmetic3A_351 = vector.broadcast %shift_right_arithmetic3A_350 : i32 to vector<16xi32>
      %shift_right_arithmetic3A_352 = arith.shrsi %get3A_337, %shift_right_arithmetic3A_351 : vector<16xi32>
      %and3A_353 = arith.constant 1 : i32
      %and3A_354 = vector.broadcast %and3A_353 : i32 to vector<16xi32>
      %and3A_355 = arith.andi %shift_right_arithmetic3A_352, %and3A_354 : vector<16xi32>
      %add3A_356 = arith.addi %add3A_349, %and3A_355 : vector<16xi32>
      %add3A_357 = arith.constant 32767 : i32
      %add3A_358 = vector.broadcast %add3A_357 : i32 to vector<16xi32>
      %add3A_359 = arith.addi %get3A_346, %add3A_358 : vector<16xi32>
      %shift_right_arithmetic3A_360 = arith.constant 16 : i32
      %shift_right_arithmetic3A_361 = vector.broadcast %shift_right_arithmetic3A_360 : i32 to vector<16xi32>
      %shift_right_arithmetic3A_362 = arith.shrsi %get3A_346, %shift_right_arithmetic3A_361 : vector<16xi32>
      %and3A_363 = arith.constant 1 : i32
      %and3A_364 = vector.broadcast %and3A_363 : i32 to vector<16xi32>
      %and3A_365 = arith.andi %shift_right_arithmetic3A_362, %and3A_364 : vector<16xi32>
      %add3A_366 = arith.addi %add3A_359, %and3A_365 : vector<16xi32>
      %shift_right_arithmetic3A_367 = arith.constant 16 : i32
      %shift_right_arithmetic3A_368 = vector.broadcast %shift_right_arithmetic3A_367 : i32 to vector<16xi32>
      %shift_right_arithmetic3A_369 = arith.shrsi %add3A_356, %shift_right_arithmetic3A_368 : vector<16xi32>
      %and3A_370 = arith.constant 65535 : i32
      %and3A_371 = vector.broadcast %and3A_370 : i32 to vector<16xi32>
      %and3A_372 = arith.andi %shift_right_arithmetic3A_369, %and3A_371 : vector<16xi32>
      %and3A_373 = arith.constant -65536 : i32
      %and3A_374 = vector.broadcast %and3A_373 : i32 to vector<16xi32>
      %and3A_375 = arith.andi %add3A_366, %and3A_374 : vector<16xi32>
      %or3A_376 = arith.ori %and3A_372, %and3A_375 : vector<16xi32>
      %swap3A_377 = arith.index_cast %scan3A_68 : i32 to index
      %swap3A_378 = arith.constant 80 : index
      %swap3A_379 = tpu.vector_load %arg10[%swap3A_377, %swap3A_378] {strides = array<i32>} : memref<64x128xi32, #tpu.memory_space<vmem>>, vector<1x16xi32>,
      %swap3A_380 = vector.shape_cast %swap3A_379 : vector<1x16xi32> to vector<16xi32>
      %swap3A_381 = vector.shape_cast %or3A_376 : vector<16xi32> to vector<1x16xi32>
      tpu.vector_store %arg10[%swap3A_377, %swap3A_378], %swap3A_381 {strides = array<i32>} : memref<64x128xi32, #tpu.memory_space<vmem>>, vector<1x16xi32>,
      %mul3A_382 = arith.constant 2 : i32
      %mul3A_383 = arith.muli %mul3A_382, %scan3A_68 : i32
      %add3A_384 = arith.constant 1 : i32
      %add3A_385 = arith.addi %mul3A_383, %add3A_384 : i32
      %get3A_386 = tpu.memref_bitcast %arg8 : memref<128x128xf32, #tpu.memory_space<vmem>> -> memref<128x128xi32, #tpu.memory_space<vmem>>
      %get3A_387 = arith.index_cast %add3A_385 : i32 to index
      %get3A_388 = arith.constant 64 : index
      %get3A_389 = tpu.vector_load %get3A_386[%get3A_387, %get3A_388] {strides = array<i32>} : memref<128x128xi32, #tpu.memory_space<vmem>>, vector<1x16xi32>,
      %get3A_390 = vector.shape_cast %get3A_389 : vector<1x16xi32> to vector<16xi32>
      %mul3A_391 = arith.constant 2 : i32
      %mul3A_392 = arith.muli %mul3A_391, %scan3A_68 : i32
      %add3A_393 = arith.constant 1 : i32
      %add3A_394 = arith.addi %mul3A_392, %add3A_393 : i32
      %get3A_395 = tpu.memref_bitcast %arg8 : memref<128x128xf32, #tpu.memory_space<vmem>> -> memref<128x128xi32, #tpu.memory_space<vmem>>
      %get3A_396 = arith.index_cast %add3A_394 : i32 to index
      %get3A_397 = arith.constant 80 : index
      %get3A_398 = tpu.vector_load %get3A_395[%get3A_396, %get3A_397] {strides = array<i32>} : memref<128x128xi32, #tpu.memory_space<vmem>>, vector<1x16xi32>,
      %get3A_399 = vector.shape_cast %get3A_398 : vector<1x16xi32> to vector<16xi32>
      %add3A_400 = arith.constant 32767 : i32
      %add3A_401 = vector.broadcast %add3A_400 : i32 to vector<16xi32>
      %add3A_402 = arith.addi %get3A_390, %add3A_401 : vector<16xi32>
      %shift_right_arithmetic3A_403 = arith.constant 16 : i32
      %shift_right_arithmetic3A_404 = vector.broadcast %shift_right_arithmetic3A_403 : i32 to vector<16xi32>
      %shift_right_arithmetic3A_405 = arith.shrsi %get3A_390, %shift_right_arithmetic3A_404 : vector<16xi32>
      %and3A_406 = arith.constant 1 : i32
      %and3A_407 = vector.broadcast %and3A_406 : i32 to vector<16xi32>
      %and3A_408 = arith.andi %shift_right_arithmetic3A_405, %and3A_407 : vector<16xi32>
      %add3A_409 = arith.addi %add3A_402, %and3A_408 : vector<16xi32>
      %add3A_410 = arith.constant 32767 : i32
      %add3A_411 = vector.broadcast %add3A_410 : i32 to vector<16xi32>
      %add3A_412 = arith.addi %get3A_399, %add3A_411 : vector<16xi32>
      %shift_right_arithmetic3A_413 = arith.constant 16 : i32
      %shift_right_arithmetic3A_414 = vector.broadcast %shift_right_arithmetic3A_413 : i32 to vector<16xi32>
      %shift_right_arithmetic3A_415 = arith.shrsi %get3A_399, %shift_right_arithmetic3A_414 : vector<16xi32>
      %and3A_416 = arith.constant 1 : i32
      %and3A_417 = vector.broadcast %and3A_416 : i32 to vector<16xi32>
      %and3A_418 = arith.andi %shift_right_arithmetic3A_415, %and3A_417 : vector<16xi32>
      %add3A_419 = arith.addi %add3A_412, %and3A_418 : vector<16xi32>
      %shift_right_arithmetic3A_420 = arith.constant 16 : i32
      %shift_right_arithmetic3A_421 = vector.broadcast %shift_right_arithmetic3A_420 : i32 to vector<16xi32>
      %shift_right_arithmetic3A_422 = arith.shrsi %add3A_409, %shift_right_arithmetic3A_421 : vector<16xi32>
      %and3A_423 = arith.constant 65535 : i32
      %and3A_424 = vector.broadcast %and3A_423 : i32 to vector<16xi32>
      %and3A_425 = arith.andi %shift_right_arithmetic3A_422, %and3A_424 : vector<16xi32>
      %and3A_426 = arith.constant -65536 : i32
      %and3A_427 = vector.broadcast %and3A_426 : i32 to vector<16xi32>
      %and3A_428 = arith.andi %add3A_419, %and3A_427 : vector<16xi32>
      %or3A_429 = arith.ori %and3A_425, %and3A_428 : vector<16xi32>
      %swap3A_430 = arith.index_cast %scan3A_68 : i32 to index
      %swap3A_431 = arith.constant 96 : index
      %swap3A_432 = tpu.vector_load %arg10[%swap3A_430, %swap3A_431] {strides = array<i32>} : memref<64x128xi32, #tpu.memory_space<vmem>>, vector<1x16xi32>,
      %swap3A_433 = vector.shape_cast %swap3A_432 : vector<1x16xi32> to vector<16xi32>
      %swap3A_434 = vector.shape_cast %or3A_429 : vector<16xi32> to vector<1x16xi32>
      tpu.vector_store %arg10[%swap3A_430, %swap3A_431], %swap3A_434 {strides = array<i32>} : memref<64x128xi32, #tpu.memory_space<vmem>>, vector<1x16xi32>,
      %mul3A_435 = arith.constant 2 : i32
      %mul3A_436 = arith.muli %mul3A_435, %scan3A_68 : i32
      %add3A_437 = arith.constant 1 : i32
      %add3A_438 = arith.addi %mul3A_436, %add3A_437 : i32
      %get3A_439 = tpu.memref_bitcast %arg8 : memref<128x128xf32, #tpu.memory_space<vmem>> -> memref<128x128xi32, #tpu.memory_space<vmem>>
      %get3A_440 = arith.index_cast %add3A_438 : i32 to index
      %get3A_441 = arith.constant 96 : index
      %get3A_442 = tpu.vector_load %get3A_439[%get3A_440, %get3A_441] {strides = array<i32>} : memref<128x128xi32, #tpu.memory_space<vmem>>, vector<1x16xi32>,
      %get3A_443 = vector.shape_cast %get3A_442 : vector<1x16xi32> to vector<16xi32>
      %mul3A_444 = arith.constant 2 : i32
      %mul3A_445 = arith.muli %mul3A_444, %scan3A_68 : i32
      %add3A_446 = arith.constant 1 : i32
      %add3A_447 = arith.addi %mul3A_445, %add3A_446 : i32
      %get3A_448 = tpu.memref_bitcast %arg8 : memref<128x128xf32, #tpu.memory_space<vmem>> -> memref<128x128xi32, #tpu.memory_space<vmem>>
      %get3A_449 = arith.index_cast %add3A_447 : i32 to index
      %get3A_450 = arith.constant 112 : index
      %get3A_451 = tpu.vector_load %get3A_448[%get3A_449, %get3A_450] {strides = array<i32>} : memref<128x128xi32, #tpu.memory_space<vmem>>, vector<1x16xi32>,
      %get3A_452 = vector.shape_cast %get3A_451 : vector<1x16xi32> to vector<16xi32>
      %add3A_453 = arith.constant 32767 : i32
      %add3A_454 = vector.broadcast %add3A_453 : i32 to vector<16xi32>
      %add3A_455 = arith.addi %get3A_443, %add3A_454 : vector<16xi32>
      %shift_right_arithmetic3A_456 = arith.constant 16 : i32
      %shift_right_arithmetic3A_457 = vector.broadcast %shift_right_arithmetic3A_456 : i32 to vector<16xi32>
      %shift_right_arithmetic3A_458 = arith.shrsi %get3A_443, %shift_right_arithmetic3A_457 : vector<16xi32>
      %and3A_459 = arith.constant 1 : i32
      %and3A_460 = vector.broadcast %and3A_459 : i32 to vector<16xi32>
      %and3A_461 = arith.andi %shift_right_arithmetic3A_458, %and3A_460 : vector<16xi32>
      %add3A_462 = arith.addi %add3A_455, %and3A_461 : vector<16xi32>
      %add3A_463 = arith.constant 32767 : i32
      %add3A_464 = vector.broadcast %add3A_463 : i32 to vector<16xi32>
      %add3A_465 = arith.addi %get3A_452, %add3A_464 : vector<16xi32>
      %shift_right_arithmetic3A_466 = arith.constant 16 : i32
      %shift_right_arithmetic3A_467 = vector.broadcast %shift_right_arithmetic3A_466 : i32 to vector<16xi32>
      %shift_right_arithmetic3A_468 = arith.shrsi %get3A_452, %shift_right_arithmetic3A_467 : vector<16xi32>
      %and3A_469 = arith.constant 1 : i32
      %and3A_470 = vector.broadcast %and3A_469 : i32 to vector<16xi32>
      %and3A_471 = arith.andi %shift_right_arithmetic3A_468, %and3A_470 : vector<16xi32>
      %add3A_472 = arith.addi %add3A_465, %and3A_471 : vector<16xi32>
      %shift_right_arithmetic3A_473 = arith.constant 16 : i32
      %shift_right_arithmetic3A_474 = vector.broadcast %shift_right_arithmetic3A_473 : i32 to vector<16xi32>
      %shift_right_arithmetic3A_475 = arith.shrsi %add3A_462, %shift_right_arithmetic3A_474 : vector<16xi32>
      %and3A_476 = arith.constant 65535 : i32
      %and3A_477 = vector.broadcast %and3A_476 : i32 to vector<16xi32>
      %and3A_478 = arith.andi %shift_right_arithmetic3A_475, %and3A_477 : vector<16xi32>
      %and3A_479 = arith.constant -65536 : i32
      %and3A_480 = vector.broadcast %and3A_479 : i32 to vector<16xi32>
      %and3A_481 = arith.andi %add3A_472, %and3A_480 : vector<16xi32>
      %or3A_482 = arith.ori %and3A_478, %and3A_481 : vector<16xi32>
      %swap3A_483 = arith.index_cast %scan3A_68 : i32 to index
      %swap3A_484 = arith.constant 112 : index
      %swap3A_485 = tpu.vector_load %arg10[%swap3A_483, %swap3A_484] {strides = array<i32>} : memref<64x128xi32, #tpu.memory_space<vmem>>, vector<1x16xi32>,
      %swap3A_486 = vector.shape_cast %swap3A_485 : vector<1x16xi32> to vector<16xi32>
      %swap3A_487 = vector.shape_cast %or3A_482 : vector<16xi32> to vector<1x16xi32>
      tpu.vector_store %arg10[%swap3A_483, %swap3A_484], %swap3A_487 {strides = array<i32>} : memref<64x128xi32, #tpu.memory_space<vmem>>, vector<1x16xi32>,
    }
    %scan3A_49 = arith.constant 64 : i32
    %mul3A_50 = arith.constant 160 : i32
    %mul3A_51 = arith.muli %arg1, %mul3A_50 : i32
    %add3A_52 = arith.constant 64 : i32
    %add3A_53 = arith.addi %mul3A_51, %add3A_52 : i32
    "tpu.region"() ({
      %run_scoped3A = tpu.sem_alloc : memref<!tpu.dma_semaphore, #tpu.memory_space<semaphore_mem>>
      %dma_start3A_68 = arith.constant 0 : i32
      %dma_start3A_69 = arith.constant 0 : i32
      %dma_start3A_70 = tpu.memref_slice %arg10[%dma_start3A_68, %dma_start3A_69] : memref<64x128xi32, #tpu.memory_space<vmem>> -> memref<64x128xi32, #tpu.memory_space<vmem>>
      %dma_start3A_71 = arith.constant 0 : i32
      %dma_start3A_72 = tpu.memref_slice %arg5[%arg0, %add3A_53, %dma_start3A_71] : memref<2x2560x128xi32, #tpu.memory_space<hbm>> -> memref<1x64x128xi32, #tpu.memory_space<hbm>>
      %dma_start3A_73 = tpu.memref_squeeze %dma_start3A_72 : memref<1x64x128xi32, #tpu.memory_space<hbm>> -> memref<64x128xi32, #tpu.memory_space<hbm>>
      %dma_start3A_74 = arith.constant 0 : i32
      %dma_start3A_75 = tpu.memref_slice %arg5[%arg0, %add3A_53, %dma_start3A_74] : memref<2x2560x128xi32, #tpu.memory_space<hbm>> -> memref<1x64x128xi32, #tpu.memory_space<hbm>>
      %dma_start3A_76 = tpu.memref_squeeze %dma_start3A_75 : memref<1x64x128xi32, #tpu.memory_space<hbm>> -> memref<64x128xi32, #tpu.memory_space<hbm>>
      %dma_start3A_77 = arith.constant 0 : i32
      %dma_start3A_78 = arith.constant 0 : i32
      %dma_start3A_79 = tpu.memref_slice %arg10[%dma_start3A_77, %dma_start3A_78] : memref<64x128xi32, #tpu.memory_space<vmem>> -> memref<64x128xi32, #tpu.memory_space<vmem>>
      tpu.enqueue_dma source(%dma_start3A_79 : memref<64x128xi32, #tpu.memory_space<vmem>>) target(%dma_start3A_76 : memref<64x128xi32, #tpu.memory_space<hbm>>) target_semaphore(%run_scoped3A : memref<!tpu.dma_semaphore, #tpu.memory_space<semaphore_mem>>)
      %dma_wait3A = arith.constant 0 : i32
      %dma_wait3A_80 = arith.constant 0 : i32
      %dma_wait3A_81 = tpu.memref_slice %arg10[%dma_wait3A, %dma_wait3A_80] : memref<64x128xi32, #tpu.memory_space<vmem>> -> memref<64x128xi32, #tpu.memory_space<vmem>>
      %dma_wait3A_82 = arith.constant 0 : i32
      %dma_wait3A_83 = tpu.memref_slice %arg5[%arg0, %add3A_53, %dma_wait3A_82] : memref<2x2560x128xi32, #tpu.memory_space<hbm>> -> memref<1x64x128xi32, #tpu.memory_space<hbm>>
      %dma_wait3A_84 = tpu.memref_squeeze %dma_wait3A_83 : memref<1x64x128xi32, #tpu.memory_space<hbm>> -> memref<64x128xi32, #tpu.memory_space<hbm>>
      %dma_wait3A_85 = arith.constant 0 : i32
      %dma_wait3A_86 = tpu.memref_slice %arg5[%arg0, %add3A_53, %dma_wait3A_85] : memref<2x2560x128xi32, #tpu.memory_space<hbm>> -> memref<1x64x128xi32, #tpu.memory_space<hbm>>
      %dma_wait3A_87 = tpu.memref_squeeze %dma_wait3A_86 : memref<1x64x128xi32, #tpu.memory_space<hbm>> -> memref<64x128xi32, #tpu.memory_space<hbm>>
      %dma_wait3A_88 = arith.constant 0 : i32
      %dma_wait3A_89 = arith.constant 0 : i32
      %dma_wait3A_90 = tpu.memref_slice %arg10[%dma_wait3A_88, %dma_wait3A_89] : memref<64x128xi32, #tpu.memory_space<vmem>> -> memref<64x128xi32, #tpu.memory_space<vmem>>
      tpu.wait_dma2 semaphore(%run_scoped3A : memref<!tpu.dma_semaphore, #tpu.memory_space<semaphore_mem>>) src(%dma_wait3A_90 : memref<64x128xi32, #tpu.memory_space<vmem>>) dst(%dma_wait3A_87 : memref<64x128xi32, #tpu.memory_space<hbm>>)
      tpu.yield
    }) : () -> ()
    %mul3A_54 = arith.constant 320 : i32
    %mul3A_55 = arith.muli %arg1, %mul3A_54 : i32
    %add3A_56 = arith.constant 256 : i32
    %add3A_57 = arith.addi %mul3A_55, %add3A_56 : i32
    "tpu.region"() ({
      %run_scoped3A = tpu.sem_alloc : memref<!tpu.dma_semaphore, #tpu.memory_space<semaphore_mem>>
      %dma_start3A_68 = arith.constant 0 : i32
      %dma_start3A_69 = arith.constant 0 : i32
      %dma_start3A_70 = tpu.memref_slice %arg8[%dma_start3A_68, %dma_start3A_69] : memref<128x128xf32, #tpu.memory_space<vmem>> -> memref<64x128xf32, #tpu.memory_space<vmem>>
      %dma_start3A_71 = arith.constant 0 : i32
      %dma_start3A_72 = tpu.memref_slice %arg11[%add3A_57, %dma_start3A_71] : memref<5248x128xf32, #tpu.memory_space<vmem_shared>> -> memref<64x128xf32, #tpu.memory_space<vmem_shared>>
      %dma_start3A_73 = arith.constant 0 : i32
      %dma_start3A_74 = arith.constant 0 : i32
      %dma_start3A_75 = tpu.memref_slice %arg8[%dma_start3A_73, %dma_start3A_74] : memref<128x128xf32, #tpu.memory_space<vmem>> -> memref<64x128xf32, #tpu.memory_space<vmem>>
      %dma_start3A_76 = arith.constant 0 : i32
      %dma_start3A_77 = tpu.memref_slice %arg11[%add3A_57, %dma_start3A_76] : memref<5248x128xf32, #tpu.memory_space<vmem_shared>> -> memref<64x128xf32, #tpu.memory_space<vmem_shared>>
      tpu.enqueue_dma source(%dma_start3A_77 : memref<64x128xf32, #tpu.memory_space<vmem_shared>>) target(%dma_start3A_75 : memref<64x128xf32, #tpu.memory_space<vmem>>) target_semaphore(%run_scoped3A : memref<!tpu.dma_semaphore, #tpu.memory_space<semaphore_mem>>)
      %dma_wait3A = arith.constant 0 : i32
      %dma_wait3A_78 = arith.constant 0 : i32
      %dma_wait3A_79 = tpu.memref_slice %arg8[%dma_wait3A, %dma_wait3A_78] : memref<128x128xf32, #tpu.memory_space<vmem>> -> memref<64x128xf32, #tpu.memory_space<vmem>>
      %dma_wait3A_80 = arith.constant 0 : i32
      %dma_wait3A_81 = tpu.memref_slice %arg11[%add3A_57, %dma_wait3A_80] : memref<5248x128xf32, #tpu.memory_space<vmem_shared>> -> memref<64x128xf32, #tpu.memory_space<vmem_shared>>
      %dma_wait3A_82 = arith.constant 0 : i32
      %dma_wait3A_83 = arith.constant 0 : i32
      %dma_wait3A_84 = tpu.memref_slice %arg8[%dma_wait3A_82, %dma_wait3A_83] : memref<128x128xf32, #tpu.memory_space<vmem>> -> memref<64x128xf32, #tpu.memory_space<vmem>>
      %dma_wait3A_85 = arith.constant 0 : i32
      %dma_wait3A_86 = tpu.memref_slice %arg11[%add3A_57, %dma_wait3A_85] : memref<5248x128xf32, #tpu.memory_space<vmem_shared>> -> memref<64x128xf32, #tpu.memory_space<vmem_shared>>
      tpu.wait_dma2 semaphore(%run_scoped3A : memref<!tpu.dma_semaphore, #tpu.memory_space<semaphore_mem>>) src(%dma_wait3A_86 : memref<64x128xf32, #tpu.memory_space<vmem_shared>>) dst(%dma_wait3A_84 : memref<64x128xf32, #tpu.memory_space<vmem>>)
      tpu.yield
    }) : () -> ()
    %scan3A_58 = arith.constant 0 : i32
    %scan3A_59 = arith.constant 0 : i32
    %scan3A_60 = arith.constant 32 : i32
    %scan3A_61 = arith.addi %scan3A_59, %scan3A_60 : i32
    %scan3A_62 = arith.constant 1 : i32
    scf.for %scan3A_68 = %scan3A_59 to %scan3A_61 step %scan3A_62  : i32 {
      %mul3A_69 = arith.constant 2 : i32
      %mul3A_70 = arith.muli %mul3A_69, %scan3A_68 : i32
      %add3A_71 = arith.constant 0 : i32
      %add3A_72 = arith.addi %mul3A_70, %add3A_71 : i32
      %get3A = tpu.memref_bitcast %arg8 : memref<128x128xf32, #tpu.memory_space<vmem>> -> memref<128x128xi32, #tpu.memory_space<vmem>>
      %get3A_73 = arith.index_cast %add3A_72 : i32 to index
      %get3A_74 = arith.constant 0 : index
      %get3A_75 = tpu.vector_load %get3A[%get3A_73, %get3A_74] {strides = array<i32>} : memref<128x128xi32, #tpu.memory_space<vmem>>, vector<1x16xi32>,
      %get3A_76 = vector.shape_cast %get3A_75 : vector<1x16xi32> to vector<16xi32>
      %mul3A_77 = arith.constant 2 : i32
      %mul3A_78 = arith.muli %mul3A_77, %scan3A_68 : i32
      %add3A_79 = arith.constant 0 : i32
      %add3A_80 = arith.addi %mul3A_78, %add3A_79 : i32
      %get3A_81 = tpu.memref_bitcast %arg8 : memref<128x128xf32, #tpu.memory_space<vmem>> -> memref<128x128xi32, #tpu.memory_space<vmem>>
      %get3A_82 = arith.index_cast %add3A_80 : i32 to index
      %get3A_83 = arith.constant 16 : index
      %get3A_84 = tpu.vector_load %get3A_81[%get3A_82, %get3A_83] {strides = array<i32>} : memref<128x128xi32, #tpu.memory_space<vmem>>, vector<1x16xi32>,
      %get3A_85 = vector.shape_cast %get3A_84 : vector<1x16xi32> to vector<16xi32>
      %add3A_86 = arith.constant 32767 : i32
      %add3A_87 = vector.broadcast %add3A_86 : i32 to vector<16xi32>
      %add3A_88 = arith.addi %get3A_76, %add3A_87 : vector<16xi32>
      %shift_right_arithmetic3A = arith.constant 16 : i32
      %shift_right_arithmetic3A_89 = vector.broadcast %shift_right_arithmetic3A : i32 to vector<16xi32>
      %shift_right_arithmetic3A_90 = arith.shrsi %get3A_76, %shift_right_arithmetic3A_89 : vector<16xi32>
      %and3A = arith.constant 1 : i32
      %and3A_91 = vector.broadcast %and3A : i32 to vector<16xi32>
      %and3A_92 = arith.andi %shift_right_arithmetic3A_90, %and3A_91 : vector<16xi32>
      %add3A_93 = arith.addi %add3A_88, %and3A_92 : vector<16xi32>
      %add3A_94 = arith.constant 32767 : i32
      %add3A_95 = vector.broadcast %add3A_94 : i32 to vector<16xi32>
      %add3A_96 = arith.addi %get3A_85, %add3A_95 : vector<16xi32>
      %shift_right_arithmetic3A_97 = arith.constant 16 : i32
      %shift_right_arithmetic3A_98 = vector.broadcast %shift_right_arithmetic3A_97 : i32 to vector<16xi32>
      %shift_right_arithmetic3A_99 = arith.shrsi %get3A_85, %shift_right_arithmetic3A_98 : vector<16xi32>
      %and3A_100 = arith.constant 1 : i32
      %and3A_101 = vector.broadcast %and3A_100 : i32 to vector<16xi32>
      %and3A_102 = arith.andi %shift_right_arithmetic3A_99, %and3A_101 : vector<16xi32>
      %add3A_103 = arith.addi %add3A_96, %and3A_102 : vector<16xi32>
      %shift_right_arithmetic3A_104 = arith.constant 16 : i32
      %shift_right_arithmetic3A_105 = vector.broadcast %shift_right_arithmetic3A_104 : i32 to vector<16xi32>
      %shift_right_arithmetic3A_106 = arith.shrsi %add3A_93, %shift_right_arithmetic3A_105 : vector<16xi32>
      %and3A_107 = arith.constant 65535 : i32
      %and3A_108 = vector.broadcast %and3A_107 : i32 to vector<16xi32>
      %and3A_109 = arith.andi %shift_right_arithmetic3A_106, %and3A_108 : vector<16xi32>
      %and3A_110 = arith.constant -65536 : i32
      %and3A_111 = vector.broadcast %and3A_110 : i32 to vector<16xi32>
      %and3A_112 = arith.andi %add3A_103, %and3A_111 : vector<16xi32>
      %or3A = arith.ori %and3A_109, %and3A_112 : vector<16xi32>
      %swap3A = arith.index_cast %scan3A_68 : i32 to index
      %swap3A_113 = arith.constant 0 : index
      %swap3A_114 = tpu.vector_load %arg10[%swap3A, %swap3A_113] {strides = array<i32>} : memref<64x128xi32, #tpu.memory_space<vmem>>, vector<1x16xi32>,
      %swap3A_115 = vector.shape_cast %swap3A_114 : vector<1x16xi32> to vector<16xi32>
      %swap3A_116 = vector.shape_cast %or3A : vector<16xi32> to vector<1x16xi32>
      tpu.vector_store %arg10[%swap3A, %swap3A_113], %swap3A_116 {strides = array<i32>} : memref<64x128xi32, #tpu.memory_space<vmem>>, vector<1x16xi32>,
      %mul3A_117 = arith.constant 2 : i32
      %mul3A_118 = arith.muli %mul3A_117, %scan3A_68 : i32
      %add3A_119 = arith.constant 0 : i32
      %add3A_120 = arith.addi %mul3A_118, %add3A_119 : i32
      %get3A_121 = tpu.memref_bitcast %arg8 : memref<128x128xf32, #tpu.memory_space<vmem>> -> memref<128x128xi32, #tpu.memory_space<vmem>>
      %get3A_122 = arith.index_cast %add3A_120 : i32 to index
      %get3A_123 = arith.constant 32 : index
      %get3A_124 = tpu.vector_load %get3A_121[%get3A_122, %get3A_123] {strides = array<i32>} : memref<128x128xi32, #tpu.memory_space<vmem>>, vector<1x16xi32>,
      %get3A_125 = vector.shape_cast %get3A_124 : vector<1x16xi32> to vector<16xi32>
      %mul3A_126 = arith.constant 2 : i32
      %mul3A_127 = arith.muli %mul3A_126, %scan3A_68 : i32
      %add3A_128 = arith.constant 0 : i32
      %add3A_129 = arith.addi %mul3A_127, %add3A_128 : i32
      %get3A_130 = tpu.memref_bitcast %arg8 : memref<128x128xf32, #tpu.memory_space<vmem>> -> memref<128x128xi32, #tpu.memory_space<vmem>>
      %get3A_131 = arith.index_cast %add3A_129 : i32 to index
      %get3A_132 = arith.constant 48 : index
      %get3A_133 = tpu.vector_load %get3A_130[%get3A_131, %get3A_132] {strides = array<i32>} : memref<128x128xi32, #tpu.memory_space<vmem>>, vector<1x16xi32>,
      %get3A_134 = vector.shape_cast %get3A_133 : vector<1x16xi32> to vector<16xi32>
      %add3A_135 = arith.constant 32767 : i32
      %add3A_136 = vector.broadcast %add3A_135 : i32 to vector<16xi32>
      %add3A_137 = arith.addi %get3A_125, %add3A_136 : vector<16xi32>
      %shift_right_arithmetic3A_138 = arith.constant 16 : i32
      %shift_right_arithmetic3A_139 = vector.broadcast %shift_right_arithmetic3A_138 : i32 to vector<16xi32>
      %shift_right_arithmetic3A_140 = arith.shrsi %get3A_125, %shift_right_arithmetic3A_139 : vector<16xi32>
      %and3A_141 = arith.constant 1 : i32
      %and3A_142 = vector.broadcast %and3A_141 : i32 to vector<16xi32>
      %and3A_143 = arith.andi %shift_right_arithmetic3A_140, %and3A_142 : vector<16xi32>
      %add3A_144 = arith.addi %add3A_137, %and3A_143 : vector<16xi32>
      %add3A_145 = arith.constant 32767 : i32
      %add3A_146 = vector.broadcast %add3A_145 : i32 to vector<16xi32>
      %add3A_147 = arith.addi %get3A_134, %add3A_146 : vector<16xi32>
      %shift_right_arithmetic3A_148 = arith.constant 16 : i32
      %shift_right_arithmetic3A_149 = vector.broadcast %shift_right_arithmetic3A_148 : i32 to vector<16xi32>
      %shift_right_arithmetic3A_150 = arith.shrsi %get3A_134, %shift_right_arithmetic3A_149 : vector<16xi32>
      %and3A_151 = arith.constant 1 : i32
      %and3A_152 = vector.broadcast %and3A_151 : i32 to vector<16xi32>
      %and3A_153 = arith.andi %shift_right_arithmetic3A_150, %and3A_152 : vector<16xi32>
      %add3A_154 = arith.addi %add3A_147, %and3A_153 : vector<16xi32>
      %shift_right_arithmetic3A_155 = arith.constant 16 : i32
      %shift_right_arithmetic3A_156 = vector.broadcast %shift_right_arithmetic3A_155 : i32 to vector<16xi32>
      %shift_right_arithmetic3A_157 = arith.shrsi %add3A_144, %shift_right_arithmetic3A_156 : vector<16xi32>
      %and3A_158 = arith.constant 65535 : i32
      %and3A_159 = vector.broadcast %and3A_158 : i32 to vector<16xi32>
      %and3A_160 = arith.andi %shift_right_arithmetic3A_157, %and3A_159 : vector<16xi32>
      %and3A_161 = arith.constant -65536 : i32
      %and3A_162 = vector.broadcast %and3A_161 : i32 to vector<16xi32>
      %and3A_163 = arith.andi %add3A_154, %and3A_162 : vector<16xi32>
      %or3A_164 = arith.ori %and3A_160, %and3A_163 : vector<16xi32>
      %swap3A_165 = arith.index_cast %scan3A_68 : i32 to index
      %swap3A_166 = arith.constant 16 : index
      %swap3A_167 = tpu.vector_load %arg10[%swap3A_165, %swap3A_166] {strides = array<i32>} : memref<64x128xi32, #tpu.memory_space<vmem>>, vector<1x16xi32>,
      %swap3A_168 = vector.shape_cast %swap3A_167 : vector<1x16xi32> to vector<16xi32>
      %swap3A_169 = vector.shape_cast %or3A_164 : vector<16xi32> to vector<1x16xi32>
      tpu.vector_store %arg10[%swap3A_165, %swap3A_166], %swap3A_169 {strides = array<i32>} : memref<64x128xi32, #tpu.memory_space<vmem>>, vector<1x16xi32>,
      %mul3A_170 = arith.constant 2 : i32
      %mul3A_171 = arith.muli %mul3A_170, %scan3A_68 : i32
      %add3A_172 = arith.constant 0 : i32
      %add3A_173 = arith.addi %mul3A_171, %add3A_172 : i32
      %get3A_174 = tpu.memref_bitcast %arg8 : memref<128x128xf32, #tpu.memory_space<vmem>> -> memref<128x128xi32, #tpu.memory_space<vmem>>
      %get3A_175 = arith.index_cast %add3A_173 : i32 to index
      %get3A_176 = arith.constant 64 : index
      %get3A_177 = tpu.vector_load %get3A_174[%get3A_175, %get3A_176] {strides = array<i32>} : memref<128x128xi32, #tpu.memory_space<vmem>>, vector<1x16xi32>,
      %get3A_178 = vector.shape_cast %get3A_177 : vector<1x16xi32> to vector<16xi32>
      %mul3A_179 = arith.constant 2 : i32
      %mul3A_180 = arith.muli %mul3A_179, %scan3A_68 : i32
      %add3A_181 = arith.constant 0 : i32
      %add3A_182 = arith.addi %mul3A_180, %add3A_181 : i32
      %get3A_183 = tpu.memref_bitcast %arg8 : memref<128x128xf32, #tpu.memory_space<vmem>> -> memref<128x128xi32, #tpu.memory_space<vmem>>
      %get3A_184 = arith.index_cast %add3A_182 : i32 to index
      %get3A_185 = arith.constant 80 : index
      %get3A_186 = tpu.vector_load %get3A_183[%get3A_184, %get3A_185] {strides = array<i32>} : memref<128x128xi32, #tpu.memory_space<vmem>>, vector<1x16xi32>,
      %get3A_187 = vector.shape_cast %get3A_186 : vector<1x16xi32> to vector<16xi32>
      %add3A_188 = arith.constant 32767 : i32
      %add3A_189 = vector.broadcast %add3A_188 : i32 to vector<16xi32>
      %add3A_190 = arith.addi %get3A_178, %add3A_189 : vector<16xi32>
      %shift_right_arithmetic3A_191 = arith.constant 16 : i32
      %shift_right_arithmetic3A_192 = vector.broadcast %shift_right_arithmetic3A_191 : i32 to vector<16xi32>
      %shift_right_arithmetic3A_193 = arith.shrsi %get3A_178, %shift_right_arithmetic3A_192 : vector<16xi32>
      %and3A_194 = arith.constant 1 : i32
      %and3A_195 = vector.broadcast %and3A_194 : i32 to vector<16xi32>
      %and3A_196 = arith.andi %shift_right_arithmetic3A_193, %and3A_195 : vector<16xi32>
      %add3A_197 = arith.addi %add3A_190, %and3A_196 : vector<16xi32>
      %add3A_198 = arith.constant 32767 : i32
      %add3A_199 = vector.broadcast %add3A_198 : i32 to vector<16xi32>
      %add3A_200 = arith.addi %get3A_187, %add3A_199 : vector<16xi32>
      %shift_right_arithmetic3A_201 = arith.constant 16 : i32
      %shift_right_arithmetic3A_202 = vector.broadcast %shift_right_arithmetic3A_201 : i32 to vector<16xi32>
      %shift_right_arithmetic3A_203 = arith.shrsi %get3A_187, %shift_right_arithmetic3A_202 : vector<16xi32>
      %and3A_204 = arith.constant 1 : i32
      %and3A_205 = vector.broadcast %and3A_204 : i32 to vector<16xi32>
      %and3A_206 = arith.andi %shift_right_arithmetic3A_203, %and3A_205 : vector<16xi32>
      %add3A_207 = arith.addi %add3A_200, %and3A_206 : vector<16xi32>
      %shift_right_arithmetic3A_208 = arith.constant 16 : i32
      %shift_right_arithmetic3A_209 = vector.broadcast %shift_right_arithmetic3A_208 : i32 to vector<16xi32>
      %shift_right_arithmetic3A_210 = arith.shrsi %add3A_197, %shift_right_arithmetic3A_209 : vector<16xi32>
      %and3A_211 = arith.constant 65535 : i32
      %and3A_212 = vector.broadcast %and3A_211 : i32 to vector<16xi32>
      %and3A_213 = arith.andi %shift_right_arithmetic3A_210, %and3A_212 : vector<16xi32>
      %and3A_214 = arith.constant -65536 : i32
      %and3A_215 = vector.broadcast %and3A_214 : i32 to vector<16xi32>
      %and3A_216 = arith.andi %add3A_207, %and3A_215 : vector<16xi32>
      %or3A_217 = arith.ori %and3A_213, %and3A_216 : vector<16xi32>
      %swap3A_218 = arith.index_cast %scan3A_68 : i32 to index
      %swap3A_219 = arith.constant 32 : index
      %swap3A_220 = tpu.vector_load %arg10[%swap3A_218, %swap3A_219] {strides = array<i32>} : memref<64x128xi32, #tpu.memory_space<vmem>>, vector<1x16xi32>,
      %swap3A_221 = vector.shape_cast %swap3A_220 : vector<1x16xi32> to vector<16xi32>
      %swap3A_222 = vector.shape_cast %or3A_217 : vector<16xi32> to vector<1x16xi32>
      tpu.vector_store %arg10[%swap3A_218, %swap3A_219], %swap3A_222 {strides = array<i32>} : memref<64x128xi32, #tpu.memory_space<vmem>>, vector<1x16xi32>,
      %mul3A_223 = arith.constant 2 : i32
      %mul3A_224 = arith.muli %mul3A_223, %scan3A_68 : i32
      %add3A_225 = arith.constant 0 : i32
      %add3A_226 = arith.addi %mul3A_224, %add3A_225 : i32
      %get3A_227 = tpu.memref_bitcast %arg8 : memref<128x128xf32, #tpu.memory_space<vmem>> -> memref<128x128xi32, #tpu.memory_space<vmem>>
      %get3A_228 = arith.index_cast %add3A_226 : i32 to index
      %get3A_229 = arith.constant 96 : index
      %get3A_230 = tpu.vector_load %get3A_227[%get3A_228, %get3A_229] {strides = array<i32>} : memref<128x128xi32, #tpu.memory_space<vmem>>, vector<1x16xi32>,
      %get3A_231 = vector.shape_cast %get3A_230 : vector<1x16xi32> to vector<16xi32>
      %mul3A_232 = arith.constant 2 : i32
      %mul3A_233 = arith.muli %mul3A_232, %scan3A_68 : i32
      %add3A_234 = arith.constant 0 : i32
      %add3A_235 = arith.addi %mul3A_233, %add3A_234 : i32
      %get3A_236 = tpu.memref_bitcast %arg8 : memref<128x128xf32, #tpu.memory_space<vmem>> -> memref<128x128xi32, #tpu.memory_space<vmem>>
      %get3A_237 = arith.index_cast %add3A_235 : i32 to index
      %get3A_238 = arith.constant 112 : index
      %get3A_239 = tpu.vector_load %get3A_236[%get3A_237, %get3A_238] {strides = array<i32>} : memref<128x128xi32, #tpu.memory_space<vmem>>, vector<1x16xi32>,
      %get3A_240 = vector.shape_cast %get3A_239 : vector<1x16xi32> to vector<16xi32>
      %add3A_241 = arith.constant 32767 : i32
      %add3A_242 = vector.broadcast %add3A_241 : i32 to vector<16xi32>
      %add3A_243 = arith.addi %get3A_231, %add3A_242 : vector<16xi32>
      %shift_right_arithmetic3A_244 = arith.constant 16 : i32
      %shift_right_arithmetic3A_245 = vector.broadcast %shift_right_arithmetic3A_244 : i32 to vector<16xi32>
      %shift_right_arithmetic3A_246 = arith.shrsi %get3A_231, %shift_right_arithmetic3A_245 : vector<16xi32>
      %and3A_247 = arith.constant 1 : i32
      %and3A_248 = vector.broadcast %and3A_247 : i32 to vector<16xi32>
      %and3A_249 = arith.andi %shift_right_arithmetic3A_246, %and3A_248 : vector<16xi32>
      %add3A_250 = arith.addi %add3A_243, %and3A_249 : vector<16xi32>
      %add3A_251 = arith.constant 32767 : i32
      %add3A_252 = vector.broadcast %add3A_251 : i32 to vector<16xi32>
      %add3A_253 = arith.addi %get3A_240, %add3A_252 : vector<16xi32>
      %shift_right_arithmetic3A_254 = arith.constant 16 : i32
      %shift_right_arithmetic3A_255 = vector.broadcast %shift_right_arithmetic3A_254 : i32 to vector<16xi32>
      %shift_right_arithmetic3A_256 = arith.shrsi %get3A_240, %shift_right_arithmetic3A_255 : vector<16xi32>
      %and3A_257 = arith.constant 1 : i32
      %and3A_258 = vector.broadcast %and3A_257 : i32 to vector<16xi32>
      %and3A_259 = arith.andi %shift_right_arithmetic3A_256, %and3A_258 : vector<16xi32>
      %add3A_260 = arith.addi %add3A_253, %and3A_259 : vector<16xi32>
      %shift_right_arithmetic3A_261 = arith.constant 16 : i32
      %shift_right_arithmetic3A_262 = vector.broadcast %shift_right_arithmetic3A_261 : i32 to vector<16xi32>
      %shift_right_arithmetic3A_263 = arith.shrsi %add3A_250, %shift_right_arithmetic3A_262 : vector<16xi32>
      %and3A_264 = arith.constant 65535 : i32
      %and3A_265 = vector.broadcast %and3A_264 : i32 to vector<16xi32>
      %and3A_266 = arith.andi %shift_right_arithmetic3A_263, %and3A_265 : vector<16xi32>
      %and3A_267 = arith.constant -65536 : i32
      %and3A_268 = vector.broadcast %and3A_267 : i32 to vector<16xi32>
      %and3A_269 = arith.andi %add3A_260, %and3A_268 : vector<16xi32>
      %or3A_270 = arith.ori %and3A_266, %and3A_269 : vector<16xi32>
      %swap3A_271 = arith.index_cast %scan3A_68 : i32 to index
      %swap3A_272 = arith.constant 48 : index
      %swap3A_273 = tpu.vector_load %arg10[%swap3A_271, %swap3A_272] {strides = array<i32>} : memref<64x128xi32, #tpu.memory_space<vmem>>, vector<1x16xi32>,
      %swap3A_274 = vector.shape_cast %swap3A_273 : vector<1x16xi32> to vector<16xi32>
      %swap3A_275 = vector.shape_cast %or3A_270 : vector<16xi32> to vector<1x16xi32>
      tpu.vector_store %arg10[%swap3A_271, %swap3A_272], %swap3A_275 {strides = array<i32>} : memref<64x128xi32, #tpu.memory_space<vmem>>, vector<1x16xi32>,
      %mul3A_276 = arith.constant 2 : i32
      %mul3A_277 = arith.muli %mul3A_276, %scan3A_68 : i32
      %add3A_278 = arith.constant 1 : i32
      %add3A_279 = arith.addi %mul3A_277, %add3A_278 : i32
      %get3A_280 = tpu.memref_bitcast %arg8 : memref<128x128xf32, #tpu.memory_space<vmem>> -> memref<128x128xi32, #tpu.memory_space<vmem>>
      %get3A_281 = arith.index_cast %add3A_279 : i32 to index
      %get3A_282 = arith.constant 0 : index
      %get3A_283 = tpu.vector_load %get3A_280[%get3A_281, %get3A_282] {strides = array<i32>} : memref<128x128xi32, #tpu.memory_space<vmem>>, vector<1x16xi32>,
      %get3A_284 = vector.shape_cast %get3A_283 : vector<1x16xi32> to vector<16xi32>
      %mul3A_285 = arith.constant 2 : i32
      %mul3A_286 = arith.muli %mul3A_285, %scan3A_68 : i32
      %add3A_287 = arith.constant 1 : i32
      %add3A_288 = arith.addi %mul3A_286, %add3A_287 : i32
      %get3A_289 = tpu.memref_bitcast %arg8 : memref<128x128xf32, #tpu.memory_space<vmem>> -> memref<128x128xi32, #tpu.memory_space<vmem>>
      %get3A_290 = arith.index_cast %add3A_288 : i32 to index
      %get3A_291 = arith.constant 16 : index
      %get3A_292 = tpu.vector_load %get3A_289[%get3A_290, %get3A_291] {strides = array<i32>} : memref<128x128xi32, #tpu.memory_space<vmem>>, vector<1x16xi32>,
      %get3A_293 = vector.shape_cast %get3A_292 : vector<1x16xi32> to vector<16xi32>
      %add3A_294 = arith.constant 32767 : i32
      %add3A_295 = vector.broadcast %add3A_294 : i32 to vector<16xi32>
      %add3A_296 = arith.addi %get3A_284, %add3A_295 : vector<16xi32>
      %shift_right_arithmetic3A_297 = arith.constant 16 : i32
      %shift_right_arithmetic3A_298 = vector.broadcast %shift_right_arithmetic3A_297 : i32 to vector<16xi32>
      %shift_right_arithmetic3A_299 = arith.shrsi %get3A_284, %shift_right_arithmetic3A_298 : vector<16xi32>
      %and3A_300 = arith.constant 1 : i32
      %and3A_301 = vector.broadcast %and3A_300 : i32 to vector<16xi32>
      %and3A_302 = arith.andi %shift_right_arithmetic3A_299, %and3A_301 : vector<16xi32>
      %add3A_303 = arith.addi %add3A_296, %and3A_302 : vector<16xi32>
      %add3A_304 = arith.constant 32767 : i32
      %add3A_305 = vector.broadcast %add3A_304 : i32 to vector<16xi32>
      %add3A_306 = arith.addi %get3A_293, %add3A_305 : vector<16xi32>
      %shift_right_arithmetic3A_307 = arith.constant 16 : i32
      %shift_right_arithmetic3A_308 = vector.broadcast %shift_right_arithmetic3A_307 : i32 to vector<16xi32>
      %shift_right_arithmetic3A_309 = arith.shrsi %get3A_293, %shift_right_arithmetic3A_308 : vector<16xi32>
      %and3A_310 = arith.constant 1 : i32
      %and3A_311 = vector.broadcast %and3A_310 : i32 to vector<16xi32>
      %and3A_312 = arith.andi %shift_right_arithmetic3A_309, %and3A_311 : vector<16xi32>
      %add3A_313 = arith.addi %add3A_306, %and3A_312 : vector<16xi32>
      %shift_right_arithmetic3A_314 = arith.constant 16 : i32
      %shift_right_arithmetic3A_315 = vector.broadcast %shift_right_arithmetic3A_314 : i32 to vector<16xi32>
      %shift_right_arithmetic3A_316 = arith.shrsi %add3A_303, %shift_right_arithmetic3A_315 : vector<16xi32>
      %and3A_317 = arith.constant 65535 : i32
      %and3A_318 = vector.broadcast %and3A_317 : i32 to vector<16xi32>
      %and3A_319 = arith.andi %shift_right_arithmetic3A_316, %and3A_318 : vector<16xi32>
      %and3A_320 = arith.constant -65536 : i32
      %and3A_321 = vector.broadcast %and3A_320 : i32 to vector<16xi32>
      %and3A_322 = arith.andi %add3A_313, %and3A_321 : vector<16xi32>
      %or3A_323 = arith.ori %and3A_319, %and3A_322 : vector<16xi32>
      %swap3A_324 = arith.index_cast %scan3A_68 : i32 to index
      %swap3A_325 = arith.constant 64 : index
      %swap3A_326 = tpu.vector_load %arg10[%swap3A_324, %swap3A_325] {strides = array<i32>} : memref<64x128xi32, #tpu.memory_space<vmem>>, vector<1x16xi32>,
      %swap3A_327 = vector.shape_cast %swap3A_326 : vector<1x16xi32> to vector<16xi32>
      %swap3A_328 = vector.shape_cast %or3A_323 : vector<16xi32> to vector<1x16xi32>
      tpu.vector_store %arg10[%swap3A_324, %swap3A_325], %swap3A_328 {strides = array<i32>} : memref<64x128xi32, #tpu.memory_space<vmem>>, vector<1x16xi32>,
      %mul3A_329 = arith.constant 2 : i32
      %mul3A_330 = arith.muli %mul3A_329, %scan3A_68 : i32
      %add3A_331 = arith.constant 1 : i32
      %add3A_332 = arith.addi %mul3A_330, %add3A_331 : i32
      %get3A_333 = tpu.memref_bitcast %arg8 : memref<128x128xf32, #tpu.memory_space<vmem>> -> memref<128x128xi32, #tpu.memory_space<vmem>>
      %get3A_334 = arith.index_cast %add3A_332 : i32 to index
      %get3A_335 = arith.constant 32 : index
      %get3A_336 = tpu.vector_load %get3A_333[%get3A_334, %get3A_335] {strides = array<i32>} : memref<128x128xi32, #tpu.memory_space<vmem>>, vector<1x16xi32>,
      %get3A_337 = vector.shape_cast %get3A_336 : vector<1x16xi32> to vector<16xi32>
      %mul3A_338 = arith.constant 2 : i32
      %mul3A_339 = arith.muli %mul3A_338, %scan3A_68 : i32
      %add3A_340 = arith.constant 1 : i32
      %add3A_341 = arith.addi %mul3A_339, %add3A_340 : i32
      %get3A_342 = tpu.memref_bitcast %arg8 : memref<128x128xf32, #tpu.memory_space<vmem>> -> memref<128x128xi32, #tpu.memory_space<vmem>>
      %get3A_343 = arith.index_cast %add3A_341 : i32 to index
      %get3A_344 = arith.constant 48 : index
      %get3A_345 = tpu.vector_load %get3A_342[%get3A_343, %get3A_344] {strides = array<i32>} : memref<128x128xi32, #tpu.memory_space<vmem>>, vector<1x16xi32>,
      %get3A_346 = vector.shape_cast %get3A_345 : vector<1x16xi32> to vector<16xi32>
      %add3A_347 = arith.constant 32767 : i32
      %add3A_348 = vector.broadcast %add3A_347 : i32 to vector<16xi32>
      %add3A_349 = arith.addi %get3A_337, %add3A_348 : vector<16xi32>
      %shift_right_arithmetic3A_350 = arith.constant 16 : i32
      %shift_right_arithmetic3A_351 = vector.broadcast %shift_right_arithmetic3A_350 : i32 to vector<16xi32>
      %shift_right_arithmetic3A_352 = arith.shrsi %get3A_337, %shift_right_arithmetic3A_351 : vector<16xi32>
      %and3A_353 = arith.constant 1 : i32
      %and3A_354 = vector.broadcast %and3A_353 : i32 to vector<16xi32>
      %and3A_355 = arith.andi %shift_right_arithmetic3A_352, %and3A_354 : vector<16xi32>
      %add3A_356 = arith.addi %add3A_349, %and3A_355 : vector<16xi32>
      %add3A_357 = arith.constant 32767 : i32
      %add3A_358 = vector.broadcast %add3A_357 : i32 to vector<16xi32>
      %add3A_359 = arith.addi %get3A_346, %add3A_358 : vector<16xi32>
      %shift_right_arithmetic3A_360 = arith.constant 16 : i32
      %shift_right_arithmetic3A_361 = vector.broadcast %shift_right_arithmetic3A_360 : i32 to vector<16xi32>
      %shift_right_arithmetic3A_362 = arith.shrsi %get3A_346, %shift_right_arithmetic3A_361 : vector<16xi32>
      %and3A_363 = arith.constant 1 : i32
      %and3A_364 = vector.broadcast %and3A_363 : i32 to vector<16xi32>
      %and3A_365 = arith.andi %shift_right_arithmetic3A_362, %and3A_364 : vector<16xi32>
      %add3A_366 = arith.addi %add3A_359, %and3A_365 : vector<16xi32>
      %shift_right_arithmetic3A_367 = arith.constant 16 : i32
      %shift_right_arithmetic3A_368 = vector.broadcast %shift_right_arithmetic3A_367 : i32 to vector<16xi32>
      %shift_right_arithmetic3A_369 = arith.shrsi %add3A_356, %shift_right_arithmetic3A_368 : vector<16xi32>
      %and3A_370 = arith.constant 65535 : i32
      %and3A_371 = vector.broadcast %and3A_370 : i32 to vector<16xi32>
      %and3A_372 = arith.andi %shift_right_arithmetic3A_369, %and3A_371 : vector<16xi32>
      %and3A_373 = arith.constant -65536 : i32
      %and3A_374 = vector.broadcast %and3A_373 : i32 to vector<16xi32>
      %and3A_375 = arith.andi %add3A_366, %and3A_374 : vector<16xi32>
      %or3A_376 = arith.ori %and3A_372, %and3A_375 : vector<16xi32>
      %swap3A_377 = arith.index_cast %scan3A_68 : i32 to index
      %swap3A_378 = arith.constant 80 : index
      %swap3A_379 = tpu.vector_load %arg10[%swap3A_377, %swap3A_378] {strides = array<i32>} : memref<64x128xi32, #tpu.memory_space<vmem>>, vector<1x16xi32>,
      %swap3A_380 = vector.shape_cast %swap3A_379 : vector<1x16xi32> to vector<16xi32>
      %swap3A_381 = vector.shape_cast %or3A_376 : vector<16xi32> to vector<1x16xi32>
      tpu.vector_store %arg10[%swap3A_377, %swap3A_378], %swap3A_381 {strides = array<i32>} : memref<64x128xi32, #tpu.memory_space<vmem>>, vector<1x16xi32>,
      %mul3A_382 = arith.constant 2 : i32
      %mul3A_383 = arith.muli %mul3A_382, %scan3A_68 : i32
      %add3A_384 = arith.constant 1 : i32
      %add3A_385 = arith.addi %mul3A_383, %add3A_384 : i32
      %get3A_386 = tpu.memref_bitcast %arg8 : memref<128x128xf32, #tpu.memory_space<vmem>> -> memref<128x128xi32, #tpu.memory_space<vmem>>
      %get3A_387 = arith.index_cast %add3A_385 : i32 to index
      %get3A_388 = arith.constant 64 : index
      %get3A_389 = tpu.vector_load %get3A_386[%get3A_387, %get3A_388] {strides = array<i32>} : memref<128x128xi32, #tpu.memory_space<vmem>>, vector<1x16xi32>,
      %get3A_390 = vector.shape_cast %get3A_389 : vector<1x16xi32> to vector<16xi32>
      %mul3A_391 = arith.constant 2 : i32
      %mul3A_392 = arith.muli %mul3A_391, %scan3A_68 : i32
      %add3A_393 = arith.constant 1 : i32
      %add3A_394 = arith.addi %mul3A_392, %add3A_393 : i32
      %get3A_395 = tpu.memref_bitcast %arg8 : memref<128x128xf32, #tpu.memory_space<vmem>> -> memref<128x128xi32, #tpu.memory_space<vmem>>
      %get3A_396 = arith.index_cast %add3A_394 : i32 to index
      %get3A_397 = arith.constant 80 : index
      %get3A_398 = tpu.vector_load %get3A_395[%get3A_396, %get3A_397] {strides = array<i32>} : memref<128x128xi32, #tpu.memory_space<vmem>>, vector<1x16xi32>,
      %get3A_399 = vector.shape_cast %get3A_398 : vector<1x16xi32> to vector<16xi32>
      %add3A_400 = arith.constant 32767 : i32
      %add3A_401 = vector.broadcast %add3A_400 : i32 to vector<16xi32>
      %add3A_402 = arith.addi %get3A_390, %add3A_401 : vector<16xi32>
      %shift_right_arithmetic3A_403 = arith.constant 16 : i32
      %shift_right_arithmetic3A_404 = vector.broadcast %shift_right_arithmetic3A_403 : i32 to vector<16xi32>
      %shift_right_arithmetic3A_405 = arith.shrsi %get3A_390, %shift_right_arithmetic3A_404 : vector<16xi32>
      %and3A_406 = arith.constant 1 : i32
      %and3A_407 = vector.broadcast %and3A_406 : i32 to vector<16xi32>
      %and3A_408 = arith.andi %shift_right_arithmetic3A_405, %and3A_407 : vector<16xi32>
      %add3A_409 = arith.addi %add3A_402, %and3A_408 : vector<16xi32>
      %add3A_410 = arith.constant 32767 : i32
      %add3A_411 = vector.broadcast %add3A_410 : i32 to vector<16xi32>
      %add3A_412 = arith.addi %get3A_399, %add3A_411 : vector<16xi32>
      %shift_right_arithmetic3A_413 = arith.constant 16 : i32
      %shift_right_arithmetic3A_414 = vector.broadcast %shift_right_arithmetic3A_413 : i32 to vector<16xi32>
      %shift_right_arithmetic3A_415 = arith.shrsi %get3A_399, %shift_right_arithmetic3A_414 : vector<16xi32>
      %and3A_416 = arith.constant 1 : i32
      %and3A_417 = vector.broadcast %and3A_416 : i32 to vector<16xi32>
      %and3A_418 = arith.andi %shift_right_arithmetic3A_415, %and3A_417 : vector<16xi32>
      %add3A_419 = arith.addi %add3A_412, %and3A_418 : vector<16xi32>
      %shift_right_arithmetic3A_420 = arith.constant 16 : i32
      %shift_right_arithmetic3A_421 = vector.broadcast %shift_right_arithmetic3A_420 : i32 to vector<16xi32>
      %shift_right_arithmetic3A_422 = arith.shrsi %add3A_409, %shift_right_arithmetic3A_421 : vector<16xi32>
      %and3A_423 = arith.constant 65535 : i32
      %and3A_424 = vector.broadcast %and3A_423 : i32 to vector<16xi32>
      %and3A_425 = arith.andi %shift_right_arithmetic3A_422, %and3A_424 : vector<16xi32>
      %and3A_426 = arith.constant -65536 : i32
      %and3A_427 = vector.broadcast %and3A_426 : i32 to vector<16xi32>
      %and3A_428 = arith.andi %add3A_419, %and3A_427 : vector<16xi32>
      %or3A_429 = arith.ori %and3A_425, %and3A_428 : vector<16xi32>
      %swap3A_430 = arith.index_cast %scan3A_68 : i32 to index
      %swap3A_431 = arith.constant 96 : index
      %swap3A_432 = tpu.vector_load %arg10[%swap3A_430, %swap3A_431] {strides = array<i32>} : memref<64x128xi32, #tpu.memory_space<vmem>>, vector<1x16xi32>,
      %swap3A_433 = vector.shape_cast %swap3A_432 : vector<1x16xi32> to vector<16xi32>
      %swap3A_434 = vector.shape_cast %or3A_429 : vector<16xi32> to vector<1x16xi32>
      tpu.vector_store %arg10[%swap3A_430, %swap3A_431], %swap3A_434 {strides = array<i32>} : memref<64x128xi32, #tpu.memory_space<vmem>>, vector<1x16xi32>,
      %mul3A_435 = arith.constant 2 : i32
      %mul3A_436 = arith.muli %mul3A_435, %scan3A_68 : i32
      %add3A_437 = arith.constant 1 : i32
      %add3A_438 = arith.addi %mul3A_436, %add3A_437 : i32
      %get3A_439 = tpu.memref_bitcast %arg8 : memref<128x128xf32, #tpu.memory_space<vmem>> -> memref<128x128xi32, #tpu.memory_space<vmem>>
      %get3A_440 = arith.index_cast %add3A_438 : i32 to index
      %get3A_441 = arith.constant 96 : index
      %get3A_442 = tpu.vector_load %get3A_439[%get3A_440, %get3A_441] {strides = array<i32>} : memref<128x128xi32, #tpu.memory_space<vmem>>, vector<1x16xi32>,
      %get3A_443 = vector.shape_cast %get3A_442 : vector<1x16xi32> to vector<16xi32>
      %mul3A_444 = arith.constant 2 : i32
      %mul3A_445 = arith.muli %mul3A_444, %scan3A_68 : i32
      %add3A_446 = arith.constant 1 : i32
      %add3A_447 = arith.addi %mul3A_445, %add3A_446 : i32
      %get3A_448 = tpu.memref_bitcast %arg8 : memref<128x128xf32, #tpu.memory_space<vmem>> -> memref<128x128xi32, #tpu.memory_space<vmem>>
      %get3A_449 = arith.index_cast %add3A_447 : i32 to index
      %get3A_450 = arith.constant 112 : index
      %get3A_451 = tpu.vector_load %get3A_448[%get3A_449, %get3A_450] {strides = array<i32>} : memref<128x128xi32, #tpu.memory_space<vmem>>, vector<1x16xi32>,
      %get3A_452 = vector.shape_cast %get3A_451 : vector<1x16xi32> to vector<16xi32>
      %add3A_453 = arith.constant 32767 : i32
      %add3A_454 = vector.broadcast %add3A_453 : i32 to vector<16xi32>
      %add3A_455 = arith.addi %get3A_443, %add3A_454 : vector<16xi32>
      %shift_right_arithmetic3A_456 = arith.constant 16 : i32
      %shift_right_arithmetic3A_457 = vector.broadcast %shift_right_arithmetic3A_456 : i32 to vector<16xi32>
      %shift_right_arithmetic3A_458 = arith.shrsi %get3A_443, %shift_right_arithmetic3A_457 : vector<16xi32>
      %and3A_459 = arith.constant 1 : i32
      %and3A_460 = vector.broadcast %and3A_459 : i32 to vector<16xi32>
      %and3A_461 = arith.andi %shift_right_arithmetic3A_458, %and3A_460 : vector<16xi32>
      %add3A_462 = arith.addi %add3A_455, %and3A_461 : vector<16xi32>
      %add3A_463 = arith.constant 32767 : i32
      %add3A_464 = vector.broadcast %add3A_463 : i32 to vector<16xi32>
      %add3A_465 = arith.addi %get3A_452, %add3A_464 : vector<16xi32>
      %shift_right_arithmetic3A_466 = arith.constant 16 : i32
      %shift_right_arithmetic3A_467 = vector.broadcast %shift_right_arithmetic3A_466 : i32 to vector<16xi32>
      %shift_right_arithmetic3A_468 = arith.shrsi %get3A_452, %shift_right_arithmetic3A_467 : vector<16xi32>
      %and3A_469 = arith.constant 1 : i32
      %and3A_470 = vector.broadcast %and3A_469 : i32 to vector<16xi32>
      %and3A_471 = arith.andi %shift_right_arithmetic3A_468, %and3A_470 : vector<16xi32>
      %add3A_472 = arith.addi %add3A_465, %and3A_471 : vector<16xi32>
      %shift_right_arithmetic3A_473 = arith.constant 16 : i32
      %shift_right_arithmetic3A_474 = vector.broadcast %shift_right_arithmetic3A_473 : i32 to vector<16xi32>
      %shift_right_arithmetic3A_475 = arith.shrsi %add3A_462, %shift_right_arithmetic3A_474 : vector<16xi32>
      %and3A_476 = arith.constant 65535 : i32
      %and3A_477 = vector.broadcast %and3A_476 : i32 to vector<16xi32>
      %and3A_478 = arith.andi %shift_right_arithmetic3A_475, %and3A_477 : vector<16xi32>
      %and3A_479 = arith.constant -65536 : i32
      %and3A_480 = vector.broadcast %and3A_479 : i32 to vector<16xi32>
      %and3A_481 = arith.andi %add3A_472, %and3A_480 : vector<16xi32>
      %or3A_482 = arith.ori %and3A_478, %and3A_481 : vector<16xi32>
      %swap3A_483 = arith.index_cast %scan3A_68 : i32 to index
      %swap3A_484 = arith.constant 112 : index
      %swap3A_485 = tpu.vector_load %arg10[%swap3A_483, %swap3A_484] {strides = array<i32>} : memref<64x128xi32, #tpu.memory_space<vmem>>, vector<1x16xi32>,
      %swap3A_486 = vector.shape_cast %swap3A_485 : vector<1x16xi32> to vector<16xi32>
      %swap3A_487 = vector.shape_cast %or3A_482 : vector<16xi32> to vector<1x16xi32>
      tpu.vector_store %arg10[%swap3A_483, %swap3A_484], %swap3A_487 {strides = array<i32>} : memref<64x128xi32, #tpu.memory_space<vmem>>, vector<1x16xi32>,
    }
    %scan3A_63 = arith.constant 32 : i32
    %mul3A_64 = arith.constant 160 : i32
    %mul3A_65 = arith.muli %arg1, %mul3A_64 : i32
    %add3A_66 = arith.constant 128 : i32
    %add3A_67 = arith.addi %mul3A_65, %add3A_66 : i32
    "tpu.region"() ({
      %run_scoped3A = tpu.sem_alloc : memref<!tpu.dma_semaphore, #tpu.memory_space<semaphore_mem>>
      %dma_start3A_68 = arith.constant 0 : i32
      %dma_start3A_69 = arith.constant 0 : i32
      %dma_start3A_70 = tpu.memref_slice %arg10[%dma_start3A_68, %dma_start3A_69] : memref<64x128xi32, #tpu.memory_space<vmem>> -> memref<32x128xi32, #tpu.memory_space<vmem>>
      %dma_start3A_71 = arith.constant 0 : i32
      %dma_start3A_72 = tpu.memref_slice %arg5[%arg0, %add3A_67, %dma_start3A_71] : memref<2x2560x128xi32, #tpu.memory_space<hbm>> -> memref<1x32x128xi32, #tpu.memory_space<hbm>>
      %dma_start3A_73 = tpu.memref_squeeze %dma_start3A_72 : memref<1x32x128xi32, #tpu.memory_space<hbm>> -> memref<32x128xi32, #tpu.memory_space<hbm>>
      %dma_start3A_74 = arith.constant 0 : i32
      %dma_start3A_75 = tpu.memref_slice %arg5[%arg0, %add3A_67, %dma_start3A_74] : memref<2x2560x128xi32, #tpu.memory_space<hbm>> -> memref<1x32x128xi32, #tpu.memory_space<hbm>>
      %dma_start3A_76 = tpu.memref_squeeze %dma_start3A_75 : memref<1x32x128xi32, #tpu.memory_space<hbm>> -> memref<32x128xi32, #tpu.memory_space<hbm>>
      %dma_start3A_77 = arith.constant 0 : i32
      %dma_start3A_78 = arith.constant 0 : i32
      %dma_start3A_79 = tpu.memref_slice %arg10[%dma_start3A_77, %dma_start3A_78] : memref<64x128xi32, #tpu.memory_space<vmem>> -> memref<32x128xi32, #tpu.memory_space<vmem>>
      tpu.enqueue_dma source(%dma_start3A_79 : memref<32x128xi32, #tpu.memory_space<vmem>>) target(%dma_start3A_76 : memref<32x128xi32, #tpu.memory_space<hbm>>) target_semaphore(%run_scoped3A : memref<!tpu.dma_semaphore, #tpu.memory_space<semaphore_mem>>)
      %dma_wait3A = arith.constant 0 : i32
      %dma_wait3A_80 = arith.constant 0 : i32
      %dma_wait3A_81 = tpu.memref_slice %arg10[%dma_wait3A, %dma_wait3A_80] : memref<64x128xi32, #tpu.memory_space<vmem>> -> memref<32x128xi32, #tpu.memory_space<vmem>>
      %dma_wait3A_82 = arith.constant 0 : i32
      %dma_wait3A_83 = tpu.memref_slice %arg5[%arg0, %add3A_67, %dma_wait3A_82] : memref<2x2560x128xi32, #tpu.memory_space<hbm>> -> memref<1x32x128xi32, #tpu.memory_space<hbm>>
      %dma_wait3A_84 = tpu.memref_squeeze %dma_wait3A_83 : memref<1x32x128xi32, #tpu.memory_space<hbm>> -> memref<32x128xi32, #tpu.memory_space<hbm>>
      %dma_wait3A_85 = arith.constant 0 : i32
      %dma_wait3A_86 = tpu.memref_slice %arg5[%arg0, %add3A_67, %dma_wait3A_85] : memref<2x2560x128xi32, #tpu.memory_space<hbm>> -> memref<1x32x128xi32, #tpu.memory_space<hbm>>
      %dma_wait3A_87 = tpu.memref_squeeze %dma_wait3A_86 : memref<1x32x128xi32, #tpu.memory_space<hbm>> -> memref<32x128xi32, #tpu.memory_space<hbm>>
      %dma_wait3A_88 = arith.constant 0 : i32
      %dma_wait3A_89 = arith.constant 0 : i32
      %dma_wait3A_90 = tpu.memref_slice %arg10[%dma_wait3A_88, %dma_wait3A_89] : memref<64x128xi32, #tpu.memory_space<vmem>> -> memref<32x128xi32, #tpu.memory_space<vmem>>
      tpu.wait_dma2 semaphore(%run_scoped3A : memref<!tpu.dma_semaphore, #tpu.memory_space<semaphore_mem>>) src(%dma_wait3A_90 : memref<32x128xi32, #tpu.memory_space<vmem>>) dst(%dma_wait3A_87 : memref<32x128xi32, #tpu.memory_space<hbm>>)
      tpu.yield
    }) : () -> ()
    return
  }
}

#map = affine_map<(d0, d1) -> (0, 0, 0)>
#map1 = affine_map<(d0, d1) -> (0, 0)>
module attributes {stable_mosaic.version = 14 : i64} {
  func.func @_deg_kernel(%arg0: i32, %arg1: i32, %arg2: memref<32x80x128xi32, #tpu.memory_space<hbm>>, %arg3: memref<2x10240xf32, #tpu.memory_space<hbm>>, %arg4: memref<80x128xi32, #tpu.memory_space<vmem>>, %arg5: memref<128xf32, #tpu.memory_space<vmem>>, %arg6: memref<640xf32, #tpu.memory_space<vmem>>, %arg7: memref<10240xf32, #tpu.memory_space<vmem_shared>>) attributes {dimension_semantics = [#tpu.dimension_semantics<core_parallel>, #tpu.dimension_semantics<subcore_parallel>], iteration_bounds = array<i64: 2, 16>, scalar_prefetch = 0 : i64, scratch_operands = 4 : i64, tpu.core_type = #tpu.core_type<sc_vector_subcore>, window_params = [{transform_indices = #map}, {transform_indices = #map1}]} {
    %mul3A = arith.constant 16 : i32
    %mul3A_0 = arith.muli %arg0, %mul3A : i32
    %add3A = arith.addi %mul3A_0, %arg1 : i32
    %scan3A = arith.constant 0 : i32
    %scan3A_1 = arith.constant 0 : i32
    %scan3A_2 = arith.constant 8 : i32
    %scan3A_3 = arith.addi %scan3A_1, %scan3A_2 : i32
    %scan3A_4 = arith.constant 1 : i32
    scf.for %scan3A_25 = %scan3A_1 to %scan3A_3 step %scan3A_4  : i32 {
      %broadcast_in_dim3A = arith.constant 1.000000e+00 : f32
      %broadcast_in_dim3A_26 = vector.broadcast %broadcast_in_dim3A : f32 to vector<16xf32>
      %mul3A_27 = arith.constant 16 : i32
      %mul3A_28 = arith.muli %scan3A_25, %mul3A_27 : i32
      %swap3A = arith.index_cast %mul3A_28 : i32 to index
      %swap3A_29 = tpu.vector_load %arg5[%swap3A] {strides = array<i32>} : memref<128xf32, #tpu.memory_space<vmem>>, vector<16xf32>,
      %swap3A_30 = vector.shape_cast %swap3A_29 : vector<16xf32> to vector<16xf32>
      %swap3A_31 = vector.shape_cast %broadcast_in_dim3A_26 : vector<16xf32> to vector<16xf32>
      tpu.vector_store %arg5[%swap3A], %swap3A_31 {strides = array<i32>} : memref<128xf32, #tpu.memory_space<vmem>>, vector<16xf32>,
    }
    %scan3A_5 = arith.constant 8 : i32
    %scan3A_6 = arith.constant 0 : i32
    %scan3A_7 = arith.constant 0 : i32
    %scan3A_8 = arith.constant 40 : i32
    %scan3A_9 = arith.addi %scan3A_7, %scan3A_8 : i32
    %scan3A_10 = arith.constant 1 : i32
    scf.for %scan3A_25 = %scan3A_7 to %scan3A_9 step %scan3A_10  : i32 {
      %broadcast_in_dim3A = arith.constant 0.000000e+00 : f32
      %broadcast_in_dim3A_26 = vector.broadcast %broadcast_in_dim3A : f32 to vector<16xf32>
      %mul3A_27 = arith.constant 16 : i32
      %mul3A_28 = arith.muli %scan3A_25, %mul3A_27 : i32
      %swap3A = arith.index_cast %mul3A_28 : i32 to index
      %swap3A_29 = tpu.vector_load %arg6[%swap3A] {strides = array<i32>} : memref<640xf32, #tpu.memory_space<vmem>>, vector<16xf32>,
      %swap3A_30 = vector.shape_cast %swap3A_29 : vector<16xf32> to vector<16xf32>
      %swap3A_31 = vector.shape_cast %broadcast_in_dim3A_26 : vector<16xf32> to vector<16xf32>
      tpu.vector_store %arg6[%swap3A], %swap3A_31 {strides = array<i32>} : memref<640xf32, #tpu.memory_space<vmem>>, vector<16xf32>,
    }
    %scan3A_11 = arith.constant 40 : i32
    %mul3A_12 = arith.constant 640 : i32
    %mul3A_13 = arith.muli %arg1, %mul3A_12 : i32
    "tpu.region"() ({
      %run_scoped3A = tpu.sem_alloc : memref<!tpu.dma_semaphore, #tpu.memory_space<semaphore_mem>>
      %dma_start3A = tpu.memref_slice %arg7[%mul3A_13] : memref<10240xf32, #tpu.memory_space<vmem_shared>> -> memref<640xf32, #tpu.memory_space<vmem_shared>>
      %dma_start3A_25 = tpu.memref_slice %arg7[%mul3A_13] : memref<10240xf32, #tpu.memory_space<vmem_shared>> -> memref<640xf32, #tpu.memory_space<vmem_shared>>
      tpu.enqueue_dma source(%arg6 : memref<640xf32, #tpu.memory_space<vmem>>) target(%dma_start3A_25 : memref<640xf32, #tpu.memory_space<vmem_shared>>) target_semaphore(%run_scoped3A : memref<!tpu.dma_semaphore, #tpu.memory_space<semaphore_mem>>)
      %dma_wait3A = tpu.memref_slice %arg7[%mul3A_13] : memref<10240xf32, #tpu.memory_space<vmem_shared>> -> memref<640xf32, #tpu.memory_space<vmem_shared>>
      %dma_wait3A_26 = tpu.memref_slice %arg7[%mul3A_13] : memref<10240xf32, #tpu.memory_space<vmem_shared>> -> memref<640xf32, #tpu.memory_space<vmem_shared>>
      tpu.wait_dma2 semaphore(%run_scoped3A : memref<!tpu.dma_semaphore, #tpu.memory_space<semaphore_mem>>) src(%arg6 : memref<640xf32, #tpu.memory_space<vmem>>) dst(%dma_wait3A_26 : memref<640xf32, #tpu.memory_space<vmem_shared>>)
      tpu.yield
    }) : () -> ()
    "tpu.region"() ({
      %run_scoped3A = tpu.sem_alloc : memref<!tpu.dma_semaphore, #tpu.memory_space<semaphore_mem>>
      %dma_start3A = arith.constant 0 : i32
      %dma_start3A_25 = arith.constant 0 : i32
      %dma_start3A_26 = tpu.memref_slice %arg2[%add3A, %dma_start3A, %dma_start3A_25] : memref<32x80x128xi32, #tpu.memory_space<hbm>> -> memref<1x80x128xi32, #tpu.memory_space<hbm>>
      %dma_start3A_27 = tpu.memref_squeeze %dma_start3A_26 : memref<1x80x128xi32, #tpu.memory_space<hbm>> -> memref<80x128xi32, #tpu.memory_space<hbm>>
      %dma_start3A_28 = arith.constant 0 : i32
      %dma_start3A_29 = arith.constant 0 : i32
      %dma_start3A_30 = tpu.memref_slice %arg2[%add3A, %dma_start3A_28, %dma_start3A_29] : memref<32x80x128xi32, #tpu.memory_space<hbm>> -> memref<1x80x128xi32, #tpu.memory_space<hbm>>
      %dma_start3A_31 = tpu.memref_squeeze %dma_start3A_30 : memref<1x80x128xi32, #tpu.memory_space<hbm>> -> memref<80x128xi32, #tpu.memory_space<hbm>>
      tpu.enqueue_dma source(%dma_start3A_31 : memref<80x128xi32, #tpu.memory_space<hbm>>) target(%arg4 : memref<80x128xi32, #tpu.memory_space<vmem>>) target_semaphore(%run_scoped3A : memref<!tpu.dma_semaphore, #tpu.memory_space<semaphore_mem>>)
      %dma_wait3A = arith.constant 0 : i32
      %dma_wait3A_32 = arith.constant 0 : i32
      %dma_wait3A_33 = tpu.memref_slice %arg2[%add3A, %dma_wait3A, %dma_wait3A_32] : memref<32x80x128xi32, #tpu.memory_space<hbm>> -> memref<1x80x128xi32, #tpu.memory_space<hbm>>
      %dma_wait3A_34 = tpu.memref_squeeze %dma_wait3A_33 : memref<1x80x128xi32, #tpu.memory_space<hbm>> -> memref<80x128xi32, #tpu.memory_space<hbm>>
      %dma_wait3A_35 = arith.constant 0 : i32
      %dma_wait3A_36 = arith.constant 0 : i32
      %dma_wait3A_37 = tpu.memref_slice %arg2[%add3A, %dma_wait3A_35, %dma_wait3A_36] : memref<32x80x128xi32, #tpu.memory_space<hbm>> -> memref<1x80x128xi32, #tpu.memory_space<hbm>>
      %dma_wait3A_38 = tpu.memref_squeeze %dma_wait3A_37 : memref<1x80x128xi32, #tpu.memory_space<hbm>> -> memref<80x128xi32, #tpu.memory_space<hbm>>
      tpu.wait_dma2 semaphore(%run_scoped3A : memref<!tpu.dma_semaphore, #tpu.memory_space<semaphore_mem>>) src(%dma_wait3A_38 : memref<80x128xi32, #tpu.memory_space<hbm>>) dst(%arg4 : memref<80x128xi32, #tpu.memory_space<vmem>>)
      tpu.yield
    }) : () -> ()
    %barrier3A = arith.constant 0 : index
    tpu.barrier barrier_id(%barrier3A)
    %scan3A_14 = arith.constant 0 : i32
    %scan3A_15 = arith.constant 0 : i32
    %scan3A_16 = arith.constant 80 : i32
    %scan3A_17 = arith.addi %scan3A_15, %scan3A_16 : i32
    %scan3A_18 = arith.constant 1 : i32
    scf.for %scan3A_25 = %scan3A_15 to %scan3A_17 step %scan3A_18  : i32 {
      "tpu.region"() ({
        %run_scoped3A = tpu.sem_alloc : memref<!tpu.dma_semaphore, #tpu.memory_space<semaphore_mem>>
        %dma_start3A = arith.constant 0 : i32
        %dma_start3A_26 = tpu.memref_slice %arg4[%scan3A_25, %dma_start3A] : memref<80x128xi32, #tpu.memory_space<vmem>> -> memref<1x128xi32, #tpu.memory_space<vmem>>
        %dma_start3A_27 = tpu.memref_squeeze %dma_start3A_26 : memref<1x128xi32, #tpu.memory_space<vmem>> -> memref<128xi32, #tpu.memory_space<vmem>>
        %dma_start3A_28 = arith.constant 0 : i32
        %dma_start3A_29 = tpu.memref_slice %arg7[%dma_start3A_28] : memref<10240xf32, #tpu.memory_space<vmem_shared>> -> memref<10240xf32, #tpu.memory_space<vmem_shared>>
        tpu.enqueue_indirect_dma source(%arg5 : memref<128xf32, #tpu.memory_space<vmem>>) target(%dma_start3A_29 : memref<10240xf32, #tpu.memory_space<vmem_shared>>) offsets(%dma_start3A_27 : memref<128xi32, #tpu.memory_space<vmem>>) semaphore(%run_scoped3A : memref<!tpu.dma_semaphore, #tpu.memory_space<semaphore_mem>>) {add = true}
        %dma_wait3A = arith.constant 0 : i32
        %dma_wait3A_30 = tpu.memref_slice %arg4[%scan3A_25, %dma_wait3A] : memref<80x128xi32, #tpu.memory_space<vmem>> -> memref<1x128xi32, #tpu.memory_space<vmem>>
        %dma_wait3A_31 = tpu.memref_squeeze %dma_wait3A_30 : memref<1x128xi32, #tpu.memory_space<vmem>> -> memref<128xi32, #tpu.memory_space<vmem>>
        %dma_wait3A_32 = arith.constant 0 : i32
        %dma_wait3A_33 = tpu.memref_slice %arg7[%dma_wait3A_32] : memref<10240xf32, #tpu.memory_space<vmem_shared>> -> memref<10240xf32, #tpu.memory_space<vmem_shared>>
        tpu.wait_indirect_dma semaphore(%run_scoped3A : memref<!tpu.dma_semaphore, #tpu.memory_space<semaphore_mem>>) src(%arg5 : memref<128xf32, #tpu.memory_space<vmem>>) dst(%dma_wait3A_33 : memref<10240xf32, #tpu.memory_space<vmem_shared>>)
        tpu.yield
      }) : () -> ()
    }
    %scan3A_19 = arith.constant 80 : i32
    %barrier3A_20 = arith.constant 0 : index
    tpu.barrier barrier_id(%barrier3A_20)
    %mul3A_21 = arith.constant 640 : i32
    %mul3A_22 = arith.muli %arg1, %mul3A_21 : i32
    "tpu.region"() ({
      %run_scoped3A = tpu.sem_alloc : memref<!tpu.dma_semaphore, #tpu.memory_space<semaphore_mem>>
      %dma_start3A = tpu.memref_slice %arg7[%mul3A_22] : memref<10240xf32, #tpu.memory_space<vmem_shared>> -> memref<640xf32, #tpu.memory_space<vmem_shared>>
      %dma_start3A_25 = tpu.memref_slice %arg7[%mul3A_22] : memref<10240xf32, #tpu.memory_space<vmem_shared>> -> memref<640xf32, #tpu.memory_space<vmem_shared>>
      tpu.enqueue_dma source(%dma_start3A_25 : memref<640xf32, #tpu.memory_space<vmem_shared>>) target(%arg6 : memref<640xf32, #tpu.memory_space<vmem>>) target_semaphore(%run_scoped3A : memref<!tpu.dma_semaphore, #tpu.memory_space<semaphore_mem>>)
      %dma_wait3A = tpu.memref_slice %arg7[%mul3A_22] : memref<10240xf32, #tpu.memory_space<vmem_shared>> -> memref<640xf32, #tpu.memory_space<vmem_shared>>
      %dma_wait3A_26 = tpu.memref_slice %arg7[%mul3A_22] : memref<10240xf32, #tpu.memory_space<vmem_shared>> -> memref<640xf32, #tpu.memory_space<vmem_shared>>
      tpu.wait_dma2 semaphore(%run_scoped3A : memref<!tpu.dma_semaphore, #tpu.memory_space<semaphore_mem>>) src(%dma_wait3A_26 : memref<640xf32, #tpu.memory_space<vmem_shared>>) dst(%arg6 : memref<640xf32, #tpu.memory_space<vmem>>)
      tpu.yield
    }) : () -> ()
    %mul3A_23 = arith.constant 640 : i32
    %mul3A_24 = arith.muli %arg1, %mul3A_23 : i32
    "tpu.region"() ({
      %run_scoped3A = tpu.sem_alloc : memref<!tpu.dma_semaphore, #tpu.memory_space<semaphore_mem>>
      %dma_start3A = tpu.memref_slice %arg3[%arg0, %mul3A_24] : memref<2x10240xf32, #tpu.memory_space<hbm>> -> memref<1x640xf32, #tpu.memory_space<hbm>>
      %dma_start3A_25 = tpu.memref_squeeze %dma_start3A : memref<1x640xf32, #tpu.memory_space<hbm>> -> memref<640xf32, #tpu.memory_space<hbm>>
      %dma_start3A_26 = tpu.memref_slice %arg3[%arg0, %mul3A_24] : memref<2x10240xf32, #tpu.memory_space<hbm>> -> memref<1x640xf32, #tpu.memory_space<hbm>>
      %dma_start3A_27 = tpu.memref_squeeze %dma_start3A_26 : memref<1x640xf32, #tpu.memory_space<hbm>> -> memref<640xf32, #tpu.memory_space<hbm>>
      tpu.enqueue_dma source(%arg6 : memref<640xf32, #tpu.memory_space<vmem>>) target(%dma_start3A_27 : memref<640xf32, #tpu.memory_space<hbm>>) target_semaphore(%run_scoped3A : memref<!tpu.dma_semaphore, #tpu.memory_space<semaphore_mem>>)
      %dma_wait3A = tpu.memref_slice %arg3[%arg0, %mul3A_24] : memref<2x10240xf32, #tpu.memory_space<hbm>> -> memref<1x640xf32, #tpu.memory_space<hbm>>
      %dma_wait3A_28 = tpu.memref_squeeze %dma_wait3A : memref<1x640xf32, #tpu.memory_space<hbm>> -> memref<640xf32, #tpu.memory_space<hbm>>
      %dma_wait3A_29 = tpu.memref_slice %arg3[%arg0, %mul3A_24] : memref<2x10240xf32, #tpu.memory_space<hbm>> -> memref<1x640xf32, #tpu.memory_space<hbm>>
      %dma_wait3A_30 = tpu.memref_squeeze %dma_wait3A_29 : memref<1x640xf32, #tpu.memory_space<hbm>> -> memref<640xf32, #tpu.memory_space<hbm>>
      tpu.wait_dma2 semaphore(%run_scoped3A : memref<!tpu.dma_semaphore, #tpu.memory_space<semaphore_mem>>) src(%arg6 : memref<640xf32, #tpu.memory_space<vmem>>) dst(%dma_wait3A_30 : memref<640xf32, #tpu.memory_space<hbm>>)
      tpu.yield
    }) : () -> ()
    return
  }
}

module attributes {stable_mosaic.version = 14 : i64} {
  func.func @_dense_body(%arg0: i32, %arg1: memref<1024x128xf32, #tpu.memory_space<vmem>>, %arg2: memref<128x128xf32, #tpu.memory_space<vmem>>, %arg3: memref<128x128xf32, #tpu.memory_space<vmem>>, %arg4: memref<2x1024xf32, #tpu.memory_space<vmem>>, %arg5: memref<1024x128xf32, #tpu.memory_space<vmem>>, %arg6: memref<1024x128xf32, #tpu.memory_space<vmem>>) attributes {dimension_semantics = [#tpu.dimension_semantics<arbitrary>], iteration_bounds = array<i64: 10>, scalar_prefetch = 0 : i64, scratch_operands = 0 : i64, tpu.core_type = #tpu.core_type<tc>, window_params = [{transform_indices = @transform_0, window_bounds = array<i64: 1024, 128>}, {pipeline_mode = #tpu.pipeline_mode<synchronous>, transform_indices = @transform_1, window_bounds = array<i64: 128, 128>}, {pipeline_mode = #tpu.pipeline_mode<synchronous>, transform_indices = @transform_2, window_bounds = array<i64: 128, 128>}, {transform_indices = @transform_3, window_bounds = array<i64: 2, 1024>}, {transform_indices = @transform_4, window_bounds = array<i64: 1024, 128>}, {transform_indices = @transform_5, window_bounds = array<i64: 1024, 128>}]} {
    %get3A = arith.constant 0 : index
    %get3A_0 = arith.constant 0 : index
    %get3A_1 = vector.load %arg4[%get3A, %get3A_0] : memref<2x1024xf32, #tpu.memory_space<vmem>>, vector<1x1024xf32>
    %get3A_2 = vector.shape_cast %get3A_1 : vector<1x1024xf32> to vector<1024xf32>
    %get3A_3 = arith.constant 1 : index
    %get3A_4 = arith.constant 0 : index
    %get3A_5 = vector.load %arg4[%get3A_3, %get3A_4] : memref<2x1024xf32, #tpu.memory_space<vmem>>, vector<1x1024xf32>
    %get3A_6 = vector.shape_cast %get3A_5 : vector<1x1024xf32> to vector<1024xf32>
    %add3A = arith.addf %get3A_2, %get3A_6 : vector<1024xf32>
    %add3A_7 = arith.constant 1.000000e+00 : f32
    %add3A_8 = vector.broadcast %add3A_7 : f32 to vector<1024xf32>
    %add3A_9 = arith.addf %add3A, %add3A_8 : vector<1024xf32>
    %rsqrt3A = math.rsqrt %add3A_9 : vector<1024xf32>
    %get3A_10 = arith.constant 0 : index
    %get3A_11 = arith.constant 0 : index
    %get3A_12 = vector.load %arg1[%get3A_10, %get3A_11] : memref<1024x128xf32, #tpu.memory_space<vmem>>, vector<1024x128xf32>
    %get3A_13 = arith.constant 0 : index
    %get3A_14 = arith.constant 0 : index
    %get3A_15 = vector.load %arg2[%get3A_13, %get3A_14] : memref<128x128xf32, #tpu.memory_space<vmem>>, vector<128x128xf32>
    %dot_general3A = arith.constant dense<0.000000e+00> : vector<1024x128xf32>
    %dot_general3A_16 = tpu.matmul %get3A_12, %get3A_15, %dot_general3A {dimension_numbers = #tpu.dot_dimension_numbers<[1], [0], [0], [1], [0, 0, 1, 1], [], []>, transpose_lhs_hint = false} : vector<1024x128xf32>, vector<128x128xf32>, vector<1024x128xf32> -> vector<1024x128xf32>
    %broadcast_in_dim3A = vector.shape_cast %rsqrt3A : vector<1024xf32> to vector<1024x1xf32>
    %mul3A = vector.broadcast %broadcast_in_dim3A : vector<1024x1xf32> to vector<1024x128xf32>
    %mul3A_17 = arith.mulf %dot_general3A_16, %mul3A : vector<1024x128xf32>
    %swap3A = arith.constant 0 : index
    %swap3A_18 = arith.constant 0 : index
    %swap3A_19 = vector.load %arg5[%swap3A, %swap3A_18] : memref<1024x128xf32, #tpu.memory_space<vmem>>, vector<1024x128xf32>
    tpu.vector_store %arg5[%swap3A, %swap3A_18], %mul3A_17 {strides = array<i32>} : memref<1024x128xf32, #tpu.memory_space<vmem>>, vector<1024x128xf32>,
    %get3A_20 = arith.constant 0 : index
    %get3A_21 = arith.constant 0 : index
    %get3A_22 = vector.load %arg1[%get3A_20, %get3A_21] : memref<1024x128xf32, #tpu.memory_space<vmem>>, vector<1024x128xf32>
    %get3A_23 = arith.constant 0 : index
    %get3A_24 = arith.constant 0 : index
    %get3A_25 = vector.load %arg3[%get3A_23, %get3A_24] : memref<128x128xf32, #tpu.memory_space<vmem>>, vector<128x128xf32>
    %dot_general3A_26 = arith.constant dense<0.000000e+00> : vector<1024x128xf32>
    %dot_general3A_27 = tpu.matmul %get3A_22, %get3A_25, %dot_general3A_26 {dimension_numbers = #tpu.dot_dimension_numbers<[1], [0], [0], [1], [0, 0, 1, 1], [], []>, transpose_lhs_hint = false} : vector<1024x128xf32>, vector<128x128xf32>, vector<1024x128xf32> -> vector<1024x128xf32>
    %broadcast_in_dim3A_28 = vector.shape_cast %rsqrt3A : vector<1024xf32> to vector<1024x1xf32>
    %mul3A_29 = vector.broadcast %broadcast_in_dim3A_28 : vector<1024x1xf32> to vector<1024x128xf32>
    %mul3A_30 = arith.mulf %dot_general3A_27, %mul3A_29 : vector<1024x128xf32>
    %swap3A_31 = arith.constant 0 : index
    %swap3A_32 = arith.constant 0 : index
    %swap3A_33 = vector.load %arg6[%swap3A_31, %swap3A_32] : memref<1024x128xf32, #tpu.memory_space<vmem>>, vector<1024x128xf32>
    tpu.vector_store %arg6[%swap3A_31, %swap3A_32], %mul3A_30 {strides = array<i32>} : memref<1024x128xf32, #tpu.memory_space<vmem>>, vector<1024x128xf32>,
    return
  }
  func.func @transform_0(%arg0: i32) -> (i32, i32) {
    %c0_i32 = arith.constant 0 : i32
    %c0_i32_0 = arith.constant 0 : i32
    return %arg0, %c0_i32 : i32, i32
  }
  func.func @transform_1(%arg0: i32) -> (i32, i32) {
    %c0_i32 = arith.constant 0 : i32
    %c0_i32_0 = arith.constant 0 : i32
    %c0_i32_1 = arith.constant 0 : i32
    return %c0_i32, %c0_i32_0 : i32, i32
  }
  func.func @transform_2(%arg0: i32) -> (i32, i32) {
    %c0_i32 = arith.constant 0 : i32
    %c0_i32_0 = arith.constant 0 : i32
    %c0_i32_1 = arith.constant 0 : i32
    return %c0_i32, %c0_i32_0 : i32, i32
  }
  func.func @transform_3(%arg0: i32) -> (i32, i32) {
    %c0_i32 = arith.constant 0 : i32
    %c0_i32_0 = arith.constant 0 : i32
    return %c0_i32, %arg0 : i32, i32
  }
  func.func @transform_4(%arg0: i32) -> (i32, i32) {
    %c0_i32 = arith.constant 0 : i32
    %c0_i32_0 = arith.constant 0 : i32
    return %arg0, %c0_i32 : i32, i32
  }
  func.func @transform_5(%arg0: i32) -> (i32, i32) {
    %c0_i32 = arith.constant 0 : i32
    %c0_i32_0 = arith.constant 0 : i32
    return %arg0, %c0_i32 : i32, i32
  }
}

module attributes {stable_mosaic.version = 14 : i64} {
  func.func @_final_body(%arg0: i32, %arg1: memref<1x512x128xi32, #tpu.memory_space<vmem>>, %arg2: memref<1024x128xf32, #tpu.memory_space<vmem>>, %arg3: memref<2x1024xf32, #tpu.memory_space<vmem>>, %arg4: memref<128xf32, #tpu.memory_space<vmem>>, %arg5: memref<1024x128xf32, #tpu.memory_space<vmem>>) attributes {dimension_semantics = [#tpu.dimension_semantics<arbitrary>], iteration_bounds = array<i64: 10>, scalar_prefetch = 0 : i64, scratch_operands = 0 : i64, tpu.core_type = #tpu.core_type<tc>, window_params = [{transform_indices = @transform_0, window_bounds = array<i64: 1, 512, 128>}, {transform_indices = @transform_1, window_bounds = array<i64: 1024, 128>}, {transform_indices = @transform_2, window_bounds = array<i64: 2, 1024>}, {pipeline_mode = #tpu.pipeline_mode<synchronous>, transform_indices = @transform_3, window_bounds = array<i64: 128>}, {transform_indices = @transform_4, window_bounds = array<i64: 1024, 128>}]} {
    %get3A = arith.constant 0 : index
    %get3A_0 = arith.constant 0 : index
    %get3A_1 = vector.load %arg3[%get3A, %get3A_0] : memref<2x1024xf32, #tpu.memory_space<vmem>>, vector<1x1024xf32>
    %get3A_2 = vector.shape_cast %get3A_1 : vector<1x1024xf32> to vector<1024xf32>
    %get3A_3 = arith.constant 1 : index
    %get3A_4 = arith.constant 0 : index
    %get3A_5 = vector.load %arg3[%get3A_3, %get3A_4] : memref<2x1024xf32, #tpu.memory_space<vmem>>, vector<1x1024xf32>
    %get3A_6 = vector.shape_cast %get3A_5 : vector<1x1024xf32> to vector<1024xf32>
    %add3A = arith.addf %get3A_2, %get3A_6 : vector<1024xf32>
    %add3A_7 = arith.constant 1.000000e+00 : f32
    %add3A_8 = vector.broadcast %add3A_7 : f32 to vector<1024xf32>
    %add3A_9 = arith.addf %add3A, %add3A_8 : vector<1024xf32>
    %rsqrt3A = math.rsqrt %add3A_9 : vector<1024xf32>
    %get3A_10 = arith.constant 0 : index
    %get3A_11 = arith.constant 0 : index
    %get3A_12 = arith.constant 0 : index
    %get3A_13 = vector.load %arg1[%get3A_10, %get3A_11, %get3A_12] : memref<1x512x128xi32, #tpu.memory_space<vmem>>, vector<1x512x128xi32>
    %get3A_14 = vector.shape_cast %get3A_13 : vector<1x512x128xi32> to vector<512x128xi32>
    %shift_left3A = arith.constant 16 : i32
    %shift_left3A_15 = vector.broadcast %shift_left3A : i32 to vector<512x128xi32>
    %shift_left3A_16 = arith.shli %get3A_14, %shift_left3A_15 : vector<512x128xi32>
    %bitcast_convert_type3A = tpu.bitcast %shift_left3A_16 : vector<512x128xi32> -> vector<512x128xf32>
    %and3A = arith.constant -65536 : i32
    %and3A_17 = vector.broadcast %and3A : i32 to vector<512x128xi32>
    %and3A_18 = arith.andi %get3A_14, %and3A_17 : vector<512x128xi32>
    %bitcast_convert_type3A_19 = tpu.bitcast %and3A_18 : vector<512x128xi32> -> vector<512x128xf32>
    %slice3A = vector.extract_strided_slice %bitcast_convert_type3A {offsets = [0, 0], sizes = [512, 64], strides = [1, 1]} : vector<512x128xf32> to vector<512x64xf32>
    %slice3A_20 = vector.extract_strided_slice %bitcast_convert_type3A_19 {offsets = [0, 0], sizes = [512, 64], strides = [1, 1]} : vector<512x128xf32> to vector<512x64xf32>
    %concatenate3A = tpu.concatenate %slice3A, %slice3A_20 in 1 : vector<512x64xf32>, vector<512x64xf32> -> vector<512x128xf32>
    %slice3A_21 = vector.extract_strided_slice %bitcast_convert_type3A {offsets = [0, 64], sizes = [512, 64], strides = [1, 1]} : vector<512x128xf32> to vector<512x64xf32>
    %slice3A_22 = vector.extract_strided_slice %bitcast_convert_type3A_19 {offsets = [0, 64], sizes = [512, 64], strides = [1, 1]} : vector<512x128xf32> to vector<512x64xf32>
    %concatenate3A_23 = tpu.concatenate %slice3A_21, %slice3A_22 in 1 : vector<512x64xf32>, vector<512x64xf32> -> vector<512x128xf32>
    %stack3A = vector.shape_cast %concatenate3A : vector<512x128xf32> to vector<512x1x128xf32>
    %stack3A_24 = vector.shape_cast %concatenate3A_23 : vector<512x128xf32> to vector<512x1x128xf32>
    %stack3A_25 = tpu.concatenate %stack3A, %stack3A_24 in 1 : vector<512x1x128xf32>, vector<512x1x128xf32> -> vector<512x2x128xf32>
    %reshape3A = vector.shape_cast %stack3A_25 : vector<512x2x128xf32> to vector<1024x128xf32>
    %get3A_26 = arith.constant 0 : index
    %get3A_27 = arith.constant 0 : index
    %get3A_28 = vector.load %arg2[%get3A_26, %get3A_27] : memref<1024x128xf32, #tpu.memory_space<vmem>>, vector<1024x128xf32>
    %add3A_29 = arith.addf %reshape3A, %get3A_28 : vector<1024x128xf32>
    %broadcast_in_dim3A = vector.shape_cast %rsqrt3A : vector<1024xf32> to vector<1024x1xf32>
    %mul3A = vector.broadcast %broadcast_in_dim3A : vector<1024x1xf32> to vector<1024x128xf32>
    %mul3A_30 = arith.mulf %add3A_29, %mul3A : vector<1024x128xf32>
    %get3A_31 = arith.constant 0 : index
    %get3A_32 = vector.load %arg4[%get3A_31] : memref<128xf32, #tpu.memory_space<vmem>>, vector<128xf32>
    %broadcast_in_dim3A_33 = vector.shape_cast %get3A_32 : vector<128xf32> to vector<1x128xf32>
    %add3A_34 = vector.broadcast %broadcast_in_dim3A_33 : vector<1x128xf32> to vector<1024x128xf32>
    %add3A_35 = arith.addf %mul3A_30, %add3A_34 : vector<1024x128xf32>
    %max3A = arith.constant 0.000000e+00 : f32
    %max3A_36 = vector.broadcast %max3A : f32 to vector<1024x128xf32>
    %max3A_37 = arith.maximumf %add3A_35, %max3A_36 : vector<1024x128xf32>
    %swap3A = arith.constant 0 : index
    %swap3A_38 = arith.constant 0 : index
    %swap3A_39 = vector.load %arg5[%swap3A, %swap3A_38] : memref<1024x128xf32, #tpu.memory_space<vmem>>, vector<1024x128xf32>
    tpu.vector_store %arg5[%swap3A, %swap3A_38], %max3A_37 {strides = array<i32>} : memref<1024x128xf32, #tpu.memory_space<vmem>>, vector<1024x128xf32>,
    return
  }
  func.func @transform_0(%arg0: i32) -> (i32, i32, i32) {
    %jit3A = arith.constant 5 : i32
    %div3A = arith.divsi %arg0, %jit3A : i32
    %sign3A = arith.constant 0 : i32
    %sign3A_0 = arith.cmpi sgt, %arg0, %sign3A : i32
    %sign3A_1 = arith.extui %sign3A_0 : i1 to i32
    %sign3A_2 = arith.constant 0 : i32
    %sign3A_3 = arith.cmpi slt, %arg0, %sign3A_2 : i32
    %sign3A_4 = arith.extui %sign3A_3 : i1 to i32
    %sign3A_5 = arith.subi %sign3A_1, %sign3A_4 : i32
    %sign3A_6 = arith.constant 0 : i32
    %sign3A_7 = arith.cmpi sgt, %jit3A, %sign3A_6 : i32
    %sign3A_8 = arith.extui %sign3A_7 : i1 to i32
    %sign3A_9 = arith.constant 0 : i32
    %sign3A_10 = arith.cmpi slt, %jit3A, %sign3A_9 : i32
    %sign3A_11 = arith.extui %sign3A_10 : i1 to i32
    %sign3A_12 = arith.subi %sign3A_8, %sign3A_11 : i32
    %ne3A = arith.cmpi ne, %sign3A_5, %sign3A_12 : i32
    %rem3A = arith.remsi %arg0, %jit3A : i32
    %ne3A_13 = arith.constant 0 : i32
    %ne3A_14 = arith.cmpi ne, %rem3A, %ne3A_13 : i32
    %and3A = arith.andi %ne3A, %ne3A_14 : i1
    %sub3A = arith.constant 1 : i32
    %sub3A_15 = arith.subi %div3A, %sub3A : i32
    %select_n3A = arith.select %and3A, %sub3A_15, %div3A : i32
    %jit3A_16 = arith.constant 5 : i32
    %eq3A = arith.constant 0 : i32
    %eq3A_17 = arith.cmpi eq, %jit3A_16, %eq3A : i32
    %jit3A_18 = arith.constant 1 : i32
    %select_n3A_19 = arith.select %eq3A_17, %jit3A_18, %jit3A_16 : i32
    %rem3A_20 = arith.remsi %arg0, %select_n3A_19 : i32
    %ne3A_21 = arith.constant 0 : i32
    %ne3A_22 = arith.cmpi ne, %rem3A_20, %ne3A_21 : i32
    %lt3A = arith.constant 0 : i32
    %lt3A_23 = arith.cmpi slt, %rem3A_20, %lt3A : i32
    %lt3A_24 = arith.constant 0 : i32
    %lt3A_25 = arith.cmpi slt, %select_n3A_19, %lt3A_24 : i32
    %ne3A_26 = arith.xori %lt3A_23, %lt3A_25 : i1
    %and3A_27 = arith.andi %ne3A_26, %ne3A_22 : i1
    %add3A = arith.addi %rem3A_20, %select_n3A_19 : i32
    %select_n3A_28 = arith.select %and3A_27, %add3A, %rem3A_20 : i32
    %c0_i32 = arith.constant 0 : i32
    %c0_i32_29 = arith.constant 0 : i32
    return %select_n3A, %select_n3A_28, %c0_i32 : i32, i32, i32
  }
  func.func @transform_1(%arg0: i32) -> (i32, i32) {
    %c0_i32 = arith.constant 0 : i32
    %c0_i32_0 = arith.constant 0 : i32
    return %arg0, %c0_i32 : i32, i32
  }
  func.func @transform_2(%arg0: i32) -> (i32, i32) {
    %c0_i32 = arith.constant 0 : i32
    %c0_i32_0 = arith.constant 0 : i32
    return %c0_i32, %arg0 : i32, i32
  }
  func.func @transform_3(%arg0: i32) -> i32 {
    %c0_i32 = arith.constant 0 : i32
    %c0_i32_0 = arith.constant 0 : i32
    return %c0_i32 : i32
  }
  func.func @transform_4(%arg0: i32) -> (i32, i32) {
    %c0_i32 = arith.constant 0 : i32
    %c0_i32_0 = arith.constant 0 : i32
    return %arg0, %c0_i32 : i32, i32
  }
}

</mosaic_0001>

<sc_bundles>
// kernel: kernel.6.cloned.1.call-start
scs
__scs_entry_jumppad:
0x0: {  	(pc) =	sbr.rel $0x88, $3  }
0x1: {  	(tag) =	ssettag $0x0;
	lr =	simm.s32 $0x1  }
0x2: {  	[smem:$0x3F9D] =	sst lr;
	_ =	strace $0xD0000000  }
0x3: {  	_ = 	snop  }
0x4: {  	_ = 	snop  }
0x5: {  	_ = 	snop  }
0x6: {  	_ = 	snop  }
0x7: {  	_ = 	snop  }
__scs_overlays_trampoline_lowered:
0x8: {  	[smem:$0x3FAC] =	sst s0  }
0x9: {  	[smem:$0x3FAD] =	sst s1  }
0xa: {  	[smem:$0x3FAE] =	sst s2  }
0xb: {  	[smem:$0x3FAF] =	sst s3  }
0xc: {  	[smem:$0x3FB0] =	sst s4  }
0xd: {  	[smem:$0x3FB1] =	sst s5  }
0xe: {  	[smem:$0x3FB2] =	sst s6  }
0xf: {  	[smem:$0x3FB3] =	sst s7  }
0x10: {  	[smem:$0x3FB4] =	sst s8  }
0x11: {  	[smem:$0x3FB5] =	sst s9;
	s0 =	simm.s32 @!p0 $0x0  }
0x12: {  	s1 =	sld [smem:$0x3F9B];
	s0 =	simm.s32 @p0 $0x1  }
0x13: {  	[smem:$0x3FB6] =	sst s0;
	s0 =	simm.s32 @!p1 $0x0  }
0x14: {  	s2 =	sld [smem:$0x3F9A];
	s0 =	simm.s32 @p1 $0x1  }
0x15: {  	[smem:$0x3FB7] =	sst s0;
	s0 =	simm.s32 @!p2 $0x0  }
0x16: {  	s3 =	sld [smem:$0x3FDB];
	s0 =	simm.s32 @p2 $0x1  }
0x17: {  	s4 =	simm.s32 $0x1BF5;
	[smem:$0x3FB9] =	sst s0  }
0x18: {  	s0 =	sld [smem:$0x3F9C];
	_ =	swait.ge [sflag:s4], $0x0  }
0x19: {  	s7 =	sld [smem:$0x3F9D]  }
0x1a: {  	s8 =	sadd.s32 $0xFFFFE003, lr  }
0x1b: {  	s9 =	sadd.s32 $0xFFFFFEF7, lr;
	s5 =	simm.s32 $0xFFFFFFFF;
	p2 =	slt.u32 s8, $0xFFFFF086  }
0x1c: {  	p1 =	slt.u32 s9, $0xF7A;
	s5 =	simm.s32 @!p2 $0x0  }
0x1d: {  	s5 =	simm.s32 @p1 $0x1;
	p0 =	seq.s32 s7, s2  }
0x1e: {  	s7 =	smul.u32 @!p0 $0xF7A, s2;
	p2 =	seq.s32 @!p0 s5, $0x0  }
0x1f: {  	s9 =	smul.u32 $0xF7A, s1;
	s8 =	simm.s32 @!p0 $0x1BF5;
	p2 =	por !p2, p0  }
0x20: {  	[sflag:s8] =	ssyncset.s32 @!p0 $0xFFFFF086;
	s6 =	sadd.s32 @!p0 s3, s7;
	s7 =	simm.s32 @!p0 $0x108  }
0x21: {  	s3 =	sadd.s32 s3, s9;
	s6 =	sadd.s32 @!p0 $0x88, s6;
	s7 =	simm.s32 @p2 $0x1082  }
0x22: {  	[simem:s7], [sflag:s8] =	dma.local @!p0 [hbm:s6], $0xF7A  }
0x23: {  	s9 =	sor.u32 $0xD0000000, s2;
	s6 =	simm.s32 $0x108;
	_ =	swait.ge @!p0 [sflag:s8], $0x0  }
0x24: {  	s3 =	sadd.s32 $0x88, s3;
	s6 =	simm.s32 @!p1 $0x1082;
	[sflag:s4] =	ssyncset.s32 $0xFFFFF086  }
0x25: {  	[simem:s6], [sflag:s4] =	dma.local [hbm:s3], $0xF7A  }
0x26: {  	[smem:$0x3F9D] =	sst s1;
	(tag) =	ssettag s2;
	_ =	strace s9  }
0x27: {  	s1 =	sld [smem:$0x3FAD]  }
0x28: {  	s2 =	sld [smem:$0x3FAE]  }
0x29: {  	s4 =	sld [smem:$0x3FB0]  }
0x2a: {  	p0 =	seq.s32 s5, $0x0;
	s5 =	sld [smem:$0x3FB1]  }
0x2b: {  	s6 =	sld [smem:$0x3FB2]  }
0x2c: {  	s7 =	sld [smem:$0x3FB3]  }
0x2d: {  	s3 =	simm.s32 $0x108;
	s8 =	sld [smem:$0x3FB4]  }
0x2e: {  	s3 =	simm.s32 @!p0 $0x1082;
	s9 =	sld [smem:$0x3FB5]  }
0x2f: {  	lr =	sadd.s32 s0, s3;
	s0 =	sld [smem:$0x3FAC]  }
0x30: {  	s3 =	sld [smem:$0x3FAF]  }
0x31: {  	[smem:$0x3FB8] =	sst s10  }
0x32: {  	s10 =	sld [smem:$0x3FB6];
	_ =	sdelay $0x3  }
0x33: {  	p0 =	seq.s32 s10, $0x1;
	s10 =	sld [smem:$0x3FB8];
	_ =	sdelay $0x3  }
0x34: {  	[smem:$0x3FB8] =	sst s10  }
0x35: {  	s10 =	sld [smem:$0x3FB7];
	_ =	sdelay $0x3  }
0x36: {  	p1 =	seq.s32 s10, $0x1;
	s10 =	sld [smem:$0x3FB8];
	_ =	sdelay $0x3  }
0x37: {  	[smem:$0x3FB8] =	sst s10  }
0x38: {  	s10 =	sld [smem:$0x3FB9]  }
0x39: {  	_ = 	snop;
	(pc) =	sbr.ind lr, $3  }
0x3a: {  	_ = 	snop  }
0x3b: {  	_ = 	snop  }
0x3c: {  	p2 =	seq.s32 s10, $0x1;
	s10 =	sld [smem:$0x3FB8]  }
0x3d: {  	_ =	shalt  }
0x3e: {  	_ =	shalt  }
0x3f: {  	_ =	shalt  }
0x40: {  	_ =	shalt  }
0x41: {  	_ =	shalt  }
0x42: {  	_ =	shalt  }
0x43: {  	_ =	shalt  }
0x44: {  	_ =	shalt  }
0x45: {  	_ =	shalt  }
0x46: {  	_ =	shalt  }
0x47: {  	_ =	shalt  }
0x48: {  	_ =	shalt  }
0x49: {  	_ =	shalt  }
0x4a: {  	_ =	shalt  }
0x4b: {  	_ =	shalt  }
0x4c: {  	_ =	shalt  }
0x4d: {  	_ =	shalt  }
0x4e: {  	_ =	shalt  }
0x4f: {  	_ =	shalt  }
0x50: {  	_ =	shalt  }
0x51: {  	_ =	shalt  }
0x52: {  	_ =	shalt  }
0x53: {  	_ =	shalt  }
0x54: {  	_ =	shalt  }
0x55: {  	_ =	shalt  }
0x56: {  	_ =	shalt  }
0x57: {  	_ =	shalt  }
0x58: {  	_ =	shalt  }
0x59: {  	_ =	shalt  }
0x5a: {  	_ =	shalt  }
0x5b: {  	_ =	shalt  }
0x5c: {  	_ =	shalt  }
0x5d: {  	_ =	shalt  }
0x5e: {  	_ =	shalt  }
0x5f: {  	_ =	shalt  }
0x60: {  	_ =	shalt  }
0x61: {  	_ =	shalt  }
0x62: {  	_ =	shalt  }
0x63: {  	_ =	shalt  }
0x64: {  	_ =	shalt  }
0x65: {  	_ =	shalt  }
0x66: {  	_ =	shalt  }
0x67: {  	_ =	shalt  }
0x68: {  	_ =	shalt  }
0x69: {  	_ =	shalt  }
0x6a: {  	_ =	shalt  }
0x6b: {  	_ =	shalt  }
0x6c: {  	_ =	shalt  }
0x6d: {  	_ =	shalt  }
0x6e: {  	_ =	shalt  }
0x6f: {  	_ =	shalt  }
0x70: {  	_ =	shalt  }
0x71: {  	_ =	shalt  }
0x72: {  	_ =	shalt  }
0x73: {  	_ =	shalt  }
0x74: {  	_ =	shalt  }
0x75: {  	_ =	shalt  }
0x76: {  	_ =	shalt  }
0x77: {  	_ =	shalt  }
0x78: {  	_ =	shalt  }
0x79: {  	_ =	shalt  }
0x7a: {  	_ =	shalt  }
0x7b: {  	_ =	shalt  }
0x7c: {  	_ =	shalt  }
0x7d: {  	_ =	shalt  }
0x7e: {  	_ =	shalt  }
0x7f: {  	_ =	shalt  }
0x80: {  	_ =	shalt  }
0x81: {  	_ =	shalt  }
0x82: {  	_ =	shalt  }
0x83: {  	_ =	shalt  }
0x84: {  	_ =	shalt  }
0x85: {  	_ =	shalt  }
0x86: {  	_ =	shalt  }
0x87: {  	_ =	shalt  }
.Lfunc_end0:
.L_simem_size_0:
called_computation_lowered:
.L_overlay_start_0:
0x88: {  	s2 =	sld [smem:$0x3FD9]  }
0x89: {  	s3 =	sld [smem:$0x3FFE];
	_ =	sdelay $0x1  }
0x8a: {  	s1 =	srdreg.scid  }
0x8b: {  	s0 =	sand.u32 $0x1, s1  }
0x8c: {  	s16 =	sshll.u32 s0, $0xA;
	s2 =	sadd.s32 s3, s2  }
0x8d: {  	s2 =	sadd.s32 s2, s16  }
0x8e: {  	[smem:$0x3FC4] =	sst s2  }
0x8f: {  	_ = 	snop  }
0x90: {  	(tm) =	ssettm $0x1  }
0x91: {  	s17 =	sld [smem:$0x3FFB];
	_ =	sdelay $0x3  }
0x92: {  	_ =	strace s17  }
0x93: {  	s2 =	sld [smem:$0x3FFC];
	_ =	sdelay $0x3  }
0x94: {  	_ =	strace s2  }
0x95: {  	s2 =	sld [smem:$0x3FFD];
	_ =	sdelay $0x3  }
0x96: {  	_ =	strace s2  }
0x97: {  	_ =	strace $0x8FFFFFFF  }
0x98: {  	s18 =	sld [smem:$0x3FDB];
	_ =	sdelay $0x1  }
0x99: {  	s19 =	simm.s32 $_scs_section_size  }
0x9a: {  	s4 =	simm.s32 $_size__tile_overlayer_lowered;
	s5 =	simm.s32 $_tile_overlayer_lowered  }
0x9b: {  	s22 =	simm.s32 $0x1BFF;
	s21 =	sshll.u32 s5, $0x1;
	s2 =	sadd.s32 s19, s18  }
0x9c: {  	s6 =	simm.s32 $0x0;
	s20 =	sshll.u32 s4, $0x1;
	s4 =	sadd.s32 s21, s2  }
0x9d: {  	[timem:s6], [sflag:s22] =	dma.local [hbm:s4], s20  }
0x9e: {  	_ =	swait.ge [sflag:s22], s20  }
0x9f: {  	s3 =	ssub.s32 $0x0, s20;
	[sflag:s22] =	ssyncset.done $0x0  }
0xa0: {  	[sflag:s22] =	ssyncadd.s32 s3;
	_ =	sdelay $0x1  }
0xa1: {  	s23 =	simm.s32 $0x1B8B  }
0xa2: {  	_ =	swait.ge [sflag:s23], $0x1  }
0xa3: {  	[sflag:s23] =	ssyncset.done $0x0  }
0xa4: {  	s25 =	simm.s32 $0x1B8E;
	s24 =	sld [smem:$0x3FFE];
	[sflag:s23] =	ssyncadd.s32 $0xFFFFFFFF  }
0xa5: {  	s26 =	simm.s32 $execute0_lowered;
	[smem:$0x3FD2] =	sst s25  }
0xa6: {  	s4 =	sshll.u32 s26, $0x1;
	_ =	strace $0x80000046;
	[dreg:$0x1] =	wrdreg $0xFFFFFFFF  }
0xa7: {  	s28 =	simm.s32 $_size_execute0_lowered;
	s2 =	sadd.s32 s2, s4;
	[dreg:$0x0] =	wrdreg $0x0  }
0xa8: {  	s4 =	sshll.u32 s28, $0x1;
	[dreg:$0x2] =	wrdreg s2  }
0xa9: {  	[dreg:$0x3] =	wrdreg s4  }
0xaa: {  	[dreg:$0x4] =	wrdreg $0xC0  }
0xab: {  	_ =	task [dreg:s6], $0x5FFFF  }
0xac: {  	[dreg:$0x1] =	wrdreg $0xFFFFFFFF  }
0xad: {  	[dreg:$0x0] =	wrdreg $0x60  }
0xae: {  	[dreg:$0x2] =	wrdreg s24  }
0xaf: {  	[dreg:$0x3] =	wrdreg $0x2B000  }
0xb0: {  	[dreg:$0x4] =	wrdreg $0x9  }
0xb1: {  	_ =	task.clear_ibuf [dreg:s6], $0x5FFFF;
	_ =	strace $0x90000046  }
0xb2: {  	s29 =	simm.s32 $0x9;
	_ =	strace $0x80000048  }
0xb3: {  	_ =	swait.ge [sflag:s29], $0x1  }
0xb4: {  	[sflag:s29] =	ssyncadd.s32 $0xFFFFFFFF  }
0xb5: {  	_ =	strace $0x90000048  }
0xb6: {  	_ =	sfence  }
0xb7: {  	s30 =	sld [smem:$0x0];
	_ =	sdelay $0x2  }
0xb8: {  	s31 =	sshll.u32 s1, $0xD;
	s1 =	sshrl.u32 s1, $0x2  }
0xb9: {  	s3 =	sand.u32 $0x4000, s31;
	s1 =	sadd.s32 s1, s30  }
0xba: {  	s0 =	sor.u32 s3, s0;
	s1 =	sshll.u32 s1, $0x11  }
0xbb: {  	s0 =	sor.u32 s1, s0  }
0xbc: {  	s0 =	sadd.s32 $0x8F2B, s0  }
0xbd: {  	[sflag:s0] =	ssyncadd.remote.s32 $0x1  }
0xbe: {  	_ =	sfence.sel $0xFFFF  }
0xbf: {  	[dreg:$0x0] =	wrdreg $0xFFFFFFFF;
	(pc) =	sbr.abs _section_cstart, $3  }
0xc0: {  	[dreg:$0x1] =	wrdreg $0xFFFFFFFF  }
0xc1: {  	_ =	task.clear_ibuf [dreg:s6], $0x2FFFF;
	_ =	strace $0x9FFFFFFF  }
0xc2: {  	(tm) =	ssettm $0x7FFFFFFF  }
0xc3: {  	_ =	shalt  }
tec
execute0_lowered:
.L_overlay_start_1:
0x0: {  	(tag) =	ssettag $0x1  }
0x1: {  	s5 =	rddreg [dreg:$0x0]  }
0x2: {  	s0 =	srdreg.scid;
	s2 =	rddreg [dreg:$0x1]  }
0x3: {  	s3 =	simm.s32 $0x0;
	s10 =	simm.s32 $0x80;
	s11 =	simm.s32 $0x2800  }
0x4: {  	s12 =	simm.s32 $0x100;
	s4 =	sand.u32 $0x1, s0;
	s0 =	stileid.u32  }
0x5: {  	s13 =	simm.s32 $0x0;
	[smem:$0x7FF] =	sst s3;
	s7 =	smul.u32 $0x500, s0  }
0x6: {  	s1 =	sshll.u32 s4, $0x4;
	s8 =	sshll.u32 s4, $0x7;
	s9 =	smul.u32 $0xA00, s0  }
0x7: {  	s4 =	ssub.s32 $0x2, s4;
	s6 =	sor.u32 s0, s1;
	s1 =	rddreg [dreg:$0x2]  }
0x8: {  	_ =	strace $0x80000047;
	s31 =	sshrl.u32 s4, $0x1;
	s6 =	smul.u32 $0x500, s6  }
0x9: {  	s7 =	sor.u32 s8, s7;
	s9 =	sshrl.u32 s9, $0x2;
	s8 =	ssub.s32 s4, s31  }
0xa: {  	s7 =	sshrl.u32 s7, $0x3;
	s4 =	sadd.s32 s9, s2;
	s6 =	sadd.s32 s6, s5  }
0xb: {  	s9 =	simm.s32 $0x1;
	s7 =	sadd.s32 s7, s5;
	s5 =	sadd.s32 $0x1800, s6  }
0xc: {  	v0 =	vimm.f32 $1.000000000e+00;
	v1 =	vimm.f32 $0.0e+00;
	s6 =	sadd.s32 $0xB800, s7;
	s7 =	smax.u32 s8, $0x1;
	s8 =	simm.s32 $0x2880  }
.LBB2_1:
0xd: {  	[tilespmem:$0x2800] =	vst v0  }
0xe: {  	[tilespmem:$0x2810] =	vst v0  }
0xf: {  	[tilespmem:$0x2820] =	vst v0  }
0x10: {  	[tilespmem:$0x2830] =	vst v0  }
0x11: {  	[tilespmem:$0x2840] =	vst v0  }
0x12: {  	[tilespmem:$0x2850] =	vst v0  }
0x13: {  	[tilespmem:$0x2860] =	vst v0  }
0x14: {  	[tilespmem:$0x2870] =	vst v0  }
0x15: {  	[tilespmem:$0x2880] =	vst v1  }
0x16: {  	[tilespmem:$0x2890] =	vst v1  }
0x17: {  	[tilespmem:$0x28A0] =	vst v1  }
0x18: {  	[tilespmem:$0x28B0] =	vst v1  }
0x19: {  	[tilespmem:$0x28C0] =	vst v1  }
0x1a: {  	[tilespmem:$0x28D0] =	vst v1  }
0x1b: {  	[tilespmem:$0x28E0] =	vst v1  }
0x1c: {  	[tilespmem:$0x28F0] =	vst v1  }
0x1d: {  	[tilespmem:$0x2900] =	vst v1  }
0x1e: {  	[tilespmem:$0x2910] =	vst v1  }
0x1f: {  	[tilespmem:$0x2920] =	vst v1  }
0x20: {  	[tilespmem:$0x2930] =	vst v1  }
0x21: {  	[tilespmem:$0x2940] =	vst v1  }
0x22: {  	[tilespmem:$0x2950] =	vst v1  }
0x23: {  	[tilespmem:$0x2960] =	vst v1  }
0x24: {  	[tilespmem:$0x2970] =	vst v1  }
0x25: {  	[tilespmem:$0x2980] =	vst v1  }
0x26: {  	[tilespmem:$0x2990] =	vst v1  }
0x27: {  	[tilespmem:$0x29A0] =	vst v1  }
0x28: {  	[tilespmem:$0x29B0] =	vst v1  }
0x29: {  	[tilespmem:$0x29C0] =	vst v1  }
0x2a: {  	[tilespmem:$0x29D0] =	vst v1  }
0x2b: {  	[tilespmem:$0x29E0] =	vst v1  }
0x2c: {  	[tilespmem:$0x29F0] =	vst v1  }
0x2d: {  	[tilespmem:$0x2A00] =	vst v1  }
0x2e: {  	[tilespmem:$0x2A10] =	vst v1  }
0x2f: {  	[tilespmem:$0x2A20] =	vst v1  }
0x30: {  	[tilespmem:$0x2A30] =	vst v1  }
0x31: {  	[tilespmem:$0x2A40] =	vst v1  }
0x32: {  	[tilespmem:$0x2A50] =	vst v1  }
0x33: {  	[tilespmem:$0x2A60] =	vst v1  }
0x34: {  	[tilespmem:$0x2A70] =	vst v1  }
0x35: {  	[tilespmem:$0x2A80] =	vst v1  }
0x36: {  	[tilespmem:$0x2A90] =	vst v1  }
0x37: {  	[tilespmem:$0x2AA0] =	vst v1  }
0x38: {  	[tilespmem:$0x2AB0] =	vst v1  }
0x39: {  	[tilespmem:$0x2AC0] =	vst v1  }
0x3a: {  	[tilespmem:$0x2AD0] =	vst v1  }
0x3b: {  	[tilespmem:$0x2AE0] =	vst v1  }
0x3c: {  	[tilespmem:$0x2AF0] =	vst v1  }
0x3d: {  	[spmem:s4] =	stream.linear.scatter [tilespmem:s8], [sflag:$0x1], $0x280, $0x38;
	[tilespmem:$0x2D80] =	vst v63  }
0x3e: {  	_ =	swait.ge [sflag:s9], $0x280  }
0x3f: {  	[sflag:s9] =	ssyncset.done $0x0  }
0x40: {  	[sflag:s9] =	ssyncadd.s32 $0xFFFFFD80  }
0x41: {  	[tilespmem:s3], [sflag:$0x1] =	stream.linear.gather [hbm4b:s5+s3], $0x2800, $0x38;
	[tilespmem:$0x2D80] =	vst v63  }
0x42: {  	_ =	swait.ge [sflag:s9], $0x2800  }
0x43: {  	[sflag:s9] =	ssyncset.done $0x0  }
0x44: {  	[sflag:s9] =	ssyncadd.s32 $0xFFFFD800  }
0x45: {  	s14 =	simm.s32 $0x0;
	[bflag:$0x0] =	sbarrier.arrive $0xFFFF  }
0x46: {  	[spmem:s2] =	stream.indirect.scatter.add.f32 [tilespmem:s11], [sflag:$0x1], $0x1, s14, s10, $0xb8;
	[tilespmem:$0x2D80] =	vst v63  }
0x47: {  	_ =	swait.ge [sflag:s9], $0x80  }
0x48: {  	s14 =	simm.s32 $0x200;
	[sflag:s9] =	ssyncset.done $0x0  }
.LBB2_2:
0x49: {  	s15 =	sshra.s32 s14, $0x2;
	[sflag:s9] =	ssyncadd.s32 $0xFFFFFF80;
	p0 =	sne.s32 s14, $0x9E00  }
0x4a: {  	[spmem:s2] =	stream.indirect.scatter.add.f32 [tilespmem:s11], [sflag:$0x1], $0x1, s15, s10, $0xb8;
	[tilespmem:$0x2D80] =	vst v63  }
.Ltmp0:
0x4b: {  	_ = 	snop;
	(pc) =	sbr.rel @p0 .LBB2_2-.Ltmp0, $4  }
0x4c: {  	_ = 	snop  }
0x4d: {  	s14 =	sadd.s32 $0x200, s14  }
0x4e: {  	_ =	swait.ge [sflag:s9], $0x80  }
0x4f: {  	[sflag:s9] =	ssyncset.done $0x0  }
0x50: {  	[sflag:s9] =	ssyncadd.s32 $0xFFFFFF80  }
0x51: {  	[bflag:$0x0] =	sbarrier.arrive $0xFFFF  }
0x52: {  	[tilespmem:s8], [sflag:$0x1] =	stream.linear.gather [spmem:s4], $0x280, $0x38;
	[tilespmem:$0x2D80] =	vst v63  }
0x53: {  	s13 =	sadd.s32 $0x1, s13;
	_ =	swait.ge [sflag:s9], $0x280  }
0x54: {  	p0 =	sne.s32 s13, s7;
	[sflag:s9] =	ssyncset.done $0x0  }
.Ltmp1:
0x55: {  	[sflag:s9] =	ssyncadd.s32 $0xFFFFFD80;
	(pc) =	sbr.rel @p0 .LBB2_1-.Ltmp1, $4  }
0x56: {  	[hbm4b:s6+s10] =	stream.strided.scatter [tilespmem:s8], [sflag:$0x1], $0x280, s12, s10, $0x38;
	[tilespmem:$0x2D80] =	vst v63  }
0x57: {  	_ =	swait.ge [sflag:s9], $0x280  }
0x58: {  	[sflag:s9] =	ssyncset.done $0x0  }
0x59: {  	[sflag:s9] =	ssyncadd.s32 $0xFFFFFD80  }
0x5a: {  	_ =	sfence.sel $0x180000  }
0x5b: {  	[bflag:$0x0] =	sbarrier.arrive $0xFFFF  }
0x5c: {  	p0 =	sne.s32 s0, $0x0;
	_ =	strace $0x90000047  }
0x5d: {  	s0 =	sadd.s32 @!p0 $0x100000, s1;
	[bflag:$0x2] =	sbarrier.arrive $0xFFFF  }
0x5e: {  	[sflag:s0] =	ssyncadd.tile.s32 @!p0 $0x1;
	_ =	shalt  }
.Lfunc_end2:
_tile_overlayer_lowered:
.L_overlay_start_2:
0x5f: {  	(tag) =	ssettag $0x2  }
0x60: {  	s0 =	rddreg [dreg:$0x0];
	s2 =	stileid.u32  }
0x61: {  	s1 =	rddreg [dreg:$0x1];
	p0 =	sne.s32 s2, $0x0  }
0x62: {  	s3 =	rddreg [dreg:$0x2];
	[bflag:$0x3] =	sbarrier.arrive $0xFFFF;
	s2 =	simm.s32 @!p0 $0x1C01  }
0x63: {  	[timem:s3], [sflag:s2] =	dma.local @!p0 [hbm:s0], s1  }
0x64: {  	s0 =	simm.s32 @!p0 $0x1  }
0x65: {  	_ =	swait.ge @!p0 [sflag:s0], s1  }
0x66: {  	s1 =	ssub.s32 @!p0 $0x0, s1;
	[sflag:s0] =	ssyncset.done @!p0 $0x0  }
0x67: {  	[sflag:s0] =	ssyncadd.s32 @!p0 s1  }
0x68: {  	[bflag:$0x3] =	sbarrier.arrive $0xFFFF  }
0x69: {  	_ =	shalt  }

// kernel: kernel.9.cloned.1.call-start
scs
__scs_entry_jumppad:
0x0: {  	(pc) =	sbr.rel $0x88, $3  }
0x1: {  	(tag) =	ssettag $0x0;
	lr =	simm.s32 $0x1  }
0x2: {  	[smem:$0x3F9D] =	sst lr;
	_ =	strace $0xD0000000  }
0x3: {  	_ = 	snop  }
0x4: {  	_ = 	snop  }
0x5: {  	_ = 	snop  }
0x6: {  	_ = 	snop  }
0x7: {  	_ = 	snop  }
__scs_overlays_trampoline_lowered:
0x8: {  	[smem:$0x3FAC] =	sst s0  }
0x9: {  	[smem:$0x3FAD] =	sst s1  }
0xa: {  	[smem:$0x3FAE] =	sst s2  }
0xb: {  	[smem:$0x3FAF] =	sst s3  }
0xc: {  	[smem:$0x3FB0] =	sst s4  }
0xd: {  	[smem:$0x3FB1] =	sst s5  }
0xe: {  	[smem:$0x3FB2] =	sst s6  }
0xf: {  	[smem:$0x3FB3] =	sst s7  }
0x10: {  	[smem:$0x3FB4] =	sst s8  }
0x11: {  	[smem:$0x3FB5] =	sst s9;
	s0 =	simm.s32 @!p0 $0x0  }
0x12: {  	s1 =	sld [smem:$0x3F9B];
	s0 =	simm.s32 @p0 $0x1  }
0x13: {  	[smem:$0x3FB6] =	sst s0;
	s0 =	simm.s32 @!p1 $0x0  }
0x14: {  	s2 =	sld [smem:$0x3F9A];
	s0 =	simm.s32 @p1 $0x1  }
0x15: {  	[smem:$0x3FB7] =	sst s0;
	s0 =	simm.s32 @!p2 $0x0  }
0x16: {  	s3 =	sld [smem:$0x3FDB];
	s0 =	simm.s32 @p2 $0x1  }
0x17: {  	s4 =	simm.s32 $0x1BF5;
	[smem:$0x3FB9] =	sst s0  }
0x18: {  	s0 =	sld [smem:$0x3F9C];
	_ =	swait.ge [sflag:s4], $0x0  }
0x19: {  	s7 =	sld [smem:$0x3F9D]  }
0x1a: {  	s8 =	sadd.s32 $0xFFFFE003, lr  }
0x1b: {  	s9 =	sadd.s32 $0xFFFFFEF7, lr;
	s5 =	simm.s32 $0xFFFFFFFF;
	p2 =	slt.u32 s8, $0xFFFFF086  }
0x1c: {  	p1 =	slt.u32 s9, $0xF7A;
	s5 =	simm.s32 @!p2 $0x0  }
0x1d: {  	s5 =	simm.s32 @p1 $0x1;
	p0 =	seq.s32 s7, s2  }
0x1e: {  	s7 =	smul.u32 @!p0 $0xF7A, s2;
	p2 =	seq.s32 @!p0 s5, $0x0  }
0x1f: {  	s9 =	smul.u32 $0xF7A, s1;
	s8 =	simm.s32 @!p0 $0x1BF5;
	p2 =	por !p2, p0  }
0x20: {  	[sflag:s8] =	ssyncset.s32 @!p0 $0xFFFFF086;
	s6 =	sadd.s32 @!p0 s3, s7;
	s7 =	simm.s32 @!p0 $0x108  }
0x21: {  	s3 =	sadd.s32 s3, s9;
	s6 =	sadd.s32 @!p0 $0x88, s6;
	s7 =	simm.s32 @p2 $0x1082  }
0x22: {  	[simem:s7], [sflag:s8] =	dma.local @!p0 [hbm:s6], $0xF7A  }
0x23: {  	s9 =	sor.u32 $0xD0000000, s2;
	s6 =	simm.s32 $0x108;
	_ =	swait.ge @!p0 [sflag:s8], $0x0  }
0x24: {  	s3 =	sadd.s32 $0x88, s3;
	s6 =	simm.s32 @!p1 $0x1082;
	[sflag:s4] =	ssyncset.s32 $0xFFFFF086  }
0x25: {  	[simem:s6], [sflag:s4] =	dma.local [hbm:s3], $0xF7A  }
0x26: {  	[smem:$0x3F9D] =	sst s1;
	(tag) =	ssettag s2;
	_ =	strace s9  }
0x27: {  	s1 =	sld [smem:$0x3FAD]  }
0x28: {  	s2 =	sld [smem:$0x3FAE]  }
0x29: {  	s4 =	sld [smem:$0x3FB0]  }
0x2a: {  	p0 =	seq.s32 s5, $0x0;
	s5 =	sld [smem:$0x3FB1]  }
0x2b: {  	s6 =	sld [smem:$0x3FB2]  }
0x2c: {  	s7 =	sld [smem:$0x3FB3]  }
0x2d: {  	s3 =	simm.s32 $0x108;
	s8 =	sld [smem:$0x3FB4]  }
0x2e: {  	s3 =	simm.s32 @!p0 $0x1082;
	s9 =	sld [smem:$0x3FB5]  }
0x2f: {  	lr =	sadd.s32 s0, s3;
	s0 =	sld [smem:$0x3FAC]  }
0x30: {  	s3 =	sld [smem:$0x3FAF]  }
0x31: {  	[smem:$0x3FB8] =	sst s10  }
0x32: {  	s10 =	sld [smem:$0x3FB6];
	_ =	sdelay $0x3  }
0x33: {  	p0 =	seq.s32 s10, $0x1;
	s10 =	sld [smem:$0x3FB8];
	_ =	sdelay $0x3  }
0x34: {  	[smem:$0x3FB8] =	sst s10  }
0x35: {  	s10 =	sld [smem:$0x3FB7];
	_ =	sdelay $0x3  }
0x36: {  	p1 =	seq.s32 s10, $0x1;
	s10 =	sld [smem:$0x3FB8];
	_ =	sdelay $0x3  }
0x37: {  	[smem:$0x3FB8] =	sst s10  }
0x38: {  	s10 =	sld [smem:$0x3FB9]  }
0x39: {  	_ = 	snop;
	(pc) =	sbr.ind lr, $3  }
0x3a: {  	_ = 	snop  }
0x3b: {  	_ = 	snop  }
0x3c: {  	p2 =	seq.s32 s10, $0x1;
	s10 =	sld [smem:$0x3FB8]  }
0x3d: {  	_ =	shalt  }
0x3e: {  	_ =	shalt  }
0x3f: {  	_ =	shalt  }
0x40: {  	_ =	shalt  }
0x41: {  	_ =	shalt  }
0x42: {  	_ =	shalt  }
0x43: {  	_ =	shalt  }
0x44: {  	_ =	shalt  }
0x45: {  	_ =	shalt  }
0x46: {  	_ =	shalt  }
0x47: {  	_ =	shalt  }
0x48: {  	_ =	shalt  }
0x49: {  	_ =	shalt  }
0x4a: {  	_ =	shalt  }
0x4b: {  	_ =	shalt  }
0x4c: {  	_ =	shalt  }
0x4d: {  	_ =	shalt  }
0x4e: {  	_ =	shalt  }
0x4f: {  	_ =	shalt  }
0x50: {  	_ =	shalt  }
0x51: {  	_ =	shalt  }
0x52: {  	_ =	shalt  }
0x53: {  	_ =	shalt  }
0x54: {  	_ =	shalt  }
0x55: {  	_ =	shalt  }
0x56: {  	_ =	shalt  }
0x57: {  	_ =	shalt  }
0x58: {  	_ =	shalt  }
0x59: {  	_ =	shalt  }
0x5a: {  	_ =	shalt  }
0x5b: {  	_ =	shalt  }
0x5c: {  	_ =	shalt  }
0x5d: {  	_ =	shalt  }
0x5e: {  	_ =	shalt  }
0x5f: {  	_ =	shalt  }
0x60: {  	_ =	shalt  }
0x61: {  	_ =	shalt  }
0x62: {  	_ =	shalt  }
0x63: {  	_ =	shalt  }
0x64: {  	_ =	shalt  }
0x65: {  	_ =	shalt  }
0x66: {  	_ =	shalt  }
0x67: {  	_ =	shalt  }
0x68: {  	_ =	shalt  }
0x69: {  	_ =	shalt  }
0x6a: {  	_ =	shalt  }
0x6b: {  	_ =	shalt  }
0x6c: {  	_ =	shalt  }
0x6d: {  	_ =	shalt  }
0x6e: {  	_ =	shalt  }
0x6f: {  	_ =	shalt  }
0x70: {  	_ =	shalt  }
0x71: {  	_ =	shalt  }
0x72: {  	_ =	shalt  }
0x73: {  	_ =	shalt  }
0x74: {  	_ =	shalt  }
0x75: {  	_ =	shalt  }
0x76: {  	_ =	shalt  }
0x77: {  	_ =	shalt  }
0x78: {  	_ =	shalt  }
0x79: {  	_ =	shalt  }
0x7a: {  	_ =	shalt  }
0x7b: {  	_ =	shalt  }
0x7c: {  	_ =	shalt  }
0x7d: {  	_ =	shalt  }
0x7e: {  	_ =	shalt  }
0x7f: {  	_ =	shalt  }
0x80: {  	_ =	shalt  }
0x81: {  	_ =	shalt  }
0x82: {  	_ =	shalt  }
0x83: {  	_ =	shalt  }
0x84: {  	_ =	shalt  }
0x85: {  	_ =	shalt  }
0x86: {  	_ =	shalt  }
0x87: {  	_ =	shalt  }
.Lfunc_end0:
.L_simem_size_0:
called_computation.1_lowered:
.L_overlay_start_0:
0x88: {  	s2 =	sld [smem:$0x3FD9]  }
0x89: {  	s3 =	sld [smem:$0x3FFE];
	_ =	sdelay $0x1  }
0x8a: {  	s1 =	srdreg.scid  }
0x8b: {  	s0 =	sand.u32 $0x1, s1  }
0x8c: {  	s14 =	sshll.u32 s0, $0xA;
	s2 =	sadd.s32 s3, s2  }
0x8d: {  	s2 =	sadd.s32 s2, s14  }
0x8e: {  	[smem:$0x3FC4] =	sst s2  }
0x8f: {  	_ = 	snop  }
0x90: {  	s2 =	sld [smem:$0x3FD0];
	_ =	sdelay $0x2  }
0x91: {  	s15 =	simm.s32 $0xA;
	s4 =	simm.s32 $0x10  }
0x92: {  	[smem:s4], [sflag:s15] =	dma.local [hbm:s2], $0x1  }
0x93: {  	_ =	swait.eq [sflag:s15], $0x1  }
0x94: {  	[sflag:s15] =	ssyncset.done $0x0  }
0x95: {  	s16 =	sld [smem:$0x10];
	[sflag:s15] =	ssyncadd.s32 $0xFFFFFFFF  }
0x96: {  	s17 =	sld [smem:$0x11];
	(tm) =	ssettm $0x1  }
0x97: {  	s18 =	sld [smem:$0x3FFB];
	_ =	sdelay $0x3  }
0x98: {  	_ =	strace s18  }
0x99: {  	s4 =	sld [smem:$0x3FFC];
	_ =	sdelay $0x3  }
0x9a: {  	_ =	strace s4  }
0x9b: {  	s4 =	sld [smem:$0x3FFD];
	_ =	sdelay $0x3  }
0x9c: {  	_ =	strace s4  }
0x9d: {  	_ =	strace $0x8FFFFFFF  }
0x9e: {  	s19 =	sld [smem:$0x3FDB];
	_ =	sdelay $0x1  }
0x9f: {  	s5 =	simm.s32 $_scs_section_size  }
0xa0: {  	s6 =	simm.s32 $_size__tile_overlayer_lowered;
	s7 =	simm.s32 $_tile_overlayer_lowered  }
0xa1: {  	s22 =	simm.s32 $0x1BFF;
	s21 =	sshll.u32 s7, $0x1;
	s4 =	sadd.s32 s5, s19  }
0xa2: {  	s8 =	simm.s32 $0x0;
	s20 =	sshll.u32 s6, $0x1;
	s6 =	sadd.s32 s21, s4  }
0xa3: {  	[timem:s8], [sflag:s22] =	dma.local [hbm:s6], s20  }
0xa4: {  	_ =	swait.ge [sflag:s22], s20  }
0xa5: {  	s5 =	ssub.s32 $0x0, s20;
	[sflag:s22] =	ssyncset.done $0x0  }
0xa6: {  	[sflag:s22] =	ssyncadd.s32 s5;
	_ =	sdelay $0x1  }
0xa7: {  	s23 =	simm.s32 $0x1B8B  }
0xa8: {  	_ =	swait.ge [sflag:s23], $0x1  }
0xa9: {  	[sflag:s23] =	ssyncset.done $0x0  }
0xaa: {  	s25 =	simm.s32 $0x1B8E;
	s24 =	sld [smem:$0x3FFE];
	[sflag:s23] =	ssyncadd.s32 $0xFFFFFFFF  }
0xab: {  	s26 =	simm.s32 $execute0_lowered;
	[smem:$0x3FD2] =	sst s25  }
0xac: {  	s6 =	sshll.u32 s26, $0x1;
	_ =	strace $0x80000049;
	[dreg:$0x1] =	wrdreg $0xFFFFFFFF  }
0xad: {  	s28 =	simm.s32 $_size_execute0_lowered;
	s4 =	sadd.s32 s4, s6;
	[dreg:$0x0] =	wrdreg $0x0  }
0xae: {  	s6 =	sshll.u32 s28, $0x1;
	[dreg:$0x2] =	wrdreg s4  }
0xaf: {  	[dreg:$0x3] =	wrdreg s6  }
0xb0: {  	[dreg:$0x4] =	wrdreg $0xC0  }
0xb1: {  	_ =	task [dreg:s8], $0x5FFFF  }
0xb2: {  	[dreg:$0x1] =	wrdreg $0xFFFFFFFF  }
0xb3: {  	[dreg:$0x0] =	wrdreg $0x60  }
0xb4: {  	[dreg:$0x2] =	wrdreg s17  }
0xb5: {  	[dreg:$0x3] =	wrdreg s16  }
0xb6: {  	[dreg:$0x4] =	wrdreg s24  }
0xb7: {  	[dreg:$0x5] =	wrdreg $0x140000  }
0xb8: {  	[dreg:$0x6] =	wrdreg $0x9  }
0xb9: {  	_ =	task.clear_ibuf [dreg:s8], $0x7FFFF;
	_ =	strace $0x90000049  }
0xba: {  	s29 =	simm.s32 $0x9;
	_ =	strace $0x8000004B  }
0xbb: {  	_ =	swait.ge [sflag:s29], $0x1  }
0xbc: {  	[sflag:s29] =	ssyncadd.s32 $0xFFFFFFFF  }
0xbd: {  	_ =	strace $0x9000004B  }
0xbe: {  	_ =	sfence  }
0xbf: {  	s30 =	sld [smem:$0x0];
	_ =	sdelay $0x2  }
0xc0: {  	s31 =	sshll.u32 s1, $0xD;
	s1 =	sshrl.u32 s1, $0x2  }
0xc1: {  	s3 =	sand.u32 $0x4000, s31;
	s1 =	sadd.s32 s1, s30  }
0xc2: {  	s0 =	sor.u32 s3, s0;
	s1 =	sshll.u32 s1, $0x11  }
0xc3: {  	s0 =	sor.u32 s1, s0  }
0xc4: {  	s0 =	sadd.s32 $0x8F2B, s0  }
0xc5: {  	[sflag:s0] =	ssyncadd.remote.s32 $0x1  }
0xc6: {  	_ =	sfence.sel $0xFFFF  }
0xc7: {  	[dreg:$0x0] =	wrdreg $0xFFFFFFFF;
	(pc) =	sbr.abs _section_cstart, $3  }
0xc8: {  	[dreg:$0x1] =	wrdreg $0xFFFFFFFF  }
0xc9: {  	_ =	task.clear_ibuf [dreg:s8], $0x2FFFF;
	_ =	strace $0x9FFFFFFF  }
0xca: {  	(tm) =	ssettm $0x7FFFFFFF  }
0xcb: {  	_ =	shalt  }
tec
execute0_lowered:
.L_overlay_start_1:
0x0: {  	(tag) =	ssettag $0x1  }
0x1: {  	s5 =	rddreg [dreg:$0x0]  }
0x2: {  	s6 =	rddreg [dreg:$0x1]  }
0x3: {  	s7 =	rddreg [dreg:$0x2]  }
0x4: {  	s1 =	srdreg.scid;
	s0 =	stileid.u32  }
0x5: {  	s2 =	rddreg [dreg:$0x3];
	s3 =	simm.s32 $0x0;
	s14 =	simm.s32 $0x3  }
0x6: {  	s15 =	simm.s32 $0x5000;
	s16 =	simm.s32 $0xA000;
	s17 =	simm.s32 $0x80  }
0x7: {  	s18 =	simm.s32 $0x1;
	s19 =	simm.s32 $0xE000;
	s20 =	simm.s32 $0x2  }
0x8: {  	s21 =	simm.s32 $0x4E80;
	s22 =	simm.s32 $0x9E00;
	s23 =	simm.s32 $0x9E80  }
0x9: {  	s24 =	simm.s32 $0x12000;
	s25 =	simm.s32 $0x0;
	s8 =	smul.u32 $0x5000, s0  }
0xa: {  	s4 =	sand.u32 $0x1, s1;
	s1 =	rddreg [dreg:$0x4];
	s11 =	smul.u32 $0x28000, s0  }
0xb: {  	[smem:$0x7FF] =	sst s3;
	s9 =	smul.u32 $0x50000, s4;
	s10 =	ssub.s32 $0x2, s4  }
0xc: {  	_ =	strace $0x8000004A;
	s4 =	sadd.s32 $0x1800, s7;
	s29 =	sshrl.u32 s10, $0x1  }
0xd: {  	s30 =	sshrl.u32 s8, $0x3;
	s31 =	sshrl.u32 s11, $0x2;
	s9 =	sadd.s32 s8, s9  }
0xe: {  	s13 =	ssub.s32 s10, s29;
	s5 =	sadd.s32 s5, s30;
	s9 =	sshrl.u32 s9, $0x3  }
0xf: {  	s13 =	smax.u32 s13, $0x1;
	s12 =	sadd.s32 s9, s7;
	s7 =	sadd.s32 s31, s2  }
0x10: {  	s6 =	sadd.s32 s6, s9;
	s8 =	sadd.s32 $0x4000, s7;
	s9 =	sadd.s32 $0x8000, s7  }
0x11: {  	v0 =	vimm.f32 $0.0e+00;
	s10 =	sadd.s32 $0x29800, s12;
	s11 =	sadd.s32 $0x29C00, s12;
	s12 =	sadd.s32 $0x2A000, s12  }
.LBB2_1:
0x12: {  	[tilespmem:s3], [sflag:$0x3] =	stream.linear.gather [hbm4b:s5+s3], $0x4F00, $0x38;
	[tilespmem:$0x1E400] =	vst v63  }
0x13: {  	_ =	swait.ge [sflag:s14], $0x4F00  }
0x14: {  	[sflag:s14] =	ssyncset.done $0x0  }
0x15: {  	[sflag:s14] =	ssyncadd.s32 $0xFFFFB100  }
0x16: {  	[tilespmem:s15], [sflag:$0x3] =	stream.linear.gather [hbm4b:s6+s3], $0x4F00, $0x38;
	[tilespmem:$0x1E400] =	vst v63  }
0x17: {  	_ =	swait.ge [sflag:s14], $0x4F00  }
0x18: {  	[sflag:s14] =	ssyncset.done $0x0  }
0x19: {  	s26 =	simm.s32 $0x0;
	s28 =	simm.s32 $0x200;
	[sflag:s14] =	ssyncadd.s32 $0xFFFFB100  }
.LBB2_2:
0x1a: {  	p0 =	sne.s32 s28, $0xFE00;
	[tilespmem:s26+$0xA070] =	vst v0  }
0x1b: {  	[tilespmem:s26+$0xA000] =	vst v0  }
0x1c: {  	[tilespmem:s26+$0xA010] =	vst v0  }
.Ltmp0:
0x1d: {  	[tilespmem:s26+$0xA020] =	vst v0;
	(pc) =	sbr.rel @p0 .LBB2_2-.Ltmp0, $4  }
0x1e: {  	[tilespmem:s26+$0xA030] =	vst v0  }
0x1f: {  	[tilespmem:s26+$0xA040] =	vst v0  }
0x20: {  	[tilespmem:s26+$0xA050] =	vst v0  }
0x21: {  	[tilespmem:s26+$0xA060] =	vst v0;
	s26 =	sshra.s32 s28, $0x2;
	s28 =	sadd.s32 $0x200, s28  }
0x22: {  	[tilespmem:s26+$0xA070] =	vst v0  }
0x23: {  	[tilespmem:s26+$0xA000] =	vst v0  }
0x24: {  	[tilespmem:s26+$0xA010] =	vst v0  }
0x25: {  	[tilespmem:s26+$0xA020] =	vst v0  }
0x26: {  	[tilespmem:s26+$0xA030] =	vst v0  }
0x27: {  	[tilespmem:s26+$0xA040] =	vst v0  }
0x28: {  	[tilespmem:s26+$0xA050] =	vst v0  }
0x29: {  	[tilespmem:s26+$0xA060] =	vst v0  }
0x2a: {  	[spmem:s7] =	stream.linear.scatter [tilespmem:s16], [sflag:$0x3], $0x4000, $0x38;
	[tilespmem:$0x1E400] =	vst v63  }
0x2b: {  	_ =	swait.ge [sflag:s14], $0x4000  }
0x2c: {  	[sflag:s14] =	ssyncset.done $0x0  }
0x2d: {  	[sflag:s14] =	ssyncadd.s32 $0xFFFFC000  }
0x2e: {  	[spmem:s8] =	stream.linear.scatter [tilespmem:s16], [sflag:$0x3], $0x4000, $0x38;
	[tilespmem:$0x1E400] =	vst v63  }
0x2f: {  	_ =	swait.ge [sflag:s14], $0x4000  }
0x30: {  	[sflag:s14] =	ssyncset.done $0x0  }
0x31: {  	[sflag:s14] =	ssyncadd.s32 $0xFFFFC000  }
0x32: {  	[spmem:s9] =	stream.linear.scatter [tilespmem:s16], [sflag:$0x3], $0x2000, $0x38;
	[tilespmem:$0x1E400] =	vst v63  }
0x33: {  	_ =	swait.ge [sflag:s14], $0x2000  }
0x34: {  	[sflag:s14] =	ssyncset.done $0x0  }
0x35: {  	[sflag:s14] =	ssyncadd.s32 $0xFFFFE000  }
0x36: {  	s31 =	simm.s32 $0x0;
	[bflag:$0x0] =	sbarrier.arrive $0xFFFF  }
0x37: {  	[tilespmem:s16], [sflag:$0x1] =	stream.indirect.gather [hbm4b:s4+s17], $0x80, s31, s17, $0xb8;
	[tilespmem:$0x1E400] =	vst v63  }
0x38: {  	_ =	swait.ge [sflag:s18], $0x4000  }
0x39: {  	[sflag:s18] =	ssyncset.done $0x0  }
0x3a: {  	s28 =	simm.s32 $0x80;
	[sflag:s18] =	ssyncadd.s32 $0xFFFFC000  }
0x3b: {  	[tilespmem:s19], [sflag:$0x2] =	stream.indirect.gather [hbm4b:s4+s17], $0x80, s28, s17, $0xb8;
	[tilespmem:$0x1E400] =	vst v63  }
0x3c: {  	s29 =	simm.s32 $0x5000  }
0x3d: {  	[spmem:s2] =	stream.indirect.scatter.add.f32 [tilespmem:s16], [sflag:$0x3], $0x80, s29, s17, $0xb8;
	[tilespmem:$0x1E400] =	vst v63  }
0x3e: {  	_ =	swait.ge [sflag:s14], $0x4000  }
0x3f: {  	[sflag:s14] =	ssyncset.done $0x0  }
0x40: {  	[sflag:s14] =	ssyncadd.s32 $0xFFFFC000  }
0x41: {  	_ =	swait.ge [sflag:s20], $0x4000  }
0x42: {  	[sflag:s20] =	ssyncset.done $0x0  }
0x43: {  	s30 =	simm.s32 $0x100;
	[sflag:s20] =	ssyncadd.s32 $0xFFFFC000  }
0x44: {  	[tilespmem:s16], [sflag:$0x1] =	stream.indirect.gather [hbm4b:s4+s17], $0x80, s30, s17, $0xb8;
	[tilespmem:$0x1E400] =	vst v63  }
0x45: {  	s31 =	simm.s32 $0x5080  }
0x46: {  	[spmem:s2] =	stream.indirect.scatter.add.f32 [tilespmem:s19], [sflag:$0x3], $0x80, s31, s17, $0xb8;
	[tilespmem:$0x1E400] =	vst v63  }
0x47: {  	_ =	swait.ge [sflag:s14], $0x4000  }
0x48: {  	s26 =	simm.s32 $0x400;
	[sflag:s14] =	ssyncset.done $0x0  }
.LBB2_4:
0x49: {  	p0 =	sne.s32 s26, $0x13400  }
0x4a: {  	[sflag:s14] =	ssyncadd.s32 $0xFFFFC000;
	s28 =	smov.u32 s26;
	s26 =	sadd.s32 $0x400, s26  }
0x4b: {  	_ = 	snop  }
0x4c: {  	_ =	swait.ge [sflag:s18], $0x4000  }
0x4d: {  	s28 =	sshra.s32 s28, $0x2;
	[sflag:s18] =	ssyncset.done $0x0  }
0x4e: {  	s29 =	sadd.s32 $0x80, s28;
	[sflag:s18] =	ssyncadd.s32 $0xFFFFC000  }
0x4f: {  	[tilespmem:s19], [sflag:$0x2] =	stream.indirect.gather [hbm4b:s4+s17], $0x80, s29, s17, $0xb8;
	[tilespmem:$0x1E400] =	vst v63  }
0x50: {  	s29 =	sadd.s32 $0x5000, s28  }
0x51: {  	[spmem:s2] =	stream.indirect.scatter.add.f32 [tilespmem:s16], [sflag:$0x3], $0x80, s29, s17, $0xb8;
	[tilespmem:$0x1E400] =	vst v63  }
0x52: {  	_ =	swait.ge [sflag:s14], $0x4000  }
0x53: {  	[sflag:s14] =	ssyncset.done $0x0  }
0x54: {  	[sflag:s14] =	ssyncadd.s32 $0xFFFFC000  }
0x55: {  	_ =	swait.ge [sflag:s20], $0x4000  }
0x56: {  	[sflag:s20] =	ssyncset.done $0x0  }
0x57: {  	s29 =	sadd.s32 $0x100, s28;
	[sflag:s20] =	ssyncadd.s32 $0xFFFFC000  }
0x58: {  	[tilespmem:s16], [sflag:$0x1] =	stream.indirect.gather [hbm4b:s4+s17], $0x80, s29, s17, $0xb8;
	[tilespmem:$0x1E400] =	vst v63  }
.Ltmp1:
0x59: {  	_ = 	snop;
	(pc) =	sbr.rel @p0 .LBB2_4-.Ltmp1, $4  }
0x5a: {  	s28 =	sadd.s32 $0x5080, s28  }
0x5b: {  	[spmem:s2] =	stream.indirect.scatter.add.f32 [tilespmem:s19], [sflag:$0x3], $0x80, s28, s17, $0xb8;
	[tilespmem:$0x1E400] =	vst v63  }
0x5c: {  	_ =	swait.ge [sflag:s14], $0x4000  }
0x5d: {  	[sflag:s14] =	ssyncset.done $0x0  }
0x5e: {  	[sflag:s14] =	ssyncadd.s32 $0xFFFFC000  }
0x5f: {  	_ =	swait.ge [sflag:s18], $0x4000  }
0x60: {  	[sflag:s18] =	ssyncset.done $0x0  }
0x61: {  	[sflag:s18] =	ssyncadd.s32 $0xFFFFC000  }
0x62: {  	[tilespmem:s19], [sflag:$0x2] =	stream.indirect.gather [hbm4b:s4+s17], $0x80, s21, s17, $0xb8;
	[tilespmem:$0x1E400] =	vst v63  }
0x63: {  	_ = 	snop  }
0x64: {  	[spmem:s2] =	stream.indirect.scatter.add.f32 [tilespmem:s16], [sflag:$0x3], $0x80, s22, s17, $0xb8;
	[tilespmem:$0x1E400] =	vst v63  }
0x65: {  	_ =	swait.ge [sflag:s14], $0x4000  }
0x66: {  	[sflag:s14] =	ssyncset.done $0x0  }
0x67: {  	[sflag:s14] =	ssyncadd.s32 $0xFFFFC000  }
0x68: {  	_ =	swait.ge [sflag:s20], $0x4000  }
0x69: {  	[sflag:s20] =	ssyncset.done $0x0  }
0x6a: {  	[sflag:s20] =	ssyncadd.s32 $0xFFFFC000  }
0x6b: {  	[spmem:s2] =	stream.indirect.scatter.add.f32 [tilespmem:s19], [sflag:$0x3], $0x80, s23, s17, $0xb8;
	[tilespmem:$0x1E400] =	vst v63  }
0x6c: {  	_ =	swait.ge [sflag:s14], $0x4000  }
0x6d: {  	[sflag:s14] =	ssyncset.done $0x0  }
0x6e: {  	[sflag:s14] =	ssyncadd.s32 $0xFFFFC000  }
0x6f: {  	[bflag:$0x0] =	sbarrier.arrive $0xFFFF  }
0x70: {  	[tilespmem:s16], [sflag:$0x3] =	stream.linear.gather [spmem:s7], $0x4000, $0x38;
	[tilespmem:$0x1E400] =	vst v63  }
0x71: {  	_ =	swait.ge [sflag:s14], $0x4000  }
0x72: {  	[sflag:s14] =	ssyncset.done $0x0  }
0x73: {  	s26 =	simm.s32 $0xA080;
	[sflag:s14] =	ssyncadd.s32 $0xFFFFC000  }
0x74: {  	v1 =	vld [tilespmem:s26+$0xFFFFFF80]  }
0x75: {  	v2 =	vld [tilespmem:s26+$0xFFFFFF90];
	_ =	sdelay $0x4  }
0x76: {  	v3 =	vshrl.u32 v1, $0x10;
	v4 =	vshrl.u32 v2, $0x10  }
0x77: {  	v3 =	vand.u32 $0x1, v3;
	v4 =	vand.u32 $0x1, v4  }
0x78: {  	v1 =	vadd.s32 v3, v1;
	v2 =	vadd.s32 v4, v2  }
0x79: {  	v1 =	vadd.s32 $0x7FFF, v1;
	v2 =	vadd.s32 $0x7FFF, v2  }
0x7a: {  	v1 =	vshrl.u32 v1, $0x10;
	v2 =	vand.u32 $0xFFFF0000, v2  }
0x7b: {  	s28 =	simm.s32 $0x0;
	v1 =	vor.u32 v1, v2  }
0x7c: {  	[tilespmem:s28+$0x12000] =	vst v1  }
0x7d: {  	v1 =	vld [tilespmem:s26+$0xFFFFFFA0]  }
0x7e: {  	v2 =	vld [tilespmem:s26+$0xFFFFFFB0];
	_ =	sdelay $0x4  }
0x7f: {  	v3 =	vshrl.u32 v1, $0x10;
	v58 =	vshrl.u32 v2, $0x10  }
0x80: {  	v3 =	vand.u32 $0x1, v3;
	v4 =	vand.u32 $0x1, v58  }
0x81: {  	v1 =	vadd.s32 v3, v1;
	v2 =	vadd.s32 v4, v2  }
0x82: {  	v1 =	vadd.s32 $0x7FFF, v1;
	v2 =	vadd.s32 $0x7FFF, v2  }
0x83: {  	v1 =	vshrl.u32 v1, $0x10;
	v2 =	vand.u32 $0xFFFF0000, v2  }
0x84: {  	v1 =	vor.u32 v1, v2  }
0x85: {  	[tilespmem:s28+$0x12010] =	vst v1  }
0x86: {  	v1 =	vld [tilespmem:s26+$0xFFFFFFC0]  }
0x87: {  	v2 =	vld [tilespmem:s26+$0xFFFFFFD0];
	_ =	sdelay $0x4  }
0x88: {  	v3 =	vshrl.u32 v1, $0x10;
	v59 =	vshrl.u32 v2, $0x10  }
0x89: {  	v3 =	vand.u32 $0x1, v3;
	v4 =	vand.u32 $0x1, v59  }
0x8a: {  	v1 =	vadd.s32 v3, v1;
	v2 =	vadd.s32 v4, v2  }
0x8b: {  	v1 =	vadd.s32 $0x7FFF, v1;
	v2 =	vadd.s32 $0x7FFF, v2  }
0x8c: {  	v1 =	vshrl.u32 v1, $0x10;
	v2 =	vand.u32 $0xFFFF0000, v2  }
0x8d: {  	v1 =	vor.u32 v1, v2  }
0x8e: {  	[tilespmem:s28+$0x12020] =	vst v1  }
0x8f: {  	v1 =	vld [tilespmem:s26+$0xFFFFFFE0]  }
0x90: {  	v2 =	vld [tilespmem:s26+$0xFFFFFFF0];
	_ =	sdelay $0x4  }
0x91: {  	v3 =	vshrl.u32 v1, $0x10;
	v60 =	vshrl.u32 v2, $0x10  }
0x92: {  	v3 =	vand.u32 $0x1, v3;
	v4 =	vand.u32 $0x1, v60  }
0x93: {  	v1 =	vadd.s32 v3, v1;
	v2 =	vadd.s32 v4, v2  }
0x94: {  	v1 =	vadd.s32 $0x7FFF, v1;
	v2 =	vadd.s32 $0x7FFF, v2  }
0x95: {  	v1 =	vshrl.u32 v1, $0x10;
	v2 =	vand.u32 $0xFFFF0000, v2  }
0x96: {  	v1 =	vor.u32 v1, v2  }
0x97: {  	[tilespmem:s28+$0x12030] =	vst v1  }
0x98: {  	v1 =	vld [tilespmem:s26+$0x0]  }
0x99: {  	v2 =	vld [tilespmem:s26+$0x10];
	_ =	sdelay $0x4  }
0x9a: {  	v3 =	vshrl.u32 v1, $0x10;
	v61 =	vshrl.u32 v2, $0x10  }
0x9b: {  	v3 =	vand.u32 $0x1, v3;
	v4 =	vand.u32 $0x1, v61  }
0x9c: {  	v1 =	vadd.s32 v3, v1;
	v2 =	vadd.s32 v4, v2  }
0x9d: {  	v1 =	vadd.s32 $0x7FFF, v1;
	v2 =	vadd.s32 $0x7FFF, v2  }
0x9e: {  	v1 =	vshrl.u32 v1, $0x10;
	v2 =	vand.u32 $0xFFFF0000, v2  }
0x9f: {  	v1 =	vor.u32 v1, v2  }
0xa0: {  	[tilespmem:s28+$0x12040] =	vst v1  }
0xa1: {  	v1 =	vld [tilespmem:s26+$0x20]  }
0xa2: {  	v2 =	vld [tilespmem:s26+$0x30];
	_ =	sdelay $0x4  }
0xa3: {  	v3 =	vshrl.u32 v1, $0x10;
	v62 =	vshrl.u32 v2, $0x10  }
0xa4: {  	v3 =	vand.u32 $0x1, v3;
	v4 =	vand.u32 $0x1, v62  }
0xa5: {  	v1 =	vadd.s32 v3, v1;
	v2 =	vadd.s32 v4, v2  }
0xa6: {  	v1 =	vadd.s32 $0x7FFF, v1;
	v2 =	vadd.s32 $0x7FFF, v2  }
0xa7: {  	v1 =	vshrl.u32 v1, $0x10;
	v2 =	vand.u32 $0xFFFF0000, v2  }
0xa8: {  	v1 =	vor.u32 v1, v2  }
0xa9: {  	[tilespmem:s28+$0x12050] =	vst v1  }
0xaa: {  	v1 =	vld [tilespmem:s26+$0x40]  }
0xab: {  	v2 =	vld [tilespmem:s26+$0x50];
	_ =	sdelay $0x4  }
0xac: {  	v3 =	vshrl.u32 v1, $0x10;
	v63 =	vshrl.u32 v2, $0x10  }
0xad: {  	v3 =	vand.u32 $0x1, v3;
	v4 =	vand.u32 $0x1, v63  }
0xae: {  	v1 =	vadd.s32 v3, v1;
	v2 =	vadd.s32 v4, v2  }
0xaf: {  	v1 =	vadd.s32 $0x7FFF, v1;
	v2 =	vadd.s32 $0x7FFF, v2  }
0xb0: {  	v1 =	vshrl.u32 v1, $0x10;
	v2 =	vand.u32 $0xFFFF0000, v2  }
0xb1: {  	v1 =	vor.u32 v1, v2  }
0xb2: {  	[tilespmem:s28+$0x12060] =	vst v1  }
0xb3: {  	v2 =	vld [tilespmem:s26+$0x60]  }
0xb4: {  	s29 =	simm.s32 $0x200;
	v1 =	vld [tilespmem:s26+$0x70]  }
.LBB2_6:
0xb5: {  	_ =	sdelay $0x1  }
0xb6: {  	p0 =	sne.s32 s29, $0x7E00  }
0xb7: {  	s26 =	sadd.s32 $0x100, s26;
	s30 =	smov.u32 s29;
	s29 =	sadd.s32 $0x200, s29;
	v3 =	vshrl.u32 v2, $0x10  }
0xb8: {  	v3 =	vand.u32 $0x1, v3;
	v4 =	vshrl.u32 v1, $0x10  }
0xb9: {  	v2 =	vadd.s32 v3, v2;
	v3 =	vand.u32 $0x1, v4  }
0xba: {  	v2 =	vadd.s32 $0x7FFF, v2;
	v1 =	vadd.s32 v3, v1  }
0xbb: {  	v1 =	vadd.s32 $0x7FFF, v1;
	v2 =	vshrl.u32 v2, $0x10  }
0xbc: {  	v1 =	vand.u32 $0xFFFF0000, v1  }
0xbd: {  	v1 =	vor.u32 v2, v1  }
0xbe: {  	[tilespmem:s28+$0x12070] =	vst v1  }
0xbf: {  	v1 =	vld [tilespmem:s26+$0xFFFFFF80]  }
0xc0: {  	v2 =	vld [tilespmem:s26+$0xFFFFFF90];
	_ =	sdelay $0x3  }
0xc1: {  	v3 =	vshrl.u32 v1, $0x10  }
0xc2: {  	v3 =	vand.u32 $0x1, v3;
	v4 =	vshrl.u32 v2, $0x10  }
0xc3: {  	v1 =	vadd.s32 v3, v1;
	v3 =	vand.u32 $0x1, v4  }
0xc4: {  	v1 =	vadd.s32 $0x7FFF, v1;
	v2 =	vadd.s32 v3, v2  }
0xc5: {  	v2 =	vadd.s32 $0x7FFF, v2  }
0xc6: {  	v1 =	vshrl.u32 v1, $0x10;
	v2 =	vand.u32 $0xFFFF0000, v2  }
0xc7: {  	s28 =	sshra.s32 s30, $0x2;
	v1 =	vor.u32 v1, v2  }
0xc8: {  	[tilespmem:s28+$0x12000] =	vst v1  }
0xc9: {  	v1 =	vld [tilespmem:s26+$0xFFFFFFA0]  }
0xca: {  	v2 =	vld [tilespmem:s26+$0xFFFFFFB0];
	_ =	sdelay $0x3  }
0xcb: {  	v3 =	vshrl.u32 v1, $0x10  }
0xcc: {  	v3 =	vand.u32 $0x1, v3;
	v4 =	vshrl.u32 v2, $0x10  }
0xcd: {  	v1 =	vadd.s32 v3, v1;
	v3 =	vand.u32 $0x1, v4  }
0xce: {  	v1 =	vadd.s32 $0x7FFF, v1;
	v2 =	vadd.s32 v3, v2  }
0xcf: {  	v2 =	vadd.s32 $0x7FFF, v2;
	v1 =	vshrl.u32 v1, $0x10  }
0xd0: {  	v2 =	vand.u32 $0xFFFF0000, v2  }
0xd1: {  	v1 =	vor.u32 v1, v2  }
0xd2: {  	[tilespmem:s28+$0x12010] =	vst v1  }
0xd3: {  	v1 =	vld [tilespmem:s26+$0xFFFFFFC0]  }
0xd4: {  	v2 =	vld [tilespmem:s26+$0xFFFFFFD0];
	_ =	sdelay $0x3  }
0xd5: {  	v3 =	vshrl.u32 v1, $0x10  }
0xd6: {  	v3 =	vand.u32 $0x1, v3;
	v4 =	vshrl.u32 v2, $0x10  }
0xd7: {  	v1 =	vadd.s32 v3, v1;
	v3 =	vand.u32 $0x1, v4  }
0xd8: {  	v1 =	vadd.s32 $0x7FFF, v1;
	v2 =	vadd.s32 v3, v2  }
0xd9: {  	v2 =	vadd.s32 $0x7FFF, v2;
	v1 =	vshrl.u32 v1, $0x10  }
0xda: {  	v2 =	vand.u32 $0xFFFF0000, v2  }
0xdb: {  	v1 =	vor.u32 v1, v2  }
0xdc: {  	[tilespmem:s28+$0x12020] =	vst v1  }
0xdd: {  	v1 =	vld [tilespmem:s26+$0xFFFFFFE0]  }
0xde: {  	v2 =	vld [tilespmem:s26+$0xFFFFFFF0];
	_ =	sdelay $0x3  }
0xdf: {  	v3 =	vshrl.u32 v1, $0x10  }
0xe0: {  	v3 =	vand.u32 $0x1, v3;
	v4 =	vshrl.u32 v2, $0x10  }
0xe1: {  	v1 =	vadd.s32 v3, v1;
	v3 =	vand.u32 $0x1, v4  }
0xe2: {  	v1 =	vadd.s32 $0x7FFF, v1;
	v2 =	vadd.s32 v3, v2  }
0xe3: {  	v2 =	vadd.s32 $0x7FFF, v2;
	v1 =	vshrl.u32 v1, $0x10  }
0xe4: {  	v2 =	vand.u32 $0xFFFF0000, v2  }
0xe5: {  	v1 =	vor.u32 v1, v2  }
0xe6: {  	[tilespmem:s28+$0x12030] =	vst v1  }
0xe7: {  	v1 =	vld [tilespmem:s26+$0x0]  }
0xe8: {  	v2 =	vld [tilespmem:s26+$0x10];
	_ =	sdelay $0x3  }
0xe9: {  	v3 =	vshrl.u32 v1, $0x10  }
0xea: {  	v3 =	vand.u32 $0x1, v3;
	v4 =	vshrl.u32 v2, $0x10  }
0xeb: {  	v1 =	vadd.s32 v3, v1;
	v3 =	vand.u32 $0x1, v4  }
0xec: {  	v1 =	vadd.s32 $0x7FFF, v1;
	v2 =	vadd.s32 v3, v2  }
0xed: {  	v2 =	vadd.s32 $0x7FFF, v2;
	v1 =	vshrl.u32 v1, $0x10  }
0xee: {  	v2 =	vand.u32 $0xFFFF0000, v2  }
0xef: {  	v1 =	vor.u32 v1, v2  }
0xf0: {  	[tilespmem:s28+$0x12040] =	vst v1  }
0xf1: {  	v1 =	vld [tilespmem:s26+$0x20]  }
0xf2: {  	v2 =	vld [tilespmem:s26+$0x30];
	_ =	sdelay $0x3  }
0xf3: {  	v3 =	vshrl.u32 v1, $0x10  }
0xf4: {  	v3 =	vand.u32 $0x1, v3;
	v4 =	vshrl.u32 v2, $0x10  }
0xf5: {  	v1 =	vadd.s32 v3, v1;
	v3 =	vand.u32 $0x1, v4  }
0xf6: {  	v1 =	vadd.s32 $0x7FFF, v1;
	v2 =	vadd.s32 v3, v2  }
0xf7: {  	v2 =	vadd.s32 $0x7FFF, v2;
	v1 =	vshrl.u32 v1, $0x10  }
0xf8: {  	v2 =	vand.u32 $0xFFFF0000, v2  }
0xf9: {  	v1 =	vor.u32 v1, v2  }
0xfa: {  	[tilespmem:s28+$0x12050] =	vst v1  }
0xfb: {  	v1 =	vld [tilespmem:s26+$0x40]  }
0xfc: {  	v2 =	vld [tilespmem:s26+$0x50];
	_ =	sdelay $0x3  }
0xfd: {  	v3 =	vshrl.u32 v1, $0x10  }
0xfe: {  	v3 =	vand.u32 $0x1, v3;
	v4 =	vshrl.u32 v2, $0x10  }
0xff: {  	v1 =	vadd.s32 v3, v1;
	v3 =	vand.u32 $0x1, v4  }
0x100: {  	v1 =	vadd.s32 $0x7FFF, v1;
	v2 =	vadd.s32 v3, v2  }
0x101: {  	v2 =	vadd.s32 $0x7FFF, v2;
	v1 =	vshrl.u32 v1, $0x10  }
.Ltmp2:
0x102: {  	v2 =	vand.u32 $0xFFFF0000, v2;
	(pc) =	sbr.rel @p0 .LBB2_6-.Ltmp2, $4  }
0x103: {  	v1 =	vor.u32 v1, v2  }
0x104: {  	[tilespmem:s28+$0x12060] =	vst v1  }
0x105: {  	v2 =	vld [tilespmem:s26+$0x60]  }
0x106: {  	v1 =	vld [tilespmem:s26+$0x70]  }
0x107: {  	_ =	sdelay $0x3  }
0x108: {  	v3 =	vshrl.u32 v2, $0x10;
	v4 =	vshrl.u32 v1, $0x10  }
0x109: {  	v3 =	vand.u32 $0x1, v3;
	v4 =	vand.u32 $0x1, v4  }
0x10a: {  	v2 =	vadd.s32 v3, v2;
	v1 =	vadd.s32 v4, v1  }
0x10b: {  	v2 =	vadd.s32 $0x7FFF, v2;
	v1 =	vadd.s32 $0x7FFF, v1  }
0x10c: {  	v2 =	vshrl.u32 v2, $0x10;
	v1 =	vand.u32 $0xFFFF0000, v1  }
0x10d: {  	v1 =	vor.u32 v2, v1  }
0x10e: {  	s26 =	simm.s32 $0x0;
	[tilespmem:s28+$0x12070] =	vst v1  }
0x10f: {  	[hbm4b:s10+s26] =	stream.linear.scatter [tilespmem:s24], [sflag:$0x3], $0x2000, $0x38;
	[tilespmem:$0x1E400] =	vst v63  }
0x110: {  	_ =	swait.ge [sflag:s14], $0x2000  }
0x111: {  	[sflag:s14] =	ssyncset.done $0x0  }
0x112: {  	[sflag:s14] =	ssyncadd.s32 $0xFFFFE000  }
0x113: {  	[tilespmem:s16], [sflag:$0x3] =	stream.linear.gather [spmem:s8], $0x4000, $0x38;
	[tilespmem:$0x1E400] =	vst v63  }
0x114: {  	_ =	swait.ge [sflag:s14], $0x4000  }
0x115: {  	[sflag:s14] =	ssyncset.done $0x0  }
0x116: {  	s26 =	simm.s32 $0xA080;
	[sflag:s14] =	ssyncadd.s32 $0xFFFFC000  }
0x117: {  	v1 =	vld [tilespmem:s26+$0xFFFFFF80]  }
0x118: {  	v2 =	vld [tilespmem:s26+$0xFFFFFF90];
	_ =	sdelay $0x4  }
0x119: {  	v3 =	vshrl.u32 v1, $0x10;
	v57 =	vshrl.u32 v2, $0x10  }
0x11a: {  	v3 =	vand.u32 $0x1, v3;
	v4 =	vand.u32 $0x1, v57  }
0x11b: {  	v1 =	vadd.s32 v3, v1;
	v2 =	vadd.s32 v4, v2  }
0x11c: {  	v1 =	vadd.s32 $0x7FFF, v1;
	v2 =	vadd.s32 $0x7FFF, v2  }
0x11d: {  	v1 =	vshrl.u32 v1, $0x10;
	v2 =	vand.u32 $0xFFFF0000, v2  }
0x11e: {  	s28 =	simm.s32 $0x0;
	v1 =	vor.u32 v1, v2  }
0x11f: {  	[tilespmem:s28+$0x12000] =	vst v1  }
0x120: {  	v1 =	vld [tilespmem:s26+$0xFFFFFFA0]  }
0x121: {  	v2 =	vld [tilespmem:s26+$0xFFFFFFB0];
	_ =	sdelay $0x4  }
0x122: {  	v3 =	vshrl.u32 v1, $0x10;
	v58 =	vshrl.u32 v2, $0x10  }
0x123: {  	v3 =	vand.u32 $0x1, v3;
	v4 =	vand.u32 $0x1, v58  }
0x124: {  	v1 =	vadd.s32 v3, v1;
	v2 =	vadd.s32 v4, v2  }
0x125: {  	v1 =	vadd.s32 $0x7FFF, v1;
	v2 =	vadd.s32 $0x7FFF, v2  }
0x126: {  	v1 =	vshrl.u32 v1, $0x10;
	v2 =	vand.u32 $0xFFFF0000, v2  }
0x127: {  	v1 =	vor.u32 v1, v2  }
0x128: {  	[tilespmem:s28+$0x12010] =	vst v1  }
0x129: {  	v1 =	vld [tilespmem:s26+$0xFFFFFFC0]  }
0x12a: {  	v2 =	vld [tilespmem:s26+$0xFFFFFFD0];
	_ =	sdelay $0x4  }
0x12b: {  	v3 =	vshrl.u32 v1, $0x10;
	v59 =	vshrl.u32 v2, $0x10  }
0x12c: {  	v3 =	vand.u32 $0x1, v3;
	v4 =	vand.u32 $0x1, v59  }
0x12d: {  	v1 =	vadd.s32 v3, v1;
	v2 =	vadd.s32 v4, v2  }
0x12e: {  	v1 =	vadd.s32 $0x7FFF, v1;
	v2 =	vadd.s32 $0x7FFF, v2  }
0x12f: {  	v1 =	vshrl.u32 v1, $0x10;
	v2 =	vand.u32 $0xFFFF0000, v2  }
0x130: {  	v1 =	vor.u32 v1, v2  }
0x131: {  	[tilespmem:s28+$0x12020] =	vst v1  }
0x132: {  	v1 =	vld [tilespmem:s26+$0xFFFFFFE0]  }
0x133: {  	v2 =	vld [tilespmem:s26+$0xFFFFFFF0];
	_ =	sdelay $0x4  }
0x134: {  	v3 =	vshrl.u32 v1, $0x10;
	v60 =	vshrl.u32 v2, $0x10  }
0x135: {  	v3 =	vand.u32 $0x1, v3;
	v4 =	vand.u32 $0x1, v60  }
0x136: {  	v1 =	vadd.s32 v3, v1;
	v2 =	vadd.s32 v4, v2  }
0x137: {  	v1 =	vadd.s32 $0x7FFF, v1;
	v2 =	vadd.s32 $0x7FFF, v2  }
0x138: {  	v1 =	vshrl.u32 v1, $0x10;
	v2 =	vand.u32 $0xFFFF0000, v2  }
0x139: {  	v1 =	vor.u32 v1, v2  }
0x13a: {  	[tilespmem:s28+$0x12030] =	vst v1  }
0x13b: {  	v1 =	vld [tilespmem:s26+$0x0]  }
0x13c: {  	v2 =	vld [tilespmem:s26+$0x10];
	_ =	sdelay $0x4  }
0x13d: {  	v3 =	vshrl.u32 v1, $0x10;
	v61 =	vshrl.u32 v2, $0x10  }
0x13e: {  	v3 =	vand.u32 $0x1, v3;
	v4 =	vand.u32 $0x1, v61  }
0x13f: {  	v1 =	vadd.s32 v3, v1;
	v2 =	vadd.s32 v4, v2  }
0x140: {  	v1 =	vadd.s32 $0x7FFF, v1;
	v2 =	vadd.s32 $0x7FFF, v2  }
0x141: {  	v1 =	vshrl.u32 v1, $0x10;
	v2 =	vand.u32 $0xFFFF0000, v2  }
0x142: {  	v1 =	vor.u32 v1, v2  }
0x143: {  	[tilespmem:s28+$0x12040] =	vst v1  }
0x144: {  	v1 =	vld [tilespmem:s26+$0x20]  }
0x145: {  	v2 =	vld [tilespmem:s26+$0x30];
	_ =	sdelay $0x4  }
0x146: {  	v3 =	vshrl.u32 v1, $0x10;
	v62 =	vshrl.u32 v2, $0x10  }
0x147: {  	v3 =	vand.u32 $0x1, v3;
	v4 =	vand.u32 $0x1, v62  }
0x148: {  	v1 =	vadd.s32 v3, v1;
	v2 =	vadd.s32 v4, v2  }
0x149: {  	v1 =	vadd.s32 $0x7FFF, v1;
	v2 =	vadd.s32 $0x7FFF, v2  }
0x14a: {  	v1 =	vshrl.u32 v1, $0x10;
	v2 =	vand.u32 $0xFFFF0000, v2  }
0x14b: {  	v1 =	vor.u32 v1, v2  }
0x14c: {  	[tilespmem:s28+$0x12050] =	vst v1  }
0x14d: {  	v1 =	vld [tilespmem:s26+$0x40]  }
0x14e: {  	v2 =	vld [tilespmem:s26+$0x50];
	_ =	sdelay $0x4  }
0x14f: {  	v3 =	vshrl.u32 v1, $0x10;
	v63 =	vshrl.u32 v2, $0x10  }
0x150: {  	v3 =	vand.u32 $0x1, v3;
	v4 =	vand.u32 $0x1, v63  }
0x151: {  	v1 =	vadd.s32 v3, v1;
	v2 =	vadd.s32 v4, v2  }
0x152: {  	v1 =	vadd.s32 $0x7FFF, v1;
	v2 =	vadd.s32 $0x7FFF, v2  }
0x153: {  	v1 =	vshrl.u32 v1, $0x10;
	v2 =	vand.u32 $0xFFFF0000, v2  }
0x154: {  	v1 =	vor.u32 v1, v2  }
0x155: {  	[tilespmem:s28+$0x12060] =	vst v1  }
0x156: {  	v2 =	vld [tilespmem:s26+$0x60]  }
0x157: {  	s29 =	simm.s32 $0x200;
	v1 =	vld [tilespmem:s26+$0x70]  }
.LBB2_8:
0x158: {  	_ =	sdelay $0x1  }
0x159: {  	p0 =	sne.s32 s29, $0x7E00  }
0x15a: {  	s26 =	sadd.s32 $0x100, s26;
	s30 =	smov.u32 s29;
	s29 =	sadd.s32 $0x200, s29;
	v3 =	vshrl.u32 v2, $0x10  }
0x15b: {  	v3 =	vand.u32 $0x1, v3;
	v4 =	vshrl.u32 v1, $0x10  }
0x15c: {  	v2 =	vadd.s32 v3, v2;
	v3 =	vand.u32 $0x1, v4  }
0x15d: {  	v2 =	vadd.s32 $0x7FFF, v2;
	v1 =	vadd.s32 v3, v1  }
0x15e: {  	v1 =	vadd.s32 $0x7FFF, v1;
	v2 =	vshrl.u32 v2, $0x10  }
0x15f: {  	v1 =	vand.u32 $0xFFFF0000, v1  }
0x160: {  	v1 =	vor.u32 v2, v1  }
0x161: {  	[tilespmem:s28+$0x12070] =	vst v1  }
0x162: {  	v1 =	vld [tilespmem:s26+$0xFFFFFF80]  }
0x163: {  	v2 =	vld [tilespmem:s26+$0xFFFFFF90];
	_ =	sdelay $0x3  }
0x164: {  	v3 =	vshrl.u32 v1, $0x10  }
0x165: {  	v3 =	vand.u32 $0x1, v3;
	v4 =	vshrl.u32 v2, $0x10  }
0x166: {  	v1 =	vadd.s32 v3, v1;
	v3 =	vand.u32 $0x1, v4  }
0x167: {  	v1 =	vadd.s32 $0x7FFF, v1;
	v2 =	vadd.s32 v3, v2  }
0x168: {  	v2 =	vadd.s32 $0x7FFF, v2  }
0x169: {  	v1 =	vshrl.u32 v1, $0x10;
	v2 =	vand.u32 $0xFFFF0000, v2  }
0x16a: {  	s28 =	sshra.s32 s30, $0x2;
	v1 =	vor.u32 v1, v2  }
0x16b: {  	[tilespmem:s28+$0x12000] =	vst v1  }
0x16c: {  	v1 =	vld [tilespmem:s26+$0xFFFFFFA0]  }
0x16d: {  	v2 =	vld [tilespmem:s26+$0xFFFFFFB0];
	_ =	sdelay $0x3  }
0x16e: {  	v3 =	vshrl.u32 v1, $0x10  }
0x16f: {  	v3 =	vand.u32 $0x1, v3;
	v4 =	vshrl.u32 v2, $0x10  }
0x170: {  	v1 =	vadd.s32 v3, v1;
	v3 =	vand.u32 $0x1, v4  }
0x171: {  	v1 =	vadd.s32 $0x7FFF, v1;
	v2 =	vadd.s32 v3, v2  }
0x172: {  	v2 =	vadd.s32 $0x7FFF, v2;
	v1 =	vshrl.u32 v1, $0x10  }
0x173: {  	v2 =	vand.u32 $0xFFFF0000, v2  }
0x174: {  	v1 =	vor.u32 v1, v2  }
0x175: {  	[tilespmem:s28+$0x12010] =	vst v1  }
0x176: {  	v1 =	vld [tilespmem:s26+$0xFFFFFFC0]  }
0x177: {  	v2 =	vld [tilespmem:s26+$0xFFFFFFD0];
	_ =	sdelay $0x3  }
0x178: {  	v3 =	vshrl.u32 v1, $0x10  }
0x179: {  	v3 =	vand.u32 $0x1, v3;
	v4 =	vshrl.u32 v2, $0x10  }
0x17a: {  	v1 =	vadd.s32 v3, v1;
	v3 =	vand.u32 $0x1, v4  }
0x17b: {  	v1 =	vadd.s32 $0x7FFF, v1;
	v2 =	vadd.s32 v3, v2  }
0x17c: {  	v2 =	vadd.s32 $0x7FFF, v2;
	v1 =	vshrl.u32 v1, $0x10  }
0x17d: {  	v2 =	vand.u32 $0xFFFF0000, v2  }
0x17e: {  	v1 =	vor.u32 v1, v2  }
0x17f: {  	[tilespmem:s28+$0x12020] =	vst v1  }
0x180: {  	v1 =	vld [tilespmem:s26+$0xFFFFFFE0]  }
0x181: {  	v2 =	vld [tilespmem:s26+$0xFFFFFFF0];
	_ =	sdelay $0x3  }
0x182: {  	v3 =	vshrl.u32 v1, $0x10  }
0x183: {  	v3 =	vand.u32 $0x1, v3;
	v4 =	vshrl.u32 v2, $0x10  }
0x184: {  	v1 =	vadd.s32 v3, v1;
	v3 =	vand.u32 $0x1, v4  }
0x185: {  	v1 =	vadd.s32 $0x7FFF, v1;
	v2 =	vadd.s32 v3, v2  }
0x186: {  	v2 =	vadd.s32 $0x7FFF, v2;
	v1 =	vshrl.u32 v1, $0x10  }
0x187: {  	v2 =	vand.u32 $0xFFFF0000, v2  }
0x188: {  	v1 =	vor.u32 v1, v2  }
0x189: {  	[tilespmem:s28+$0x12030] =	vst v1  }
0x18a: {  	v1 =	vld [tilespmem:s26+$0x0]  }
0x18b: {  	v2 =	vld [tilespmem:s26+$0x10];
	_ =	sdelay $0x3  }
0x18c: {  	v3 =	vshrl.u32 v1, $0x10  }
0x18d: {  	v3 =	vand.u32 $0x1, v3;
	v4 =	vshrl.u32 v2, $0x10  }
0x18e: {  	v1 =	vadd.s32 v3, v1;
	v3 =	vand.u32 $0x1, v4  }
0x18f: {  	v1 =	vadd.s32 $0x7FFF, v1;
	v2 =	vadd.s32 v3, v2  }
0x190: {  	v2 =	vadd.s32 $0x7FFF, v2;
	v1 =	vshrl.u32 v1, $0x10  }
0x191: {  	v2 =	vand.u32 $0xFFFF0000, v2  }
0x192: {  	v1 =	vor.u32 v1, v2  }
0x193: {  	[tilespmem:s28+$0x12040] =	vst v1  }
0x194: {  	v1 =	vld [tilespmem:s26+$0x20]  }
0x195: {  	v2 =	vld [tilespmem:s26+$0x30];
	_ =	sdelay $0x3  }
0x196: {  	v3 =	vshrl.u32 v1, $0x10  }
0x197: {  	v3 =	vand.u32 $0x1, v3;
	v4 =	vshrl.u32 v2, $0x10  }
0x198: {  	v1 =	vadd.s32 v3, v1;
	v3 =	vand.u32 $0x1, v4  }
0x199: {  	v1 =	vadd.s32 $0x7FFF, v1;
	v2 =	vadd.s32 v3, v2  }
0x19a: {  	v2 =	vadd.s32 $0x7FFF, v2;
	v1 =	vshrl.u32 v1, $0x10  }
0x19b: {  	v2 =	vand.u32 $0xFFFF0000, v2  }
0x19c: {  	v1 =	vor.u32 v1, v2  }
0x19d: {  	[tilespmem:s28+$0x12050] =	vst v1  }
0x19e: {  	v1 =	vld [tilespmem:s26+$0x40]  }
0x19f: {  	v2 =	vld [tilespmem:s26+$0x50];
	_ =	sdelay $0x3  }
0x1a0: {  	v3 =	vshrl.u32 v1, $0x10  }
0x1a1: {  	v3 =	vand.u32 $0x1, v3;
	v4 =	vshrl.u32 v2, $0x10  }
0x1a2: {  	v1 =	vadd.s32 v3, v1;
	v3 =	vand.u32 $0x1, v4  }
0x1a3: {  	v1 =	vadd.s32 $0x7FFF, v1;
	v2 =	vadd.s32 v3, v2  }
0x1a4: {  	v2 =	vadd.s32 $0x7FFF, v2;
	v1 =	vshrl.u32 v1, $0x10  }
.Ltmp3:
0x1a5: {  	v2 =	vand.u32 $0xFFFF0000, v2;
	(pc) =	sbr.rel @p0 .LBB2_8-.Ltmp3, $4  }
0x1a6: {  	v1 =	vor.u32 v1, v2  }
0x1a7: {  	[tilespmem:s28+$0x12060] =	vst v1  }
0x1a8: {  	v2 =	vld [tilespmem:s26+$0x60]  }
0x1a9: {  	v1 =	vld [tilespmem:s26+$0x70]  }
0x1aa: {  	_ =	sdelay $0x3  }
0x1ab: {  	v3 =	vshrl.u32 v2, $0x10;
	v4 =	vshrl.u32 v1, $0x10  }
0x1ac: {  	v3 =	vand.u32 $0x1, v3;
	v4 =	vand.u32 $0x1, v4  }
0x1ad: {  	v2 =	vadd.s32 v3, v2;
	v1 =	vadd.s32 v4, v1  }
0x1ae: {  	v2 =	vadd.s32 $0x7FFF, v2;
	v1 =	vadd.s32 $0x7FFF, v1  }
0x1af: {  	v2 =	vshrl.u32 v2, $0x10;
	v1 =	vand.u32 $0xFFFF0000, v1  }
0x1b0: {  	v1 =	vor.u32 v2, v1  }
0x1b1: {  	s26 =	simm.s32 $0x0;
	[tilespmem:s28+$0x12070] =	vst v1  }
0x1b2: {  	[hbm4b:s11+s26] =	stream.linear.scatter [tilespmem:s24], [sflag:$0x3], $0x2000, $0x38;
	[tilespmem:$0x1E400] =	vst v63  }
0x1b3: {  	_ =	swait.ge [sflag:s14], $0x2000  }
0x1b4: {  	[sflag:s14] =	ssyncset.done $0x0  }
0x1b5: {  	[sflag:s14] =	ssyncadd.s32 $0xFFFFE000  }
0x1b6: {  	[tilespmem:s16], [sflag:$0x3] =	stream.linear.gather [spmem:s9], $0x2000, $0x38;
	[tilespmem:$0x1E400] =	vst v63  }
0x1b7: {  	_ =	swait.ge [sflag:s14], $0x2000  }
0x1b8: {  	[sflag:s14] =	ssyncset.done $0x0  }
0x1b9: {  	s26 =	simm.s32 $0xA080;
	[sflag:s14] =	ssyncadd.s32 $0xFFFFE000  }
0x1ba: {  	v1 =	vld [tilespmem:s26+$0xFFFFFF80]  }
0x1bb: {  	v2 =	vld [tilespmem:s26+$0xFFFFFF90];
	_ =	sdelay $0x4  }
0x1bc: {  	v3 =	vshrl.u32 v1, $0x10;
	v57 =	vshrl.u32 v2, $0x10  }
0x1bd: {  	v3 =	vand.u32 $0x1, v3;
	v4 =	vand.u32 $0x1, v57  }
0x1be: {  	v1 =	vadd.s32 v3, v1;
	v2 =	vadd.s32 v4, v2  }
0x1bf: {  	v1 =	vadd.s32 $0x7FFF, v1;
	v2 =	vadd.s32 $0x7FFF, v2  }
0x1c0: {  	v1 =	vshrl.u32 v1, $0x10;
	v2 =	vand.u32 $0xFFFF0000, v2  }
0x1c1: {  	s28 =	simm.s32 $0x0;
	v1 =	vor.u32 v1, v2  }
0x1c2: {  	[tilespmem:s28+$0x12000] =	vst v1  }
0x1c3: {  	v1 =	vld [tilespmem:s26+$0xFFFFFFA0]  }
0x1c4: {  	v2 =	vld [tilespmem:s26+$0xFFFFFFB0];
	_ =	sdelay $0x4  }
0x1c5: {  	v3 =	vshrl.u32 v1, $0x10;
	v58 =	vshrl.u32 v2, $0x10  }
0x1c6: {  	v3 =	vand.u32 $0x1, v3;
	v4 =	vand.u32 $0x1, v58  }
0x1c7: {  	v1 =	vadd.s32 v3, v1;
	v2 =	vadd.s32 v4, v2  }
0x1c8: {  	v1 =	vadd.s32 $0x7FFF, v1;
	v2 =	vadd.s32 $0x7FFF, v2  }
0x1c9: {  	v1 =	vshrl.u32 v1, $0x10;
	v2 =	vand.u32 $0xFFFF0000, v2  }
0x1ca: {  	v1 =	vor.u32 v1, v2  }
0x1cb: {  	[tilespmem:s28+$0x12010] =	vst v1  }
0x1cc: {  	v1 =	vld [tilespmem:s26+$0xFFFFFFC0]  }
0x1cd: {  	v2 =	vld [tilespmem:s26+$0xFFFFFFD0];
	_ =	sdelay $0x4  }
0x1ce: {  	v3 =	vshrl.u32 v1, $0x10;
	v59 =	vshrl.u32 v2, $0x10  }
0x1cf: {  	v3 =	vand.u32 $0x1, v3;
	v4 =	vand.u32 $0x1, v59  }
0x1d0: {  	v1 =	vadd.s32 v3, v1;
	v2 =	vadd.s32 v4, v2  }
0x1d1: {  	v1 =	vadd.s32 $0x7FFF, v1;
	v2 =	vadd.s32 $0x7FFF, v2  }
0x1d2: {  	v1 =	vshrl.u32 v1, $0x10;
	v2 =	vand.u32 $0xFFFF0000, v2  }
0x1d3: {  	v1 =	vor.u32 v1, v2  }
0x1d4: {  	[tilespmem:s28+$0x12020] =	vst v1  }
0x1d5: {  	v1 =	vld [tilespmem:s26+$0xFFFFFFE0]  }
0x1d6: {  	v2 =	vld [tilespmem:s26+$0xFFFFFFF0];
	_ =	sdelay $0x4  }
0x1d7: {  	v3 =	vshrl.u32 v1, $0x10;
	v60 =	vshrl.u32 v2, $0x10  }
0x1d8: {  	v3 =	vand.u32 $0x1, v3;
	v4 =	vand.u32 $0x1, v60  }
0x1d9: {  	v1 =	vadd.s32 v3, v1;
	v2 =	vadd.s32 v4, v2  }
0x1da: {  	v1 =	vadd.s32 $0x7FFF, v1;
	v2 =	vadd.s32 $0x7FFF, v2  }
0x1db: {  	v1 =	vshrl.u32 v1, $0x10;
	v2 =	vand.u32 $0xFFFF0000, v2  }
0x1dc: {  	v1 =	vor.u32 v1, v2  }
0x1dd: {  	[tilespmem:s28+$0x12030] =	vst v1  }
0x1de: {  	v1 =	vld [tilespmem:s26+$0x0]  }
0x1df: {  	v2 =	vld [tilespmem:s26+$0x10];
	_ =	sdelay $0x4  }
0x1e0: {  	v3 =	vshrl.u32 v1, $0x10;
	v61 =	vshrl.u32 v2, $0x10  }
0x1e1: {  	v3 =	vand.u32 $0x1, v3;
	v4 =	vand.u32 $0x1, v61  }
0x1e2: {  	v1 =	vadd.s32 v3, v1;
	v2 =	vadd.s32 v4, v2  }
0x1e3: {  	v1 =	vadd.s32 $0x7FFF, v1;
	v2 =	vadd.s32 $0x7FFF, v2  }
0x1e4: {  	v1 =	vshrl.u32 v1, $0x10;
	v2 =	vand.u32 $0xFFFF0000, v2  }
0x1e5: {  	v1 =	vor.u32 v1, v2  }
0x1e6: {  	[tilespmem:s28+$0x12040] =	vst v1  }
0x1e7: {  	v1 =	vld [tilespmem:s26+$0x20]  }
0x1e8: {  	v2 =	vld [tilespmem:s26+$0x30];
	_ =	sdelay $0x4  }
0x1e9: {  	v3 =	vshrl.u32 v1, $0x10;
	v62 =	vshrl.u32 v2, $0x10  }
0x1ea: {  	v3 =	vand.u32 $0x1, v3;
	v4 =	vand.u32 $0x1, v62  }
0x1eb: {  	v1 =	vadd.s32 v3, v1;
	v2 =	vadd.s32 v4, v2  }
0x1ec: {  	v1 =	vadd.s32 $0x7FFF, v1;
	v2 =	vadd.s32 $0x7FFF, v2  }
0x1ed: {  	v1 =	vshrl.u32 v1, $0x10;
	v2 =	vand.u32 $0xFFFF0000, v2  }
0x1ee: {  	v1 =	vor.u32 v1, v2  }
0x1ef: {  	[tilespmem:s28+$0x12050] =	vst v1  }
0x1f0: {  	v1 =	vld [tilespmem:s26+$0x40]  }
0x1f1: {  	v2 =	vld [tilespmem:s26+$0x50];
	_ =	sdelay $0x4  }
0x1f2: {  	v3 =	vshrl.u32 v1, $0x10;
	v63 =	vshrl.u32 v2, $0x10  }
0x1f3: {  	v3 =	vand.u32 $0x1, v3;
	v4 =	vand.u32 $0x1, v63  }
0x1f4: {  	v1 =	vadd.s32 v3, v1;
	v2 =	vadd.s32 v4, v2  }
0x1f5: {  	v1 =	vadd.s32 $0x7FFF, v1;
	v2 =	vadd.s32 $0x7FFF, v2  }
0x1f6: {  	v1 =	vshrl.u32 v1, $0x10;
	v2 =	vand.u32 $0xFFFF0000, v2  }
0x1f7: {  	v1 =	vor.u32 v1, v2  }
0x1f8: {  	[tilespmem:s28+$0x12060] =	vst v1  }
0x1f9: {  	v2 =	vld [tilespmem:s26+$0x60]  }
0x1fa: {  	s29 =	simm.s32 $0x200;
	v1 =	vld [tilespmem:s26+$0x70]  }
.LBB2_10:
0x1fb: {  	_ =	sdelay $0x1  }
0x1fc: {  	p0 =	sne.s32 s29, $0x3E00  }
0x1fd: {  	s26 =	sadd.s32 $0x100, s26;
	s30 =	smov.u32 s29;
	s29 =	sadd.s32 $0x200, s29;
	v3 =	vshrl.u32 v2, $0x10  }
0x1fe: {  	v3 =	vand.u32 $0x1, v3;
	v4 =	vshrl.u32 v1, $0x10  }
0x1ff: {  	v2 =	vadd.s32 v3, v2;
	v3 =	vand.u32 $0x1, v4  }
0x200: {  	v2 =	vadd.s32 $0x7FFF, v2;
	v1 =	vadd.s32 v3, v1  }
0x201: {  	v1 =	vadd.s32 $0x7FFF, v1;
	v2 =	vshrl.u32 v2, $0x10  }
0x202: {  	v1 =	vand.u32 $0xFFFF0000, v1  }
0x203: {  	v1 =	vor.u32 v2, v1  }
0x204: {  	[tilespmem:s28+$0x12070] =	vst v1  }
0x205: {  	v1 =	vld [tilespmem:s26+$0xFFFFFF80]  }
0x206: {  	v2 =	vld [tilespmem:s26+$0xFFFFFF90];
	_ =	sdelay $0x3  }
0x207: {  	v3 =	vshrl.u32 v1, $0x10  }
0x208: {  	v3 =	vand.u32 $0x1, v3;
	v4 =	vshrl.u32 v2, $0x10  }
0x209: {  	v1 =	vadd.s32 v3, v1;
	v3 =	vand.u32 $0x1, v4  }
0x20a: {  	v1 =	vadd.s32 $0x7FFF, v1;
	v2 =	vadd.s32 v3, v2  }
0x20b: {  	v2 =	vadd.s32 $0x7FFF, v2  }
0x20c: {  	v1 =	vshrl.u32 v1, $0x10;
	v2 =	vand.u32 $0xFFFF0000, v2  }
0x20d: {  	s28 =	sshra.s32 s30, $0x2;
	v1 =	vor.u32 v1, v2  }
0x20e: {  	[tilespmem:s28+$0x12000] =	vst v1  }
0x20f: {  	v1 =	vld [tilespmem:s26+$0xFFFFFFA0]  }
0x210: {  	v2 =	vld [tilespmem:s26+$0xFFFFFFB0];
	_ =	sdelay $0x3  }
0x211: {  	v3 =	vshrl.u32 v1, $0x10  }
0x212: {  	v3 =	vand.u32 $0x1, v3;
	v4 =	vshrl.u32 v2, $0x10  }
0x213: {  	v1 =	vadd.s32 v3, v1;
	v3 =	vand.u32 $0x1, v4  }
0x214: {  	v1 =	vadd.s32 $0x7FFF, v1;
	v2 =	vadd.s32 v3, v2  }
0x215: {  	v2 =	vadd.s32 $0x7FFF, v2;
	v1 =	vshrl.u32 v1, $0x10  }
0x216: {  	v2 =	vand.u32 $0xFFFF0000, v2  }
0x217: {  	v1 =	vor.u32 v1, v2  }
0x218: {  	[tilespmem:s28+$0x12010] =	vst v1  }
0x219: {  	v1 =	vld [tilespmem:s26+$0xFFFFFFC0]  }
0x21a: {  	v2 =	vld [tilespmem:s26+$0xFFFFFFD0];
	_ =	sdelay $0x3  }
0x21b: {  	v3 =	vshrl.u32 v1, $0x10  }
0x21c: {  	v3 =	vand.u32 $0x1, v3;
	v4 =	vshrl.u32 v2, $0x10  }
0x21d: {  	v1 =	vadd.s32 v3, v1;
	v3 =	vand.u32 $0x1, v4  }
0x21e: {  	v1 =	vadd.s32 $0x7FFF, v1;
	v2 =	vadd.s32 v3, v2  }
0x21f: {  	v2 =	vadd.s32 $0x7FFF, v2;
	v1 =	vshrl.u32 v1, $0x10  }
0x220: {  	v2 =	vand.u32 $0xFFFF0000, v2  }
0x221: {  	v1 =	vor.u32 v1, v2  }
0x222: {  	[tilespmem:s28+$0x12020] =	vst v1  }
0x223: {  	v1 =	vld [tilespmem:s26+$0xFFFFFFE0]  }
0x224: {  	v2 =	vld [tilespmem:s26+$0xFFFFFFF0];
	_ =	sdelay $0x3  }
0x225: {  	v3 =	vshrl.u32 v1, $0x10  }
0x226: {  	v3 =	vand.u32 $0x1, v3;
	v4 =	vshrl.u32 v2, $0x10  }
0x227: {  	v1 =	vadd.s32 v3, v1;
	v3 =	vand.u32 $0x1, v4  }
0x228: {  	v1 =	vadd.s32 $0x7FFF, v1;
	v2 =	vadd.s32 v3, v2  }
0x229: {  	v2 =	vadd.s32 $0x7FFF, v2;
	v1 =	vshrl.u32 v1, $0x10  }
0x22a: {  	v2 =	vand.u32 $0xFFFF0000, v2  }
0x22b: {  	v1 =	vor.u32 v1, v2  }
0x22c: {  	[tilespmem:s28+$0x12030] =	vst v1  }
0x22d: {  	v1 =	vld [tilespmem:s26+$0x0]  }
0x22e: {  	v2 =	vld [tilespmem:s26+$0x10];
	_ =	sdelay $0x3  }
0x22f: {  	v3 =	vshrl.u32 v1, $0x10  }
0x230: {  	v3 =	vand.u32 $0x1, v3;
	v4 =	vshrl.u32 v2, $0x10  }
0x231: {  	v1 =	vadd.s32 v3, v1;
	v3 =	vand.u32 $0x1, v4  }
0x232: {  	v1 =	vadd.s32 $0x7FFF, v1;
	v2 =	vadd.s32 v3, v2  }
0x233: {  	v2 =	vadd.s32 $0x7FFF, v2;
	v1 =	vshrl.u32 v1, $0x10  }
0x234: {  	v2 =	vand.u32 $0xFFFF0000, v2  }
0x235: {  	v1 =	vor.u32 v1, v2  }
0x236: {  	[tilespmem:s28+$0x12040] =	vst v1  }
0x237: {  	v1 =	vld [tilespmem:s26+$0x20]  }
0x238: {  	v2 =	vld [tilespmem:s26+$0x30];
	_ =	sdelay $0x3  }
0x239: {  	v3 =	vshrl.u32 v1, $0x10  }
0x23a: {  	v3 =	vand.u32 $0x1, v3;
	v4 =	vshrl.u32 v2, $0x10  }
0x23b: {  	v1 =	vadd.s32 v3, v1;
	v3 =	vand.u32 $0x1, v4  }
0x23c: {  	v1 =	vadd.s32 $0x7FFF, v1;
	v2 =	vadd.s32 v3, v2  }
0x23d: {  	v2 =	vadd.s32 $0x7FFF, v2;
	v1 =	vshrl.u32 v1, $0x10  }
0x23e: {  	v2 =	vand.u32 $0xFFFF0000, v2  }
0x23f: {  	v1 =	vor.u32 v1, v2  }
0x240: {  	[tilespmem:s28+$0x12050] =	vst v1  }
0x241: {  	v1 =	vld [tilespmem:s26+$0x40]  }
0x242: {  	v2 =	vld [tilespmem:s26+$0x50];
	_ =	sdelay $0x3  }
0x243: {  	v3 =	vshrl.u32 v1, $0x10  }
0x244: {  	v3 =	vand.u32 $0x1, v3;
	v4 =	vshrl.u32 v2, $0x10  }
0x245: {  	v1 =	vadd.s32 v3, v1;
	v3 =	vand.u32 $0x1, v4  }
0x246: {  	v1 =	vadd.s32 $0x7FFF, v1;
	v2 =	vadd.s32 v3, v2  }
0x247: {  	v2 =	vadd.s32 $0x7FFF, v2;
	v1 =	vshrl.u32 v1, $0x10  }
.Ltmp4:
0x248: {  	v2 =	vand.u32 $0xFFFF0000, v2;
	(pc) =	sbr.rel @p0 .LBB2_10-.Ltmp4, $4  }
0x249: {  	v1 =	vor.u32 v1, v2  }
0x24a: {  	[tilespmem:s28+$0x12060] =	vst v1  }
0x24b: {  	v2 =	vld [tilespmem:s26+$0x60]  }
0x24c: {  	v1 =	vld [tilespmem:s26+$0x70]  }
0x24d: {  	_ =	sdelay $0x3  }
0x24e: {  	v3 =	vshrl.u32 v2, $0x10;
	v4 =	vshrl.u32 v1, $0x10  }
0x24f: {  	v3 =	vand.u32 $0x1, v3;
	v4 =	vand.u32 $0x1, v4  }
0x250: {  	v2 =	vadd.s32 v3, v2;
	v1 =	vadd.s32 v4, v1  }
0x251: {  	v2 =	vadd.s32 $0x7FFF, v2;
	v1 =	vadd.s32 $0x7FFF, v1  }
0x252: {  	s25 =	sadd.s32 $0x1, s25;
	v2 =	vshrl.u32 v2, $0x10;
	v1 =	vand.u32 $0xFFFF0000, v1  }
0x253: {  	p0 =	sne.s32 s25, s13;
	v1 =	vor.u32 v2, v1  }
.Ltmp5:
0x254: {  	[tilespmem:s28+$0x12070] =	vst v1;
	(pc) =	sbr.rel @p0 .LBB2_1-.Ltmp5, $4  }
0x255: {  	[hbm4b:s12+s3] =	stream.linear.scatter [tilespmem:s24], [sflag:$0x3], $0x1000, $0x38;
	[tilespmem:$0x1E400] =	vst v63  }
0x256: {  	_ =	swait.ge [sflag:s14], $0x1000  }
0x257: {  	[sflag:s14] =	ssyncset.done $0x0  }
0x258: {  	[sflag:s14] =	ssyncadd.s32 $0xFFFFF000  }
0x259: {  	_ =	sfence.sel $0x180000  }
0x25a: {  	[bflag:$0x0] =	sbarrier.arrive $0xFFFF  }
0x25b: {  	p0 =	sne.s32 s0, $0x0;
	_ =	strace $0x9000004A  }
0x25c: {  	s0 =	sadd.s32 @!p0 $0x100000, s1;
	[bflag:$0x2] =	sbarrier.arrive $0xFFFF  }
0x25d: {  	[sflag:s0] =	ssyncadd.tile.s32 @!p0 $0x1;
	_ =	shalt  }
.Lfunc_end2:
_tile_overlayer_lowered:
.L_overlay_start_2:
0x25e: {  	(tag) =	ssettag $0x2  }
0x25f: {  	s0 =	rddreg [dreg:$0x0];
	s2 =	stileid.u32  }
0x260: {  	s1 =	rddreg [dreg:$0x1];
	p0 =	sne.s32 s2, $0x0  }
0x261: {  	s3 =	rddreg [dreg:$0x2];
	[bflag:$0x3] =	sbarrier.arrive $0xFFFF;
	s2 =	simm.s32 @!p0 $0x1C03  }
0x262: {  	[timem:s3], [sflag:s2] =	dma.local @!p0 [hbm:s0], s1  }
0x263: {  	s0 =	simm.s32 @!p0 $0x3  }
0x264: {  	_ =	swait.ge @!p0 [sflag:s0], s1  }
0x265: {  	s1 =	ssub.s32 @!p0 $0x0, s1;
	[sflag:s0] =	ssyncset.done @!p0 $0x0  }
0x266: {  	[sflag:s0] =	ssyncadd.s32 @!p0 s1  }
0x267: {  	[bflag:$0x3] =	sbarrier.arrive $0xFFFF  }
0x268: {  	_ =	shalt  }

</sc_bundles>
